<compile_context>
chip_gen: v7x
topology: tpu7x:2x2x1
jax: 0.10.2.dev20260603
libtpu: 0.0.44.dev20260713+nightly
codegen_flags: <defaults>
</compile_context>

<pallas_src>
import functools

import jax
import jax.numpy as jnp
from jax import lax
from jax.experimental import pallas as pl
from jax.experimental.pallas import tpu as pltpu
from jax.experimental.pallas import tpu_sc as plsc

N_NODES = 10000
N_PAD = 10240
N_EDGES = 320000
IN_FEATS = 128
HIDDEN = 64

NC = 2
NS = 16
NW = NC * NS
LANES = 128
R_SC = 2
CHUNK = R_SC * LANES
N_CHUNKS = N_EDGES // CHUNK
BASE_CNT = N_CHUNKS // NW
REM = N_CHUNKS % NW
MAX_CNT = BASE_CNT + 1
ROWS_PER_TILE = N_PAD // NS
ZROWS = 40

ROW_BLK = 1024
W1 = HIDDEN + 16

_P = jax.lax.Precision.HIGHEST


def _dot(a, b):
    return jax.lax.dot_general(a, b, (((1,), (0,)), ((), ())),
                               preferred_element_type=jnp.float32,
                               precision=_P)


def _stage1_body(feats_ref, wcat_ref, y_ref, z_ref):
    acc = _dot(feats_ref[...], wcat_ref[...])
    ones = jnp.ones((ROW_BLK, W1 - HIDDEN), jnp.float32)
    y_ref[...] = jnp.concatenate([acc[:, :HIDDEN], ones], axis=1)
    z_ref[...] = acc[:, HIDDEN:]


def _stage1(feats, wcat):
    return pl.pallas_call(
        _stage1_body,
        grid=(N_PAD // ROW_BLK,),
        in_specs=[
            pl.BlockSpec((ROW_BLK, IN_FEATS), lambda i: (i, 0)),
            pl.BlockSpec((IN_FEATS, 2 * HIDDEN), lambda i: (0, 0)),
        ],
        out_specs=[
            pl.BlockSpec((ROW_BLK, W1), lambda i: (i, 0)),
            pl.BlockSpec((ROW_BLK, HIDDEN), lambda i: (i, 0)),
        ],
        out_shape=[
            jax.ShapeDtypeStruct((N_PAD, W1), jnp.float32),
            jax.ShapeDtypeStruct((N_PAD, HIDDEN), jnp.float32),
        ],
    )(feats, wcat)


def _stage2_body(z1_ref, agg_ref, b1_ref, wn2_ref, ws2_ref,
                 y2_ref, z2_ref, deg_ref):
    a = agg_ref[0] + agg_ref[1]
    deg = jnp.maximum(a[:, HIDDEN:HIDDEN + 1], 1.0)
    mean = a[:, :HIDDEN] / deg
    h1 = jnp.maximum(z1_ref[...] + mean + b1_ref[...], 0.0)
    y2_ref[...] = _dot(h1, wn2_ref[...])
    z2_ref[...] = _dot(h1, ws2_ref[...])
    deg_ref[...] = jnp.broadcast_to(deg, (ROW_BLK, 8))


def _stage2(z1, agg1, b1, wn2, ws2):
    return pl.pallas_call(
        _stage2_body,
        grid=(N_PAD // ROW_BLK,),
        in_specs=[
            pl.BlockSpec((ROW_BLK, HIDDEN), lambda i: (i, 0)),
            pl.BlockSpec((NC, ROW_BLK, W1), lambda i: (0, i, 0)),
            pl.BlockSpec((1, HIDDEN), lambda i: (0, 0)),
            pl.BlockSpec((HIDDEN, HIDDEN), lambda i: (0, 0)),
            pl.BlockSpec((HIDDEN, HIDDEN), lambda i: (0, 0)),
        ],
        out_specs=[
            pl.BlockSpec((ROW_BLK, HIDDEN), lambda i: (i, 0)),
            pl.BlockSpec((ROW_BLK, HIDDEN), lambda i: (i, 0)),
            pl.BlockSpec((ROW_BLK, 8), lambda i: (i, 0)),
        ],
        out_shape=[
            jax.ShapeDtypeStruct((N_PAD, HIDDEN), jnp.float32),
            jax.ShapeDtypeStruct((N_PAD, HIDDEN), jnp.float32),
            jax.ShapeDtypeStruct((N_PAD, 8), jnp.float32),
        ],
    )(z1, agg1, b1, wn2, ws2)


def _stage3_body(z2_ref, agg_ref, deg_ref, b2_ref, wout_ref, bout_ref, o_ref):
    a = agg_ref[0] + agg_ref[1]
    mean = a / deg_ref[:, 0:1]
    h2 = jnp.maximum(z2_ref[...] + mean + b2_ref[...], 0.0)
    o_ref[...] = _dot(h2, wout_ref[...]) + bout_ref[...]


def _stage3(z2, agg2, deg, b2, wout_p, bout_p):
    return pl.pallas_call(
        _stage3_body,
        grid=(N_PAD // ROW_BLK,),
        in_specs=[
            pl.BlockSpec((ROW_BLK, HIDDEN), lambda i: (i, 0)),
            pl.BlockSpec((NC, ROW_BLK, HIDDEN), lambda i: (0, i, 0)),
            pl.BlockSpec((ROW_BLK, 8), lambda i: (i, 0)),
            pl.BlockSpec((1, HIDDEN), lambda i: (0, 0)),
            pl.BlockSpec((HIDDEN, 8), lambda i: (0, 0)),
            pl.BlockSpec((1, 8), lambda i: (0, 0)),
        ],
        out_specs=pl.BlockSpec((ROW_BLK, 8), lambda i: (i, 0)),
        out_shape=jax.ShapeDtypeStruct((N_PAD, 8), jnp.float32),
    )(z2, agg2, deg, b2, wout_p, bout_p)


def _make_scatter(width, r_sc):
    mesh = plsc.VectorSubcoreMesh(core_axis_name="c", subcore_axis_name="s")
    chunk = r_sc * LANES
    n_chunks = N_EDGES // chunk
    base_cnt = n_chunks // NW
    rem = n_chunks % NW
    max_cnt = base_cnt + (1 if rem else 0)

    @functools.partial(
        pl.kernel,
        out_type=jax.ShapeDtypeStruct((NC, N_PAD, width), jnp.float32),
        mesh=mesh,
        scratch_types=[
            pltpu.VMEM((2 * chunk,), jnp.int32),
            pltpu.VMEM((2, r_sc, LANES), jnp.int32),
            pltpu.VMEM((2 * chunk, width), jnp.float32),
            pltpu.VMEM((ZROWS, width), jnp.float32),
            pltpu.VMEM_SHARED((N_PAD, width), jnp.float32),
            pltpu.SemaphoreType.DMA,
            pltpu.SemaphoreType.DMA,
        ],
        compiler_params=pltpu.CompilerParams(use_tc_tiling_on_sc=False),
    )
    def scat(y_hbm, src_hbm, dst_hbm, out_hbm, sbuf, dbuf, rows, zbuf,
             agg_sh, sem0, sem1):
        cid = lax.axis_index("c")
        sid = lax.axis_index("s")
        gwid = sid * NC + cid
        nlanes = width // 16
        sems = (sem0, sem1)

        cnt = base_cnt + (gwid < rem).astype(jnp.int32)

        def fill(c, b):
            q = gwid + NW * c
            pltpu.sync_copy(src_hbm.at[q], sbuf.at[pl.ds(b * chunk, chunk)])
            pltpu.sync_copy(dst_hbm.at[q], dbuf.at[b])
            for j in range(r_sc):
                pltpu.async_copy(
                    y_hbm.at[sbuf.at[pl.ds(b * chunk + j * LANES, LANES)]],
                    rows.at[pl.ds((b * r_sc + j) * LANES, LANES)], sems[b])

        def drain(c, b):
            for j in range(r_sc):
                pltpu.make_async_copy(
                    y_hbm.at[sbuf.at[pl.ds(b * chunk + j * LANES, LANES)]],
                    rows.at[pl.ds((b * r_sc + j) * LANES, LANES)],
                    sems[b]).wait()
            for j in range(r_sc):
                pltpu.sync_copy(rows.at[pl.ds((b * r_sc + j) * LANES, LANES)],
                                agg_sh.at[dbuf.at[b].at[j]], add=True)

        fill(0, 0)
        fill(1, 1)

        def zrow(i, carry):
            for l in range(nlanes):
                zbuf[i, pl.ds(l * 16, 16)] = jnp.zeros((16,), jnp.float32)
            return carry

        lax.fori_loop(0, ZROWS, zrow, 0)

        def zcopy(k, carry):
            pltpu.sync_copy(
                zbuf, agg_sh.at[pl.ds(sid * ROWS_PER_TILE + k * ZROWS, ZROWS)])
            return carry

        lax.fori_loop(0, ROWS_PER_TILE // ZROWS, zcopy, 0)
        plsc.subcore_barrier()

        def body(k, carry):
            for b in range(2):
                c = 2 * k + b

                @pl.when(c < cnt)
                def _():
                    drain(c, b)

                    @pl.when(c + 2 < cnt)
                    def _():
                        fill(c + 2, b)

            return carry

        lax.fori_loop(0, (max_cnt + 1) // 2, body, 0)
        plsc.subcore_barrier()
        pltpu.sync_copy(
            agg_sh.at[pl.ds(sid * ROWS_PER_TILE, ROWS_PER_TILE)],
            out_hbm.at[cid, pl.ds(sid * ROWS_PER_TILE, ROWS_PER_TILE)])

    return scat


_scatter_w1 = _make_scatter(W1, R_SC)
_scatter_h = _make_scatter(HIDDEN, 2 * R_SC)


def kernel(feats, edge_index, W_self1, W_neigh1, b1, W_self2, W_neigh2, b2,
           W_out, b_out):
    srcf = edge_index[0].astype(jnp.int32)
    dstf = edge_index[1].astype(jnp.int32)
    src = srcf.reshape(N_CHUNKS, CHUNK)
    dst = dstf.reshape(N_CHUNKS, R_SC, LANES)
    src2 = srcf.reshape(N_CHUNKS // 2, 2 * CHUNK)
    dst2 = dstf.reshape(N_CHUNKS // 2, 2 * R_SC, LANES)
    wcat1 = jnp.concatenate([W_neigh1, W_self1], axis=1)

    y1, z1 = _stage1(feats, wcat1)
    agg1 = _scatter_w1(y1, src, dst)
    y2, z2, deg = _stage2(z1, agg1, b1.reshape(1, HIDDEN), W_neigh2, W_self2)
    agg2 = _scatter_h(y2, src2, dst2)

    wout_p = jnp.pad(W_out, ((0, 0), (0, 8 - W_out.shape[1])))
    bout_p = jnp.pad(b_out, (0, 8 - b_out.shape[0])).reshape(1, 8)
    out = _stage3(z2, agg2, deg, b2.reshape(1, HIDDEN), wout_p, bout_p)
    return out[:N_NODES, :W_out.shape[1]]

# --- scband reference (transcript-rebuilt; emitter-appended) ---
"""Pipeline reference for scband-pets-graph-sage-11905649344801 (READ-ONLY COPY).

The authoritative reference and input builder live on the scoring server;
editing this copy changes nothing except your own understanding.
"""

import jax, jax.numpy as jnp
import numpy as np

N_NODES = 10000
N_EDGES = 320000
IN_FEATS = 128
HIDDEN = 64
NUM_CLASSES = 2


def setup_inputs(seed: int = 0) -> dict:
    key = jax.random.key(seed)
    ks = jax.random.split(key, 12)
    feats = jax.random.normal(ks[0], (N_NODES, IN_FEATS), dtype=jnp.float32)
    edge_index = jax.random.randint(ks[1], (2, N_EDGES), 0, N_NODES, dtype=jnp.int64)
    def glorot(k, fan_in, fan_out):
        lim = jnp.sqrt(6.0 / (fan_in + fan_out))
        return jax.random.uniform(k, (fan_in, fan_out), dtype=jnp.float32, minval=-lim, maxval=lim)
    W_self1 = glorot(ks[2], IN_FEATS, HIDDEN)
    W_neigh1 = glorot(ks[3], IN_FEATS, HIDDEN)
    b1 = jnp.zeros((HIDDEN,), dtype=jnp.float32)
    W_self2 = glorot(ks[4], HIDDEN, HIDDEN)
    W_neigh2 = glorot(ks[5], HIDDEN, HIDDEN)
    b2 = jnp.zeros((HIDDEN,), dtype=jnp.float32)
    W_out = glorot(ks[6], HIDDEN, NUM_CLASSES)
    b_out = jnp.zeros((NUM_CLASSES,), dtype=jnp.float32)
    return {
        "feats": feats,
        "edge_index": edge_index,
        "W_self1": W_self1,
        "W_neigh1": W_neigh1,
        "b1": b1,
        "W_self2": W_self2,
        "W_neigh2": W_neigh2,
        "b2": b2,
        "W_out": W_out,
        "b_out": b_out,
    }


def _sage_conv(h, src, dst, W_self, W_neigh, b, num_nodes):
    # DGL SAGEConv with aggregator_type='mean':
    # h_neigh = mean_{u in N(v)} h_u ; out = fc_self(h_v) + fc_neigh(h_neigh) + bias
    msgs = jnp.take(h, src, axis=0)
    agg = jax.ops.segment_sum(msgs, dst, num_segments=num_nodes)
    deg = jax.ops.segment_sum(jnp.ones((src.shape[0],), dtype=h.dtype), dst, num_segments=num_nodes)
    mean_neigh = agg / jnp.clip(deg, 1.0, None)[:, None]
    return h @ W_self + mean_neigh @ W_neigh + b


def reference(feats, edge_index, W_self1, W_neigh1, b1, W_self2, W_neigh2, b2, W_out, b_out):
    src = edge_index[0]
    dst = edge_index[1]
    n = feats.shape[0]
    h = _sage_conv(feats, src, dst, W_self1, W_neigh1, b1, n)
    h = jax.nn.relu(h)
    # dropout p=0.0 -> identity
    h = _sage_conv(h, src, dst, W_self2, W_neigh2, b2, n)
    h = jax.nn.relu(h)
    logits = h @ W_out + b_out
    return logits

if __name__ == "__main__":
    import jax
    _d = setup_inputs()
    print(jax.jit(kernel)(*tuple(_d.values())))

</pallas_src>

<mosaic_0001>
#map = affine_map<(d0, d1) -> (0, 0)>
#map1 = affine_map<(d0, d1) -> (0, 0, 0)>
module attributes {stable_mosaic.version = 14 : i64} {
  func.func @scat(%arg0: i32, %arg1: i32, %arg2: memref<10240x80xf32, #tpu.memory_space<hbm>>, %arg3: memref<1250x256xi32, #tpu.memory_space<hbm>>, %arg4: memref<1250x2x128xi32, #tpu.memory_space<hbm>>, %arg5: memref<2x10240x80xf32, #tpu.memory_space<hbm>>, %arg6: memref<512xi32, #tpu.memory_space<vmem>>, %arg7: memref<2x2x128xi32, #tpu.memory_space<vmem>>, %arg8: memref<512x80xf32, #tpu.memory_space<vmem>>, %arg9: memref<40x80xf32, #tpu.memory_space<vmem>>, %arg10: memref<10240x80xf32, #tpu.memory_space<vmem_shared>>, %arg11: memref<!tpu.dma_semaphore, #tpu.memory_space<semaphore_mem>>, %arg12: memref<!tpu.dma_semaphore, #tpu.memory_space<semaphore_mem>>) attributes {dimension_semantics = [#tpu.dimension_semantics<core_parallel>, #tpu.dimension_semantics<subcore_parallel>], iteration_bounds = array<i64: 2, 16>, scalar_prefetch = 0 : i64, scratch_operands = 7 : i64, tpu.core_type = #tpu.core_type<sc_vector_subcore>, window_params = [{transform_indices = #map}, {transform_indices = #map}, {transform_indices = #map1}, {transform_indices = #map1}]} {
    %mul3A = arith.constant 2 : i32
    %mul3A_0 = arith.muli %arg1, %mul3A : i32
    %add3A = arith.addi %mul3A_0, %arg0 : i32
    %lt3A = arith.constant 2 : i32
    %lt3A_1 = arith.cmpi slt, %add3A, %lt3A : i32
    %convert_element_type3A = arith.extui %lt3A_1 : i1 to i32
    %add3A_2 = arith.constant 39 : i32
    %add3A_3 = arith.addi %add3A_2, %convert_element_type3A : i32
    %add3A_4 = arith.constant 0 : i32
    %add3A_5 = arith.addi %add3A, %add3A_4 : i32
    "tpu.region"() ({
      %run_scoped3A_62 = tpu.sem_alloc : memref<!tpu.dma_semaphore, #tpu.memory_space<semaphore_mem>>
      %dma_start3A_63 = arith.constant 0 : i32
      %dma_start3A_64 = tpu.memref_slice %arg6[%dma_start3A_63] : memref<512xi32, #tpu.memory_space<vmem>> -> memref<256xi32, #tpu.memory_space<vmem>>
      %dma_start3A_65 = arith.constant 0 : i32
      %dma_start3A_66 = tpu.memref_slice %arg3[%add3A_5, %dma_start3A_65] : memref<1250x256xi32, #tpu.memory_space<hbm>> -> memref<1x256xi32, #tpu.memory_space<hbm>>
      %dma_start3A_67 = tpu.memref_squeeze %dma_start3A_66 : memref<1x256xi32, #tpu.memory_space<hbm>> -> memref<256xi32, #tpu.memory_space<hbm>>
      %dma_start3A_68 = arith.constant 0 : i32
      %dma_start3A_69 = tpu.memref_slice %arg6[%dma_start3A_68] : memref<512xi32, #tpu.memory_space<vmem>> -> memref<256xi32, #tpu.memory_space<vmem>>
      %dma_start3A_70 = arith.constant 0 : i32
      %dma_start3A_71 = tpu.memref_slice %arg3[%add3A_5, %dma_start3A_70] : memref<1250x256xi32, #tpu.memory_space<hbm>> -> memref<1x256xi32, #tpu.memory_space<hbm>>
      %dma_start3A_72 = tpu.memref_squeeze %dma_start3A_71 : memref<1x256xi32, #tpu.memory_space<hbm>> -> memref<256xi32, #tpu.memory_space<hbm>>
      tpu.enqueue_dma source(%dma_start3A_72 : memref<256xi32, #tpu.memory_space<hbm>>) target(%dma_start3A_69 : memref<256xi32, #tpu.memory_space<vmem>>) target_semaphore(%run_scoped3A_62 : memref<!tpu.dma_semaphore, #tpu.memory_space<semaphore_mem>>)
      %dma_wait3A = arith.constant 0 : i32
      %dma_wait3A_73 = tpu.memref_slice %arg6[%dma_wait3A] : memref<512xi32, #tpu.memory_space<vmem>> -> memref<256xi32, #tpu.memory_space<vmem>>
      %dma_wait3A_74 = arith.constant 0 : i32
      %dma_wait3A_75 = tpu.memref_slice %arg3[%add3A_5, %dma_wait3A_74] : memref<1250x256xi32, #tpu.memory_space<hbm>> -> memref<1x256xi32, #tpu.memory_space<hbm>>
      %dma_wait3A_76 = tpu.memref_squeeze %dma_wait3A_75 : memref<1x256xi32, #tpu.memory_space<hbm>> -> memref<256xi32, #tpu.memory_space<hbm>>
      %dma_wait3A_77 = arith.constant 0 : i32
      %dma_wait3A_78 = tpu.memref_slice %arg6[%dma_wait3A_77] : memref<512xi32, #tpu.memory_space<vmem>> -> memref<256xi32, #tpu.memory_space<vmem>>
      %dma_wait3A_79 = arith.constant 0 : i32
      %dma_wait3A_80 = tpu.memref_slice %arg3[%add3A_5, %dma_wait3A_79] : memref<1250x256xi32, #tpu.memory_space<hbm>> -> memref<1x256xi32, #tpu.memory_space<hbm>>
      %dma_wait3A_81 = tpu.memref_squeeze %dma_wait3A_80 : memref<1x256xi32, #tpu.memory_space<hbm>> -> memref<256xi32, #tpu.memory_space<hbm>>
      tpu.wait_dma2 semaphore(%run_scoped3A_62 : memref<!tpu.dma_semaphore, #tpu.memory_space<semaphore_mem>>) src(%dma_wait3A_81 : memref<256xi32, #tpu.memory_space<hbm>>) dst(%dma_wait3A_78 : memref<256xi32, #tpu.memory_space<vmem>>)
      tpu.yield
    }) : () -> ()
    %run_scoped3A = arith.constant 0 : i32
    "tpu.region"() ({
      %run_scoped3A_62 = tpu.sem_alloc : memref<!tpu.dma_semaphore, #tpu.memory_space<semaphore_mem>>
      %dma_start3A_63 = arith.constant 0 : i32
      %dma_start3A_64 = arith.constant 0 : i32
      %dma_start3A_65 = tpu.memref_slice %arg7[%run_scoped3A, %dma_start3A_63, %dma_start3A_64] : memref<2x2x128xi32, #tpu.memory_space<vmem>> -> memref<1x2x128xi32, #tpu.memory_space<vmem>>
      %dma_start3A_66 = tpu.memref_squeeze %dma_start3A_65 : memref<1x2x128xi32, #tpu.memory_space<vmem>> -> memref<2x128xi32, #tpu.memory_space<vmem>>
      %dma_start3A_67 = arith.constant 0 : i32
      %dma_start3A_68 = arith.constant 0 : i32
      %dma_start3A_69 = tpu.memref_slice %arg4[%add3A_5, %dma_start3A_67, %dma_start3A_68] : memref<1250x2x128xi32, #tpu.memory_space<hbm>> -> memref<1x2x128xi32, #tpu.memory_space<hbm>>
      %dma_start3A_70 = tpu.memref_squeeze %dma_start3A_69 : memref<1x2x128xi32, #tpu.memory_space<hbm>> -> memref<2x128xi32, #tpu.memory_space<hbm>>
      %dma_start3A_71 = arith.constant 0 : i32
      %dma_start3A_72 = arith.constant 0 : i32
      %dma_start3A_73 = tpu.memref_slice %arg7[%run_scoped3A, %dma_start3A_71, %dma_start3A_72] : memref<2x2x128xi32, #tpu.memory_space<vmem>> -> memref<1x2x128xi32, #tpu.memory_space<vmem>>
      %dma_start3A_74 = tpu.memref_squeeze %dma_start3A_73 : memref<1x2x128xi32, #tpu.memory_space<vmem>> -> memref<2x128xi32, #tpu.memory_space<vmem>>
      %dma_start3A_75 = arith.constant 0 : i32
      %dma_start3A_76 = arith.constant 0 : i32
      %dma_start3A_77 = tpu.memref_slice %arg4[%add3A_5, %dma_start3A_75, %dma_start3A_76] : memref<1250x2x128xi32, #tpu.memory_space<hbm>> -> memref<1x2x128xi32, #tpu.memory_space<hbm>>
      %dma_start3A_78 = tpu.memref_squeeze %dma_start3A_77 : memref<1x2x128xi32, #tpu.memory_space<hbm>> -> memref<2x128xi32, #tpu.memory_space<hbm>>
      tpu.enqueue_dma source(%dma_start3A_78 : memref<2x128xi32, #tpu.memory_space<hbm>>) target(%dma_start3A_74 : memref<2x128xi32, #tpu.memory_space<vmem>>) target_semaphore(%run_scoped3A_62 : memref<!tpu.dma_semaphore, #tpu.memory_space<semaphore_mem>>)
      %dma_wait3A = arith.constant 0 : i32
      %dma_wait3A_79 = arith.constant 0 : i32
      %dma_wait3A_80 = tpu.memref_slice %arg7[%run_scoped3A, %dma_wait3A, %dma_wait3A_79] : memref<2x2x128xi32, #tpu.memory_space<vmem>> -> memref<1x2x128xi32, #tpu.memory_space<vmem>>
      %dma_wait3A_81 = tpu.memref_squeeze %dma_wait3A_80 : memref<1x2x128xi32, #tpu.memory_space<vmem>> -> memref<2x128xi32, #tpu.memory_space<vmem>>
      %dma_wait3A_82 = arith.constant 0 : i32
      %dma_wait3A_83 = arith.constant 0 : i32
      %dma_wait3A_84 = tpu.memref_slice %arg4[%add3A_5, %dma_wait3A_82, %dma_wait3A_83] : memref<1250x2x128xi32, #tpu.memory_space<hbm>> -> memref<1x2x128xi32, #tpu.memory_space<hbm>>
      %dma_wait3A_85 = tpu.memref_squeeze %dma_wait3A_84 : memref<1x2x128xi32, #tpu.memory_space<hbm>> -> memref<2x128xi32, #tpu.memory_space<hbm>>
      %dma_wait3A_86 = arith.constant 0 : i32
      %dma_wait3A_87 = arith.constant 0 : i32
      %dma_wait3A_88 = tpu.memref_slice %arg7[%run_scoped3A, %dma_wait3A_86, %dma_wait3A_87] : memref<2x2x128xi32, #tpu.memory_space<vmem>> -> memref<1x2x128xi32, #tpu.memory_space<vmem>>
      %dma_wait3A_89 = tpu.memref_squeeze %dma_wait3A_88 : memref<1x2x128xi32, #tpu.memory_space<vmem>> -> memref<2x128xi32, #tpu.memory_space<vmem>>
      %dma_wait3A_90 = arith.constant 0 : i32
      %dma_wait3A_91 = arith.constant 0 : i32
      %dma_wait3A_92 = tpu.memref_slice %arg4[%add3A_5, %dma_wait3A_90, %dma_wait3A_91] : memref<1250x2x128xi32, #tpu.memory_space<hbm>> -> memref<1x2x128xi32, #tpu.memory_space<hbm>>
      %dma_wait3A_93 = tpu.memref_squeeze %dma_wait3A_92 : memref<1x2x128xi32, #tpu.memory_space<hbm>> -> memref<2x128xi32, #tpu.memory_space<hbm>>
      tpu.wait_dma2 semaphore(%run_scoped3A_62 : memref<!tpu.dma_semaphore, #tpu.memory_space<semaphore_mem>>) src(%dma_wait3A_93 : memref<2x128xi32, #tpu.memory_space<hbm>>) dst(%dma_wait3A_89 : memref<2x128xi32, #tpu.memory_space<vmem>>)
      tpu.yield
    }) : () -> ()
    %dma_start3A = arith.constant 0 : i32
    %dma_start3A_6 = arith.constant 0 : i32
    %dma_start3A_7 = tpu.memref_slice %arg8[%dma_start3A, %dma_start3A_6] : memref<512x80xf32, #tpu.memory_space<vmem>> -> memref<128x80xf32, #tpu.memory_space<vmem>>
    %dma_start3A_8 = arith.constant 0 : i32
    %dma_start3A_9 = tpu.memref_slice %arg6[%dma_start3A_8] : memref<512xi32, #tpu.memory_space<vmem>> -> memref<128xi32, #tpu.memory_space<vmem>>
    %dma_start3A_10 = arith.constant 0 : i32
    %dma_start3A_11 = arith.constant 0 : i32
    %dma_start3A_12 = tpu.memref_slice %arg2[%dma_start3A_10, %dma_start3A_11] : memref<10240x80xf32, #tpu.memory_space<hbm>> -> memref<10240x80xf32, #tpu.memory_space<hbm>>
    tpu.enqueue_indirect_dma source(%dma_start3A_12 : memref<10240x80xf32, #tpu.memory_space<hbm>>) target(%dma_start3A_7 : memref<128x80xf32, #tpu.memory_space<vmem>>) offsets(%dma_start3A_9 : memref<128xi32, #tpu.memory_space<vmem>>) semaphore(%arg11 : memref<!tpu.dma_semaphore, #tpu.memory_space<semaphore_mem>>)
    %dma_start3A_13 = arith.constant 128 : i32
    %dma_start3A_14 = arith.constant 0 : i32
    %dma_start3A_15 = tpu.memref_slice %arg8[%dma_start3A_13, %dma_start3A_14] : memref<512x80xf32, #tpu.memory_space<vmem>> -> memref<128x80xf32, #tpu.memory_space<vmem>>
    %dma_start3A_16 = arith.constant 128 : i32
    %dma_start3A_17 = tpu.memref_slice %arg6[%dma_start3A_16] : memref<512xi32, #tpu.memory_space<vmem>> -> memref<128xi32, #tpu.memory_space<vmem>>
    %dma_start3A_18 = arith.constant 0 : i32
    %dma_start3A_19 = arith.constant 0 : i32
    %dma_start3A_20 = tpu.memref_slice %arg2[%dma_start3A_18, %dma_start3A_19] : memref<10240x80xf32, #tpu.memory_space<hbm>> -> memref<10240x80xf32, #tpu.memory_space<hbm>>
    tpu.enqueue_indirect_dma source(%dma_start3A_20 : memref<10240x80xf32, #tpu.memory_space<hbm>>) target(%dma_start3A_15 : memref<128x80xf32, #tpu.memory_space<vmem>>) offsets(%dma_start3A_17 : memref<128xi32, #tpu.memory_space<vmem>>) semaphore(%arg11 : memref<!tpu.dma_semaphore, #tpu.memory_space<semaphore_mem>>)
    %add3A_21 = arith.constant 32 : i32
    %add3A_22 = arith.addi %add3A, %add3A_21 : i32
    "tpu.region"() ({
      %run_scoped3A_62 = tpu.sem_alloc : memref<!tpu.dma_semaphore, #tpu.memory_space<semaphore_mem>>
      %dma_start3A_63 = arith.constant 256 : i32
      %dma_start3A_64 = tpu.memref_slice %arg6[%dma_start3A_63] : memref<512xi32, #tpu.memory_space<vmem>> -> memref<256xi32, #tpu.memory_space<vmem>>
      %dma_start3A_65 = arith.constant 0 : i32
      %dma_start3A_66 = tpu.memref_slice %arg3[%add3A_22, %dma_start3A_65] : memref<1250x256xi32, #tpu.memory_space<hbm>> -> memref<1x256xi32, #tpu.memory_space<hbm>>
      %dma_start3A_67 = tpu.memref_squeeze %dma_start3A_66 : memref<1x256xi32, #tpu.memory_space<hbm>> -> memref<256xi32, #tpu.memory_space<hbm>>
      %dma_start3A_68 = arith.constant 256 : i32
      %dma_start3A_69 = tpu.memref_slice %arg6[%dma_start3A_68] : memref<512xi32, #tpu.memory_space<vmem>> -> memref<256xi32, #tpu.memory_space<vmem>>
      %dma_start3A_70 = arith.constant 0 : i32
      %dma_start3A_71 = tpu.memref_slice %arg3[%add3A_22, %dma_start3A_70] : memref<1250x256xi32, #tpu.memory_space<hbm>> -> memref<1x256xi32, #tpu.memory_space<hbm>>
      %dma_start3A_72 = tpu.memref_squeeze %dma_start3A_71 : memref<1x256xi32, #tpu.memory_space<hbm>> -> memref<256xi32, #tpu.memory_space<hbm>>
      tpu.enqueue_dma source(%dma_start3A_72 : memref<256xi32, #tpu.memory_space<hbm>>) target(%dma_start3A_69 : memref<256xi32, #tpu.memory_space<vmem>>) target_semaphore(%run_scoped3A_62 : memref<!tpu.dma_semaphore, #tpu.memory_space<semaphore_mem>>)
      %dma_wait3A = arith.constant 256 : i32
      %dma_wait3A_73 = tpu.memref_slice %arg6[%dma_wait3A] : memref<512xi32, #tpu.memory_space<vmem>> -> memref<256xi32, #tpu.memory_space<vmem>>
      %dma_wait3A_74 = arith.constant 0 : i32
      %dma_wait3A_75 = tpu.memref_slice %arg3[%add3A_22, %dma_wait3A_74] : memref<1250x256xi32, #tpu.memory_space<hbm>> -> memref<1x256xi32, #tpu.memory_space<hbm>>
      %dma_wait3A_76 = tpu.memref_squeeze %dma_wait3A_75 : memref<1x256xi32, #tpu.memory_space<hbm>> -> memref<256xi32, #tpu.memory_space<hbm>>
      %dma_wait3A_77 = arith.constant 256 : i32
      %dma_wait3A_78 = tpu.memref_slice %arg6[%dma_wait3A_77] : memref<512xi32, #tpu.memory_space<vmem>> -> memref<256xi32, #tpu.memory_space<vmem>>
      %dma_wait3A_79 = arith.constant 0 : i32
      %dma_wait3A_80 = tpu.memref_slice %arg3[%add3A_22, %dma_wait3A_79] : memref<1250x256xi32, #tpu.memory_space<hbm>> -> memref<1x256xi32, #tpu.memory_space<hbm>>
      %dma_wait3A_81 = tpu.memref_squeeze %dma_wait3A_80 : memref<1x256xi32, #tpu.memory_space<hbm>> -> memref<256xi32, #tpu.memory_space<hbm>>
      tpu.wait_dma2 semaphore(%run_scoped3A_62 : memref<!tpu.dma_semaphore, #tpu.memory_space<semaphore_mem>>) src(%dma_wait3A_81 : memref<256xi32, #tpu.memory_space<hbm>>) dst(%dma_wait3A_78 : memref<256xi32, #tpu.memory_space<vmem>>)
      tpu.yield
    }) : () -> ()
    %run_scoped3A_23 = arith.constant 1 : i32
    "tpu.region"() ({
      %run_scoped3A_62 = tpu.sem_alloc : memref<!tpu.dma_semaphore, #tpu.memory_space<semaphore_mem>>
      %dma_start3A_63 = arith.constant 0 : i32
      %dma_start3A_64 = arith.constant 0 : i32
      %dma_start3A_65 = tpu.memref_slice %arg7[%run_scoped3A_23, %dma_start3A_63, %dma_start3A_64] : memref<2x2x128xi32, #tpu.memory_space<vmem>> -> memref<1x2x128xi32, #tpu.memory_space<vmem>>
      %dma_start3A_66 = tpu.memref_squeeze %dma_start3A_65 : memref<1x2x128xi32, #tpu.memory_space<vmem>> -> memref<2x128xi32, #tpu.memory_space<vmem>>
      %dma_start3A_67 = arith.constant 0 : i32
      %dma_start3A_68 = arith.constant 0 : i32
      %dma_start3A_69 = tpu.memref_slice %arg4[%add3A_22, %dma_start3A_67, %dma_start3A_68] : memref<1250x2x128xi32, #tpu.memory_space<hbm>> -> memref<1x2x128xi32, #tpu.memory_space<hbm>>
      %dma_start3A_70 = tpu.memref_squeeze %dma_start3A_69 : memref<1x2x128xi32, #tpu.memory_space<hbm>> -> memref<2x128xi32, #tpu.memory_space<hbm>>
      %dma_start3A_71 = arith.constant 0 : i32
      %dma_start3A_72 = arith.constant 0 : i32
      %dma_start3A_73 = tpu.memref_slice %arg7[%run_scoped3A_23, %dma_start3A_71, %dma_start3A_72] : memref<2x2x128xi32, #tpu.memory_space<vmem>> -> memref<1x2x128xi32, #tpu.memory_space<vmem>>
      %dma_start3A_74 = tpu.memref_squeeze %dma_start3A_73 : memref<1x2x128xi32, #tpu.memory_space<vmem>> -> memref<2x128xi32, #tpu.memory_space<vmem>>
      %dma_start3A_75 = arith.constant 0 : i32
      %dma_start3A_76 = arith.constant 0 : i32
      %dma_start3A_77 = tpu.memref_slice %arg4[%add3A_22, %dma_start3A_75, %dma_start3A_76] : memref<1250x2x128xi32, #tpu.memory_space<hbm>> -> memref<1x2x128xi32, #tpu.memory_space<hbm>>
      %dma_start3A_78 = tpu.memref_squeeze %dma_start3A_77 : memref<1x2x128xi32, #tpu.memory_space<hbm>> -> memref<2x128xi32, #tpu.memory_space<hbm>>
      tpu.enqueue_dma source(%dma_start3A_78 : memref<2x128xi32, #tpu.memory_space<hbm>>) target(%dma_start3A_74 : memref<2x128xi32, #tpu.memory_space<vmem>>) target_semaphore(%run_scoped3A_62 : memref<!tpu.dma_semaphore, #tpu.memory_space<semaphore_mem>>)
      %dma_wait3A = arith.constant 0 : i32
      %dma_wait3A_79 = arith.constant 0 : i32
      %dma_wait3A_80 = tpu.memref_slice %arg7[%run_scoped3A_23, %dma_wait3A, %dma_wait3A_79] : memref<2x2x128xi32, #tpu.memory_space<vmem>> -> memref<1x2x128xi32, #tpu.memory_space<vmem>>
      %dma_wait3A_81 = tpu.memref_squeeze %dma_wait3A_80 : memref<1x2x128xi32, #tpu.memory_space<vmem>> -> memref<2x128xi32, #tpu.memory_space<vmem>>
      %dma_wait3A_82 = arith.constant 0 : i32
      %dma_wait3A_83 = arith.constant 0 : i32
      %dma_wait3A_84 = tpu.memref_slice %arg4[%add3A_22, %dma_wait3A_82, %dma_wait3A_83] : memref<1250x2x128xi32, #tpu.memory_space<hbm>> -> memref<1x2x128xi32, #tpu.memory_space<hbm>>
      %dma_wait3A_85 = tpu.memref_squeeze %dma_wait3A_84 : memref<1x2x128xi32, #tpu.memory_space<hbm>> -> memref<2x128xi32, #tpu.memory_space<hbm>>
      %dma_wait3A_86 = arith.constant 0 : i32
      %dma_wait3A_87 = arith.constant 0 : i32
      %dma_wait3A_88 = tpu.memref_slice %arg7[%run_scoped3A_23, %dma_wait3A_86, %dma_wait3A_87] : memref<2x2x128xi32, #tpu.memory_space<vmem>> -> memref<1x2x128xi32, #tpu.memory_space<vmem>>
      %dma_wait3A_89 = tpu.memref_squeeze %dma_wait3A_88 : memref<1x2x128xi32, #tpu.memory_space<vmem>> -> memref<2x128xi32, #tpu.memory_space<vmem>>
      %dma_wait3A_90 = arith.constant 0 : i32
      %dma_wait3A_91 = arith.constant 0 : i32
      %dma_wait3A_92 = tpu.memref_slice %arg4[%add3A_22, %dma_wait3A_90, %dma_wait3A_91] : memref<1250x2x128xi32, #tpu.memory_space<hbm>> -> memref<1x2x128xi32, #tpu.memory_space<hbm>>
      %dma_wait3A_93 = tpu.memref_squeeze %dma_wait3A_92 : memref<1x2x128xi32, #tpu.memory_space<hbm>> -> memref<2x128xi32, #tpu.memory_space<hbm>>
      tpu.wait_dma2 semaphore(%run_scoped3A_62 : memref<!tpu.dma_semaphore, #tpu.memory_space<semaphore_mem>>) src(%dma_wait3A_93 : memref<2x128xi32, #tpu.memory_space<hbm>>) dst(%dma_wait3A_89 : memref<2x128xi32, #tpu.memory_space<vmem>>)
      tpu.yield
    }) : () -> ()
    %dma_start3A_24 = arith.constant 256 : i32
    %dma_start3A_25 = arith.constant 0 : i32
    %dma_start3A_26 = tpu.memref_slice %arg8[%dma_start3A_24, %dma_start3A_25] : memref<512x80xf32, #tpu.memory_space<vmem>> -> memref<128x80xf32, #tpu.memory_space<vmem>>
    %dma_start3A_27 = arith.constant 256 : i32
    %dma_start3A_28 = tpu.memref_slice %arg6[%dma_start3A_27] : memref<512xi32, #tpu.memory_space<vmem>> -> memref<128xi32, #tpu.memory_space<vmem>>
    %dma_start3A_29 = arith.constant 0 : i32
    %dma_start3A_30 = arith.constant 0 : i32
    %dma_start3A_31 = tpu.memref_slice %arg2[%dma_start3A_29, %dma_start3A_30] : memref<10240x80xf32, #tpu.memory_space<hbm>> -> memref<10240x80xf32, #tpu.memory_space<hbm>>
    tpu.enqueue_indirect_dma source(%dma_start3A_31 : memref<10240x80xf32, #tpu.memory_space<hbm>>) target(%dma_start3A_26 : memref<128x80xf32, #tpu.memory_space<vmem>>) offsets(%dma_start3A_28 : memref<128xi32, #tpu.memory_space<vmem>>) semaphore(%arg12 : memref<!tpu.dma_semaphore, #tpu.memory_space<semaphore_mem>>)
    %dma_start3A_32 = arith.constant 384 : i32
    %dma_start3A_33 = arith.constant 0 : i32
    %dma_start3A_34 = tpu.memref_slice %arg8[%dma_start3A_32, %dma_start3A_33] : memref<512x80xf32, #tpu.memory_space<vmem>> -> memref<128x80xf32, #tpu.memory_space<vmem>>
    %dma_start3A_35 = arith.constant 384 : i32
    %dma_start3A_36 = tpu.memref_slice %arg6[%dma_start3A_35] : memref<512xi32, #tpu.memory_space<vmem>> -> memref<128xi32, #tpu.memory_space<vmem>>
    %dma_start3A_37 = arith.constant 0 : i32
    %dma_start3A_38 = arith.constant 0 : i32
    %dma_start3A_39 = tpu.memref_slice %arg2[%dma_start3A_37, %dma_start3A_38] : memref<10240x80xf32, #tpu.memory_space<hbm>> -> memref<10240x80xf32, #tpu.memory_space<hbm>>
    tpu.enqueue_indirect_dma source(%dma_start3A_39 : memref<10240x80xf32, #tpu.memory_space<hbm>>) target(%dma_start3A_34 : memref<128x80xf32, #tpu.memory_space<vmem>>) offsets(%dma_start3A_36 : memref<128xi32, #tpu.memory_space<vmem>>) semaphore(%arg12 : memref<!tpu.dma_semaphore, #tpu.memory_space<semaphore_mem>>)
    %scan3A = arith.constant 0 : i32
    %scan3A_40 = arith.constant 0 : i32
    %scan3A_41 = arith.constant 40 : i32
    %scan3A_42 = arith.addi %scan3A_40, %scan3A_41 : i32
    %scan3A_43 = arith.constant 1 : i32
    scf.for %scan3A_62 = %scan3A_40 to %scan3A_42 step %scan3A_43  : i32 {
      %broadcast_in_dim3A = arith.constant 0.000000e+00 : f32
      %broadcast_in_dim3A_63 = vector.broadcast %broadcast_in_dim3A : f32 to vector<16xf32>
      %swap3A = arith.index_cast %scan3A_62 : i32 to index
      %swap3A_64 = arith.constant 0 : index
      %swap3A_65 = tpu.vector_load %arg9[%swap3A, %swap3A_64] {strides = array<i32>} : memref<40x80xf32, #tpu.memory_space<vmem>>, vector<1x16xf32>,
      %swap3A_66 = vector.shape_cast %swap3A_65 : vector<1x16xf32> to vector<16xf32>
      %swap3A_67 = vector.shape_cast %broadcast_in_dim3A_63 : vector<16xf32> to vector<1x16xf32>
      tpu.vector_store %arg9[%swap3A, %swap3A_64], %swap3A_67 {strides = array<i32>} : memref<40x80xf32, #tpu.memory_space<vmem>>, vector<1x16xf32>,
      %broadcast_in_dim3A_68 = arith.constant 0.000000e+00 : f32
      %broadcast_in_dim3A_69 = vector.broadcast %broadcast_in_dim3A_68 : f32 to vector<16xf32>
      %swap3A_70 = arith.index_cast %scan3A_62 : i32 to index
      %swap3A_71 = arith.constant 16 : index
      %swap3A_72 = tpu.vector_load %arg9[%swap3A_70, %swap3A_71] {strides = array<i32>} : memref<40x80xf32, #tpu.memory_space<vmem>>, vector<1x16xf32>,
      %swap3A_73 = vector.shape_cast %swap3A_72 : vector<1x16xf32> to vector<16xf32>
      %swap3A_74 = vector.shape_cast %broadcast_in_dim3A_69 : vector<16xf32> to vector<1x16xf32>
      tpu.vector_store %arg9[%swap3A_70, %swap3A_71], %swap3A_74 {strides = array<i32>} : memref<40x80xf32, #tpu.memory_space<vmem>>, vector<1x16xf32>,
      %broadcast_in_dim3A_75 = arith.constant 0.000000e+00 : f32
      %broadcast_in_dim3A_76 = vector.broadcast %broadcast_in_dim3A_75 : f32 to vector<16xf32>
      %swap3A_77 = arith.index_cast %scan3A_62 : i32 to index
      %swap3A_78 = arith.constant 32 : index
      %swap3A_79 = tpu.vector_load %arg9[%swap3A_77, %swap3A_78] {strides = array<i32>} : memref<40x80xf32, #tpu.memory_space<vmem>>, vector<1x16xf32>,
      %swap3A_80 = vector.shape_cast %swap3A_79 : vector<1x16xf32> to vector<16xf32>
      %swap3A_81 = vector.shape_cast %broadcast_in_dim3A_76 : vector<16xf32> to vector<1x16xf32>
      tpu.vector_store %arg9[%swap3A_77, %swap3A_78], %swap3A_81 {strides = array<i32>} : memref<40x80xf32, #tpu.memory_space<vmem>>, vector<1x16xf32>,
      %broadcast_in_dim3A_82 = arith.constant 0.000000e+00 : f32
      %broadcast_in_dim3A_83 = vector.broadcast %broadcast_in_dim3A_82 : f32 to vector<16xf32>
      %swap3A_84 = arith.index_cast %scan3A_62 : i32 to index
      %swap3A_85 = arith.constant 48 : index
      %swap3A_86 = tpu.vector_load %arg9[%swap3A_84, %swap3A_85] {strides = array<i32>} : memref<40x80xf32, #tpu.memory_space<vmem>>, vector<1x16xf32>,
      %swap3A_87 = vector.shape_cast %swap3A_86 : vector<1x16xf32> to vector<16xf32>
      %swap3A_88 = vector.shape_cast %broadcast_in_dim3A_83 : vector<16xf32> to vector<1x16xf32>
      tpu.vector_store %arg9[%swap3A_84, %swap3A_85], %swap3A_88 {strides = array<i32>} : memref<40x80xf32, #tpu.memory_space<vmem>>, vector<1x16xf32>,
      %broadcast_in_dim3A_89 = arith.constant 0.000000e+00 : f32
      %broadcast_in_dim3A_90 = vector.broadcast %broadcast_in_dim3A_89 : f32 to vector<16xf32>
      %swap3A_91 = arith.index_cast %scan3A_62 : i32 to index
      %swap3A_92 = arith.constant 64 : index
      %swap3A_93 = tpu.vector_load %arg9[%swap3A_91, %swap3A_92] {strides = array<i32>} : memref<40x80xf32, #tpu.memory_space<vmem>>, vector<1x16xf32>,
      %swap3A_94 = vector.shape_cast %swap3A_93 : vector<1x16xf32> to vector<16xf32>
      %swap3A_95 = vector.shape_cast %broadcast_in_dim3A_90 : vector<16xf32> to vector<1x16xf32>
      tpu.vector_store %arg9[%swap3A_91, %swap3A_92], %swap3A_95 {strides = array<i32>} : memref<40x80xf32, #tpu.memory_space<vmem>>, vector<1x16xf32>,
    }
    %scan3A_44 = arith.constant 40 : i32
    %scan3A_45 = arith.constant 0 : i32
    %scan3A_46 = arith.constant 0 : i32
    %scan3A_47 = arith.constant 16 : i32
    %scan3A_48 = arith.addi %scan3A_46, %scan3A_47 : i32
    %scan3A_49 = arith.constant 1 : i32
    scf.for %scan3A_62 = %scan3A_46 to %scan3A_48 step %scan3A_49  : i32 {
      %mul3A_63 = arith.constant 640 : i32
      %mul3A_64 = arith.muli %arg1, %mul3A_63 : i32
      %mul3A_65 = arith.constant 40 : i32
      %mul3A_66 = arith.muli %scan3A_62, %mul3A_65 : i32
      %add3A_67 = arith.addi %mul3A_64, %mul3A_66 : i32
      "tpu.region"() ({
        %run_scoped3A_68 = tpu.sem_alloc : memref<!tpu.dma_semaphore, #tpu.memory_space<semaphore_mem>>
        %dma_start3A_69 = arith.constant 0 : i32
        %dma_start3A_70 = tpu.memref_slice %arg10[%add3A_67, %dma_start3A_69] : memref<10240x80xf32, #tpu.memory_space<vmem_shared>> -> memref<40x80xf32, #tpu.memory_space<vmem_shared>>
        %dma_start3A_71 = arith.constant 0 : i32
        %dma_start3A_72 = tpu.memref_slice %arg10[%add3A_67, %dma_start3A_71] : memref<10240x80xf32, #tpu.memory_space<vmem_shared>> -> memref<40x80xf32, #tpu.memory_space<vmem_shared>>
        tpu.enqueue_dma source(%arg9 : memref<40x80xf32, #tpu.memory_space<vmem>>) target(%dma_start3A_72 : memref<40x80xf32, #tpu.memory_space<vmem_shared>>) target_semaphore(%run_scoped3A_68 : memref<!tpu.dma_semaphore, #tpu.memory_space<semaphore_mem>>)
        %dma_wait3A = arith.constant 0 : i32
        %dma_wait3A_73 = tpu.memref_slice %arg10[%add3A_67, %dma_wait3A] : memref<10240x80xf32, #tpu.memory_space<vmem_shared>> -> memref<40x80xf32, #tpu.memory_space<vmem_shared>>
        %dma_wait3A_74 = arith.constant 0 : i32
        %dma_wait3A_75 = tpu.memref_slice %arg10[%add3A_67, %dma_wait3A_74] : memref<10240x80xf32, #tpu.memory_space<vmem_shared>> -> memref<40x80xf32, #tpu.memory_space<vmem_shared>>
        tpu.wait_dma2 semaphore(%run_scoped3A_68 : memref<!tpu.dma_semaphore, #tpu.memory_space<semaphore_mem>>) src(%arg9 : memref<40x80xf32, #tpu.memory_space<vmem>>) dst(%dma_wait3A_75 : memref<40x80xf32, #tpu.memory_space<vmem_shared>>)
        tpu.yield
      }) : () -> ()
    }
    %scan3A_50 = arith.constant 16 : i32
    %barrier3A = arith.constant 0 : index
    tpu.barrier barrier_id(%barrier3A)
    %scan3A_51 = arith.constant 0 : i32
    %scan3A_52 = arith.constant 0 : i32
    %scan3A_53 = arith.constant 20 : i32
    %scan3A_54 = arith.addi %scan3A_52, %scan3A_53 : i32
    %scan3A_55 = arith.constant 1 : i32
    scf.for %scan3A_62 = %scan3A_52 to %scan3A_54 step %scan3A_55  : i32 {
      %mul3A_63 = arith.constant 2 : i32
      %mul3A_64 = arith.muli %mul3A_63, %scan3A_62 : i32
      %add3A_65 = arith.constant 0 : i32
      %add3A_66 = arith.addi %mul3A_64, %add3A_65 : i32
      %lt3A_67 = arith.cmpi slt, %add3A_66, %add3A_3 : i32
      %convert_element_type3A_68 = arith.extui %lt3A_67 : i1 to i32
      %cond3A = arith.constant 0 : i32
      %cond3A_69 = arith.cmpi ne, %convert_element_type3A_68, %cond3A : i32
      scf.if %cond3A_69 {
        %dma_wait3A = arith.constant 0 : i32
        %dma_wait3A_78 = arith.constant 0 : i32
        %dma_wait3A_79 = tpu.memref_slice %arg8[%dma_wait3A, %dma_wait3A_78] : memref<512x80xf32, #tpu.memory_space<vmem>> -> memref<128x80xf32, #tpu.memory_space<vmem>>
        %dma_wait3A_80 = arith.constant 0 : i32
        %dma_wait3A_81 = tpu.memref_slice %arg6[%dma_wait3A_80] : memref<512xi32, #tpu.memory_space<vmem>> -> memref<128xi32, #tpu.memory_space<vmem>>
        %dma_wait3A_82 = arith.constant 0 : i32
        %dma_wait3A_83 = arith.constant 0 : i32
        %dma_wait3A_84 = tpu.memref_slice %arg2[%dma_wait3A_82, %dma_wait3A_83] : memref<10240x80xf32, #tpu.memory_space<hbm>> -> memref<10240x80xf32, #tpu.memory_space<hbm>>
        tpu.wait_indirect_dma semaphore(%arg11 : memref<!tpu.dma_semaphore, #tpu.memory_space<semaphore_mem>>) src(%dma_wait3A_84 : memref<10240x80xf32, #tpu.memory_space<hbm>>) dst(%dma_wait3A_79 : memref<128x80xf32, #tpu.memory_space<vmem>>)
        %dma_wait3A_85 = arith.constant 128 : i32
        %dma_wait3A_86 = arith.constant 0 : i32
        %dma_wait3A_87 = tpu.memref_slice %arg8[%dma_wait3A_85, %dma_wait3A_86] : memref<512x80xf32, #tpu.memory_space<vmem>> -> memref<128x80xf32, #tpu.memory_space<vmem>>
        %dma_wait3A_88 = arith.constant 128 : i32
        %dma_wait3A_89 = tpu.memref_slice %arg6[%dma_wait3A_88] : memref<512xi32, #tpu.memory_space<vmem>> -> memref<128xi32, #tpu.memory_space<vmem>>
        %dma_wait3A_90 = arith.constant 0 : i32
        %dma_wait3A_91 = arith.constant 0 : i32
        %dma_wait3A_92 = tpu.memref_slice %arg2[%dma_wait3A_90, %dma_wait3A_91] : memref<10240x80xf32, #tpu.memory_space<hbm>> -> memref<10240x80xf32, #tpu.memory_space<hbm>>
        tpu.wait_indirect_dma semaphore(%arg11 : memref<!tpu.dma_semaphore, #tpu.memory_space<semaphore_mem>>) src(%dma_wait3A_92 : memref<10240x80xf32, #tpu.memory_space<hbm>>) dst(%dma_wait3A_87 : memref<128x80xf32, #tpu.memory_space<vmem>>)
        %run_scoped3A_93 = arith.constant 0 : i32
        %run_scoped3A_94 = arith.constant 0 : i32
        "tpu.region"() ({
          %run_scoped3A_103 = tpu.sem_alloc : memref<!tpu.dma_semaphore, #tpu.memory_space<semaphore_mem>>
          %dma_start3A_104 = arith.constant 0 : i32
          %dma_start3A_105 = arith.constant 0 : i32
          %dma_start3A_106 = tpu.memref_slice %arg8[%dma_start3A_104, %dma_start3A_105] : memref<512x80xf32, #tpu.memory_space<vmem>> -> memref<128x80xf32, #tpu.memory_space<vmem>>
          %dma_start3A_107 = arith.constant 0 : i32
          %dma_start3A_108 = arith.constant 0 : i32
          %dma_start3A_109 = tpu.memref_slice %arg7[%run_scoped3A_93, %dma_start3A_107, %dma_start3A_108] : memref<2x2x128xi32, #tpu.memory_space<vmem>> -> memref<1x2x128xi32, #tpu.memory_space<vmem>>
          %dma_start3A_110 = tpu.memref_squeeze %dma_start3A_109 : memref<1x2x128xi32, #tpu.memory_space<vmem>> -> memref<2x128xi32, #tpu.memory_space<vmem>>
          %dma_start3A_111 = arith.constant 0 : i32
          %dma_start3A_112 = tpu.memref_slice %dma_start3A_110[%run_scoped3A_94, %dma_start3A_111] : memref<2x128xi32, #tpu.memory_space<vmem>> -> memref<1x128xi32, #tpu.memory_space<vmem>>
          %dma_start3A_113 = tpu.memref_squeeze %dma_start3A_112 : memref<1x128xi32, #tpu.memory_space<vmem>> -> memref<128xi32, #tpu.memory_space<vmem>>
          %dma_start3A_114 = arith.constant 0 : i32
          %dma_start3A_115 = arith.constant 0 : i32
          %dma_start3A_116 = tpu.memref_slice %arg10[%dma_start3A_114, %dma_start3A_115] : memref<10240x80xf32, #tpu.memory_space<vmem_shared>> -> memref<10240x80xf32, #tpu.memory_space<vmem_shared>>
          tpu.enqueue_indirect_dma source(%dma_start3A_106 : memref<128x80xf32, #tpu.memory_space<vmem>>) target(%dma_start3A_116 : memref<10240x80xf32, #tpu.memory_space<vmem_shared>>) offsets(%dma_start3A_113 : memref<128xi32, #tpu.memory_space<vmem>>) semaphore(%run_scoped3A_103 : memref<!tpu.dma_semaphore, #tpu.memory_space<semaphore_mem>>) {add = true}
          %dma_wait3A_117 = arith.constant 0 : i32
          %dma_wait3A_118 = arith.constant 0 : i32
          %dma_wait3A_119 = tpu.memref_slice %arg8[%dma_wait3A_117, %dma_wait3A_118] : memref<512x80xf32, #tpu.memory_space<vmem>> -> memref<128x80xf32, #tpu.memory_space<vmem>>
          %dma_wait3A_120 = arith.constant 0 : i32
          %dma_wait3A_121 = arith.constant 0 : i32
          %dma_wait3A_122 = tpu.memref_slice %arg7[%run_scoped3A_93, %dma_wait3A_120, %dma_wait3A_121] : memref<2x2x128xi32, #tpu.memory_space<vmem>> -> memref<1x2x128xi32, #tpu.memory_space<vmem>>
          %dma_wait3A_123 = tpu.memref_squeeze %dma_wait3A_122 : memref<1x2x128xi32, #tpu.memory_space<vmem>> -> memref<2x128xi32, #tpu.memory_space<vmem>>
          %dma_wait3A_124 = arith.constant 0 : i32
          %dma_wait3A_125 = tpu.memref_slice %dma_wait3A_123[%run_scoped3A_94, %dma_wait3A_124] : memref<2x128xi32, #tpu.memory_space<vmem>> -> memref<1x128xi32, #tpu.memory_space<vmem>>
          %dma_wait3A_126 = tpu.memref_squeeze %dma_wait3A_125 : memref<1x128xi32, #tpu.memory_space<vmem>> -> memref<128xi32, #tpu.memory_space<vmem>>
          %dma_wait3A_127 = arith.constant 0 : i32
          %dma_wait3A_128 = arith.constant 0 : i32
          %dma_wait3A_129 = tpu.memref_slice %arg10[%dma_wait3A_127, %dma_wait3A_128] : memref<10240x80xf32, #tpu.memory_space<vmem_shared>> -> memref<10240x80xf32, #tpu.memory_space<vmem_shared>>
          tpu.wait_indirect_dma semaphore(%run_scoped3A_103 : memref<!tpu.dma_semaphore, #tpu.memory_space<semaphore_mem>>) src(%dma_wait3A_119 : memref<128x80xf32, #tpu.memory_space<vmem>>) dst(%dma_wait3A_129 : memref<10240x80xf32, #tpu.memory_space<vmem_shared>>)
          tpu.yield
        }) : () -> ()
        %run_scoped3A_95 = arith.constant 0 : i32
        %run_scoped3A_96 = arith.constant 1 : i32
        "tpu.region"() ({
          %run_scoped3A_103 = tpu.sem_alloc : memref<!tpu.dma_semaphore, #tpu.memory_space<semaphore_mem>>
          %dma_start3A_104 = arith.constant 128 : i32
          %dma_start3A_105 = arith.constant 0 : i32
          %dma_start3A_106 = tpu.memref_slice %arg8[%dma_start3A_104, %dma_start3A_105] : memref<512x80xf32, #tpu.memory_space<vmem>> -> memref<128x80xf32, #tpu.memory_space<vmem>>
          %dma_start3A_107 = arith.constant 0 : i32
          %dma_start3A_108 = arith.constant 0 : i32
          %dma_start3A_109 = tpu.memref_slice %arg7[%run_scoped3A_95, %dma_start3A_107, %dma_start3A_108] : memref<2x2x128xi32, #tpu.memory_space<vmem>> -> memref<1x2x128xi32, #tpu.memory_space<vmem>>
          %dma_start3A_110 = tpu.memref_squeeze %dma_start3A_109 : memref<1x2x128xi32, #tpu.memory_space<vmem>> -> memref<2x128xi32, #tpu.memory_space<vmem>>
          %dma_start3A_111 = arith.constant 0 : i32
          %dma_start3A_112 = tpu.memref_slice %dma_start3A_110[%run_scoped3A_96, %dma_start3A_111] : memref<2x128xi32, #tpu.memory_space<vmem>> -> memref<1x128xi32, #tpu.memory_space<vmem>>
          %dma_start3A_113 = tpu.memref_squeeze %dma_start3A_112 : memref<1x128xi32, #tpu.memory_space<vmem>> -> memref<128xi32, #tpu.memory_space<vmem>>
          %dma_start3A_114 = arith.constant 0 : i32
          %dma_start3A_115 = arith.constant 0 : i32
          %dma_start3A_116 = tpu.memref_slice %arg10[%dma_start3A_114, %dma_start3A_115] : memref<10240x80xf32, #tpu.memory_space<vmem_shared>> -> memref<10240x80xf32, #tpu.memory_space<vmem_shared>>
          tpu.enqueue_indirect_dma source(%dma_start3A_106 : memref<128x80xf32, #tpu.memory_space<vmem>>) target(%dma_start3A_116 : memref<10240x80xf32, #tpu.memory_space<vmem_shared>>) offsets(%dma_start3A_113 : memref<128xi32, #tpu.memory_space<vmem>>) semaphore(%run_scoped3A_103 : memref<!tpu.dma_semaphore, #tpu.memory_space<semaphore_mem>>) {add = true}
          %dma_wait3A_117 = arith.constant 128 : i32
          %dma_wait3A_118 = arith.constant 0 : i32
          %dma_wait3A_119 = tpu.memref_slice %arg8[%dma_wait3A_117, %dma_wait3A_118] : memref<512x80xf32, #tpu.memory_space<vmem>> -> memref<128x80xf32, #tpu.memory_space<vmem>>
          %dma_wait3A_120 = arith.constant 0 : i32
          %dma_wait3A_121 = arith.constant 0 : i32
          %dma_wait3A_122 = tpu.memref_slice %arg7[%run_scoped3A_95, %dma_wait3A_120, %dma_wait3A_121] : memref<2x2x128xi32, #tpu.memory_space<vmem>> -> memref<1x2x128xi32, #tpu.memory_space<vmem>>
          %dma_wait3A_123 = tpu.memref_squeeze %dma_wait3A_122 : memref<1x2x128xi32, #tpu.memory_space<vmem>> -> memref<2x128xi32, #tpu.memory_space<vmem>>
          %dma_wait3A_124 = arith.constant 0 : i32
          %dma_wait3A_125 = tpu.memref_slice %dma_wait3A_123[%run_scoped3A_96, %dma_wait3A_124] : memref<2x128xi32, #tpu.memory_space<vmem>> -> memref<1x128xi32, #tpu.memory_space<vmem>>
          %dma_wait3A_126 = tpu.memref_squeeze %dma_wait3A_125 : memref<1x128xi32, #tpu.memory_space<vmem>> -> memref<128xi32, #tpu.memory_space<vmem>>
          %dma_wait3A_127 = arith.constant 0 : i32
          %dma_wait3A_128 = arith.constant 0 : i32
          %dma_wait3A_129 = tpu.memref_slice %arg10[%dma_wait3A_127, %dma_wait3A_128] : memref<10240x80xf32, #tpu.memory_space<vmem_shared>> -> memref<10240x80xf32, #tpu.memory_space<vmem_shared>>
          tpu.wait_indirect_dma semaphore(%run_scoped3A_103 : memref<!tpu.dma_semaphore, #tpu.memory_space<semaphore_mem>>) src(%dma_wait3A_119 : memref<128x80xf32, #tpu.memory_space<vmem>>) dst(%dma_wait3A_129 : memref<10240x80xf32, #tpu.memory_space<vmem_shared>>)
          tpu.yield
        }) : () -> ()
        %add3A_97 = arith.constant 2 : i32
        %add3A_98 = arith.addi %add3A_66, %add3A_97 : i32
        %lt3A_99 = arith.cmpi slt, %add3A_98, %add3A_3 : i32
        %convert_element_type3A_100 = arith.extui %lt3A_99 : i1 to i32
        %cond3A_101 = arith.constant 0 : i32
        %cond3A_102 = arith.cmpi ne, %convert_element_type3A_100, %cond3A_101 : i32
        scf.if %cond3A_102 {
          %add3A_103 = arith.constant 2 : i32
          %add3A_104 = arith.addi %add3A_66, %add3A_103 : i32
          %mul3A_105 = arith.constant 32 : i32
          %mul3A_106 = arith.muli %mul3A_105, %add3A_104 : i32
          %add3A_107 = arith.addi %add3A, %mul3A_106 : i32
          "tpu.region"() ({
            %run_scoped3A_125 = tpu.sem_alloc : memref<!tpu.dma_semaphore, #tpu.memory_space<semaphore_mem>>
            %dma_start3A_126 = arith.constant 0 : i32
            %dma_start3A_127 = tpu.memref_slice %arg6[%dma_start3A_126] : memref<512xi32, #tpu.memory_space<vmem>> -> memref<256xi32, #tpu.memory_space<vmem>>
            %dma_start3A_128 = arith.constant 0 : i32
            %dma_start3A_129 = tpu.memref_slice %arg3[%add3A_107, %dma_start3A_128] : memref<1250x256xi32, #tpu.memory_space<hbm>> -> memref<1x256xi32, #tpu.memory_space<hbm>>
            %dma_start3A_130 = tpu.memref_squeeze %dma_start3A_129 : memref<1x256xi32, #tpu.memory_space<hbm>> -> memref<256xi32, #tpu.memory_space<hbm>>
            %dma_start3A_131 = arith.constant 0 : i32
            %dma_start3A_132 = tpu.memref_slice %arg6[%dma_start3A_131] : memref<512xi32, #tpu.memory_space<vmem>> -> memref<256xi32, #tpu.memory_space<vmem>>
            %dma_start3A_133 = arith.constant 0 : i32
            %dma_start3A_134 = tpu.memref_slice %arg3[%add3A_107, %dma_start3A_133] : memref<1250x256xi32, #tpu.memory_space<hbm>> -> memref<1x256xi32, #tpu.memory_space<hbm>>
            %dma_start3A_135 = tpu.memref_squeeze %dma_start3A_134 : memref<1x256xi32, #tpu.memory_space<hbm>> -> memref<256xi32, #tpu.memory_space<hbm>>
            tpu.enqueue_dma source(%dma_start3A_135 : memref<256xi32, #tpu.memory_space<hbm>>) target(%dma_start3A_132 : memref<256xi32, #tpu.memory_space<vmem>>) target_semaphore(%run_scoped3A_125 : memref<!tpu.dma_semaphore, #tpu.memory_space<semaphore_mem>>)
            %dma_wait3A_136 = arith.constant 0 : i32
            %dma_wait3A_137 = tpu.memref_slice %arg6[%dma_wait3A_136] : memref<512xi32, #tpu.memory_space<vmem>> -> memref<256xi32, #tpu.memory_space<vmem>>
            %dma_wait3A_138 = arith.constant 0 : i32
            %dma_wait3A_139 = tpu.memref_slice %arg3[%add3A_107, %dma_wait3A_138] : memref<1250x256xi32, #tpu.memory_space<hbm>> -> memref<1x256xi32, #tpu.memory_space<hbm>>
            %dma_wait3A_140 = tpu.memref_squeeze %dma_wait3A_139 : memref<1x256xi32, #tpu.memory_space<hbm>> -> memref<256xi32, #tpu.memory_space<hbm>>
            %dma_wait3A_141 = arith.constant 0 : i32
            %dma_wait3A_142 = tpu.memref_slice %arg6[%dma_wait3A_141] : memref<512xi32, #tpu.memory_space<vmem>> -> memref<256xi32, #tpu.memory_space<vmem>>
            %dma_wait3A_143 = arith.constant 0 : i32
            %dma_wait3A_144 = tpu.memref_slice %arg3[%add3A_107, %dma_wait3A_143] : memref<1250x256xi32, #tpu.memory_space<hbm>> -> memref<1x256xi32, #tpu.memory_space<hbm>>
            %dma_wait3A_145 = tpu.memref_squeeze %dma_wait3A_144 : memref<1x256xi32, #tpu.memory_space<hbm>> -> memref<256xi32, #tpu.memory_space<hbm>>
            tpu.wait_dma2 semaphore(%run_scoped3A_125 : memref<!tpu.dma_semaphore, #tpu.memory_space<semaphore_mem>>) src(%dma_wait3A_145 : memref<256xi32, #tpu.memory_space<hbm>>) dst(%dma_wait3A_142 : memref<256xi32, #tpu.memory_space<vmem>>)
            tpu.yield
          }) : () -> ()
          %run_scoped3A_108 = arith.constant 0 : i32
          "tpu.region"() ({
            %run_scoped3A_125 = tpu.sem_alloc : memref<!tpu.dma_semaphore, #tpu.memory_space<semaphore_mem>>
            %dma_start3A_126 = arith.constant 0 : i32
            %dma_start3A_127 = arith.constant 0 : i32
            %dma_start3A_128 = tpu.memref_slice %arg7[%run_scoped3A_108, %dma_start3A_126, %dma_start3A_127] : memref<2x2x128xi32, #tpu.memory_space<vmem>> -> memref<1x2x128xi32, #tpu.memory_space<vmem>>
            %dma_start3A_129 = tpu.memref_squeeze %dma_start3A_128 : memref<1x2x128xi32, #tpu.memory_space<vmem>> -> memref<2x128xi32, #tpu.memory_space<vmem>>
            %dma_start3A_130 = arith.constant 0 : i32
            %dma_start3A_131 = arith.constant 0 : i32
            %dma_start3A_132 = tpu.memref_slice %arg4[%add3A_107, %dma_start3A_130, %dma_start3A_131] : memref<1250x2x128xi32, #tpu.memory_space<hbm>> -> memref<1x2x128xi32, #tpu.memory_space<hbm>>
            %dma_start3A_133 = tpu.memref_squeeze %dma_start3A_132 : memref<1x2x128xi32, #tpu.memory_space<hbm>> -> memref<2x128xi32, #tpu.memory_space<hbm>>
            %dma_start3A_134 = arith.constant 0 : i32
            %dma_start3A_135 = arith.constant 0 : i32
            %dma_start3A_136 = tpu.memref_slice %arg7[%run_scoped3A_108, %dma_start3A_134, %dma_start3A_135] : memref<2x2x128xi32, #tpu.memory_space<vmem>> -> memref<1x2x128xi32, #tpu.memory_space<vmem>>
            %dma_start3A_137 = tpu.memref_squeeze %dma_start3A_136 : memref<1x2x128xi32, #tpu.memory_space<vmem>> -> memref<2x128xi32, #tpu.memory_space<vmem>>
            %dma_start3A_138 = arith.constant 0 : i32
            %dma_start3A_139 = arith.constant 0 : i32
            %dma_start3A_140 = tpu.memref_slice %arg4[%add3A_107, %dma_start3A_138, %dma_start3A_139] : memref<1250x2x128xi32, #tpu.memory_space<hbm>> -> memref<1x2x128xi32, #tpu.memory_space<hbm>>
            %dma_start3A_141 = tpu.memref_squeeze %dma_start3A_140 : memref<1x2x128xi32, #tpu.memory_space<hbm>> -> memref<2x128xi32, #tpu.memory_space<hbm>>
            tpu.enqueue_dma source(%dma_start3A_141 : memref<2x128xi32, #tpu.memory_space<hbm>>) target(%dma_start3A_137 : memref<2x128xi32, #tpu.memory_space<vmem>>) target_semaphore(%run_scoped3A_125 : memref<!tpu.dma_semaphore, #tpu.memory_space<semaphore_mem>>)
            %dma_wait3A_142 = arith.constant 0 : i32
            %dma_wait3A_143 = arith.constant 0 : i32
            %dma_wait3A_144 = tpu.memref_slice %arg7[%run_scoped3A_108, %dma_wait3A_142, %dma_wait3A_143] : memref<2x2x128xi32, #tpu.memory_space<vmem>> -> memref<1x2x128xi32, #tpu.memory_space<vmem>>
            %dma_wait3A_145 = tpu.memref_squeeze %dma_wait3A_144 : memref<1x2x128xi32, #tpu.memory_space<vmem>> -> memref<2x128xi32, #tpu.memory_space<vmem>>
            %dma_wait3A_146 = arith.constant 0 : i32
            %dma_wait3A_147 = arith.constant 0 : i32
            %dma_wait3A_148 = tpu.memref_slice %arg4[%add3A_107, %dma_wait3A_146, %dma_wait3A_147] : memref<1250x2x128xi32, #tpu.memory_space<hbm>> -> memref<1x2x128xi32, #tpu.memory_space<hbm>>
            %dma_wait3A_149 = tpu.memref_squeeze %dma_wait3A_148 : memref<1x2x128xi32, #tpu.memory_space<hbm>> -> memref<2x128xi32, #tpu.memory_space<hbm>>
            %dma_wait3A_150 = arith.constant 0 : i32
            %dma_wait3A_151 = arith.constant 0 : i32
            %dma_wait3A_152 = tpu.memref_slice %arg7[%run_scoped3A_108, %dma_wait3A_150, %dma_wait3A_151] : memref<2x2x128xi32, #tpu.memory_space<vmem>> -> memref<1x2x128xi32, #tpu.memory_space<vmem>>
            %dma_wait3A_153 = tpu.memref_squeeze %dma_wait3A_152 : memref<1x2x128xi32, #tpu.memory_space<vmem>> -> memref<2x128xi32, #tpu.memory_space<vmem>>
            %dma_wait3A_154 = arith.constant 0 : i32
            %dma_wait3A_155 = arith.constant 0 : i32
            %dma_wait3A_156 = tpu.memref_slice %arg4[%add3A_107, %dma_wait3A_154, %dma_wait3A_155] : memref<1250x2x128xi32, #tpu.memory_space<hbm>> -> memref<1x2x128xi32, #tpu.memory_space<hbm>>
            %dma_wait3A_157 = tpu.memref_squeeze %dma_wait3A_156 : memref<1x2x128xi32, #tpu.memory_space<hbm>> -> memref<2x128xi32, #tpu.memory_space<hbm>>
            tpu.wait_dma2 semaphore(%run_scoped3A_125 : memref<!tpu.dma_semaphore, #tpu.memory_space<semaphore_mem>>) src(%dma_wait3A_157 : memref<2x128xi32, #tpu.memory_space<hbm>>) dst(%dma_wait3A_153 : memref<2x128xi32, #tpu.memory_space<vmem>>)
            tpu.yield
          }) : () -> ()
          %dma_start3A_109 = arith.constant 0 : i32
          %dma_start3A_110 = arith.constant 0 : i32
          %dma_start3A_111 = tpu.memref_slice %arg8[%dma_start3A_109, %dma_start3A_110] : memref<512x80xf32, #tpu.memory_space<vmem>> -> memref<128x80xf32, #tpu.memory_space<vmem>>
          %dma_start3A_112 = arith.constant 0 : i32
          %dma_start3A_113 = tpu.memref_slice %arg6[%dma_start3A_112] : memref<512xi32, #tpu.memory_space<vmem>> -> memref<128xi32, #tpu.memory_space<vmem>>
          %dma_start3A_114 = arith.constant 0 : i32
          %dma_start3A_115 = arith.constant 0 : i32
          %dma_start3A_116 = tpu.memref_slice %arg2[%dma_start3A_114, %dma_start3A_115] : memref<10240x80xf32, #tpu.memory_space<hbm>> -> memref<10240x80xf32, #tpu.memory_space<hbm>>
          tpu.enqueue_indirect_dma source(%dma_start3A_116 : memref<10240x80xf32, #tpu.memory_space<hbm>>) target(%dma_start3A_111 : memref<128x80xf32, #tpu.memory_space<vmem>>) offsets(%dma_start3A_113 : memref<128xi32, #tpu.memory_space<vmem>>) semaphore(%arg11 : memref<!tpu.dma_semaphore, #tpu.memory_space<semaphore_mem>>)
          %dma_start3A_117 = arith.constant 128 : i32
          %dma_start3A_118 = arith.constant 0 : i32
          %dma_start3A_119 = tpu.memref_slice %arg8[%dma_start3A_117, %dma_start3A_118] : memref<512x80xf32, #tpu.memory_space<vmem>> -> memref<128x80xf32, #tpu.memory_space<vmem>>
          %dma_start3A_120 = arith.constant 128 : i32
          %dma_start3A_121 = tpu.memref_slice %arg6[%dma_start3A_120] : memref<512xi32, #tpu.memory_space<vmem>> -> memref<128xi32, #tpu.memory_space<vmem>>
          %dma_start3A_122 = arith.constant 0 : i32
          %dma_start3A_123 = arith.constant 0 : i32
          %dma_start3A_124 = tpu.memref_slice %arg2[%dma_start3A_122, %dma_start3A_123] : memref<10240x80xf32, #tpu.memory_space<hbm>> -> memref<10240x80xf32, #tpu.memory_space<hbm>>
          tpu.enqueue_indirect_dma source(%dma_start3A_124 : memref<10240x80xf32, #tpu.memory_space<hbm>>) target(%dma_start3A_119 : memref<128x80xf32, #tpu.memory_space<vmem>>) offsets(%dma_start3A_121 : memref<128xi32, #tpu.memory_space<vmem>>) semaphore(%arg11 : memref<!tpu.dma_semaphore, #tpu.memory_space<semaphore_mem>>)
        } else {
        }
      } else {
      }
      %mul3A_70 = arith.constant 2 : i32
      %mul3A_71 = arith.muli %mul3A_70, %scan3A_62 : i32
      %add3A_72 = arith.constant 1 : i32
      %add3A_73 = arith.addi %mul3A_71, %add3A_72 : i32
      %lt3A_74 = arith.cmpi slt, %add3A_73, %add3A_3 : i32
      %convert_element_type3A_75 = arith.extui %lt3A_74 : i1 to i32
      %cond3A_76 = arith.constant 0 : i32
      %cond3A_77 = arith.cmpi ne, %convert_element_type3A_75, %cond3A_76 : i32
      scf.if %cond3A_77 {
        %dma_wait3A = arith.constant 256 : i32
        %dma_wait3A_78 = arith.constant 0 : i32
        %dma_wait3A_79 = tpu.memref_slice %arg8[%dma_wait3A, %dma_wait3A_78] : memref<512x80xf32, #tpu.memory_space<vmem>> -> memref<128x80xf32, #tpu.memory_space<vmem>>
        %dma_wait3A_80 = arith.constant 256 : i32
        %dma_wait3A_81 = tpu.memref_slice %arg6[%dma_wait3A_80] : memref<512xi32, #tpu.memory_space<vmem>> -> memref<128xi32, #tpu.memory_space<vmem>>
        %dma_wait3A_82 = arith.constant 0 : i32
        %dma_wait3A_83 = arith.constant 0 : i32
        %dma_wait3A_84 = tpu.memref_slice %arg2[%dma_wait3A_82, %dma_wait3A_83] : memref<10240x80xf32, #tpu.memory_space<hbm>> -> memref<10240x80xf32, #tpu.memory_space<hbm>>
        tpu.wait_indirect_dma semaphore(%arg12 : memref<!tpu.dma_semaphore, #tpu.memory_space<semaphore_mem>>) src(%dma_wait3A_84 : memref<10240x80xf32, #tpu.memory_space<hbm>>) dst(%dma_wait3A_79 : memref<128x80xf32, #tpu.memory_space<vmem>>)
        %dma_wait3A_85 = arith.constant 384 : i32
        %dma_wait3A_86 = arith.constant 0 : i32
        %dma_wait3A_87 = tpu.memref_slice %arg8[%dma_wait3A_85, %dma_wait3A_86] : memref<512x80xf32, #tpu.memory_space<vmem>> -> memref<128x80xf32, #tpu.memory_space<vmem>>
        %dma_wait3A_88 = arith.constant 384 : i32
        %dma_wait3A_89 = tpu.memref_slice %arg6[%dma_wait3A_88] : memref<512xi32, #tpu.memory_space<vmem>> -> memref<128xi32, #tpu.memory_space<vmem>>
        %dma_wait3A_90 = arith.constant 0 : i32
        %dma_wait3A_91 = arith.constant 0 : i32
        %dma_wait3A_92 = tpu.memref_slice %arg2[%dma_wait3A_90, %dma_wait3A_91] : memref<10240x80xf32, #tpu.memory_space<hbm>> -> memref<10240x80xf32, #tpu.memory_space<hbm>>
        tpu.wait_indirect_dma semaphore(%arg12 : memref<!tpu.dma_semaphore, #tpu.memory_space<semaphore_mem>>) src(%dma_wait3A_92 : memref<10240x80xf32, #tpu.memory_space<hbm>>) dst(%dma_wait3A_87 : memref<128x80xf32, #tpu.memory_space<vmem>>)
        %run_scoped3A_93 = arith.constant 1 : i32
        %run_scoped3A_94 = arith.constant 0 : i32
        "tpu.region"() ({
          %run_scoped3A_103 = tpu.sem_alloc : memref<!tpu.dma_semaphore, #tpu.memory_space<semaphore_mem>>
          %dma_start3A_104 = arith.constant 256 : i32
          %dma_start3A_105 = arith.constant 0 : i32
          %dma_start3A_106 = tpu.memref_slice %arg8[%dma_start3A_104, %dma_start3A_105] : memref<512x80xf32, #tpu.memory_space<vmem>> -> memref<128x80xf32, #tpu.memory_space<vmem>>
          %dma_start3A_107 = arith.constant 0 : i32
          %dma_start3A_108 = arith.constant 0 : i32
          %dma_start3A_109 = tpu.memref_slice %arg7[%run_scoped3A_93, %dma_start3A_107, %dma_start3A_108] : memref<2x2x128xi32, #tpu.memory_space<vmem>> -> memref<1x2x128xi32, #tpu.memory_space<vmem>>
          %dma_start3A_110 = tpu.memref_squeeze %dma_start3A_109 : memref<1x2x128xi32, #tpu.memory_space<vmem>> -> memref<2x128xi32, #tpu.memory_space<vmem>>
          %dma_start3A_111 = arith.constant 0 : i32
          %dma_start3A_112 = tpu.memref_slice %dma_start3A_110[%run_scoped3A_94, %dma_start3A_111] : memref<2x128xi32, #tpu.memory_space<vmem>> -> memref<1x128xi32, #tpu.memory_space<vmem>>
          %dma_start3A_113 = tpu.memref_squeeze %dma_start3A_112 : memref<1x128xi32, #tpu.memory_space<vmem>> -> memref<128xi32, #tpu.memory_space<vmem>>
          %dma_start3A_114 = arith.constant 0 : i32
          %dma_start3A_115 = arith.constant 0 : i32
          %dma_start3A_116 = tpu.memref_slice %arg10[%dma_start3A_114, %dma_start3A_115] : memref<10240x80xf32, #tpu.memory_space<vmem_shared>> -> memref<10240x80xf32, #tpu.memory_space<vmem_shared>>
          tpu.enqueue_indirect_dma source(%dma_start3A_106 : memref<128x80xf32, #tpu.memory_space<vmem>>) target(%dma_start3A_116 : memref<10240x80xf32, #tpu.memory_space<vmem_shared>>) offsets(%dma_start3A_113 : memref<128xi32, #tpu.memory_space<vmem>>) semaphore(%run_scoped3A_103 : memref<!tpu.dma_semaphore, #tpu.memory_space<semaphore_mem>>) {add = true}
          %dma_wait3A_117 = arith.constant 256 : i32
          %dma_wait3A_118 = arith.constant 0 : i32
          %dma_wait3A_119 = tpu.memref_slice %arg8[%dma_wait3A_117, %dma_wait3A_118] : memref<512x80xf32, #tpu.memory_space<vmem>> -> memref<128x80xf32, #tpu.memory_space<vmem>>
          %dma_wait3A_120 = arith.constant 0 : i32
          %dma_wait3A_121 = arith.constant 0 : i32
          %dma_wait3A_122 = tpu.memref_slice %arg7[%run_scoped3A_93, %dma_wait3A_120, %dma_wait3A_121] : memref<2x2x128xi32, #tpu.memory_space<vmem>> -> memref<1x2x128xi32, #tpu.memory_space<vmem>>
          %dma_wait3A_123 = tpu.memref_squeeze %dma_wait3A_122 : memref<1x2x128xi32, #tpu.memory_space<vmem>> -> memref<2x128xi32, #tpu.memory_space<vmem>>
          %dma_wait3A_124 = arith.constant 0 : i32
          %dma_wait3A_125 = tpu.memref_slice %dma_wait3A_123[%run_scoped3A_94, %dma_wait3A_124] : memref<2x128xi32, #tpu.memory_space<vmem>> -> memref<1x128xi32, #tpu.memory_space<vmem>>
          %dma_wait3A_126 = tpu.memref_squeeze %dma_wait3A_125 : memref<1x128xi32, #tpu.memory_space<vmem>> -> memref<128xi32, #tpu.memory_space<vmem>>
          %dma_wait3A_127 = arith.constant 0 : i32
          %dma_wait3A_128 = arith.constant 0 : i32
          %dma_wait3A_129 = tpu.memref_slice %arg10[%dma_wait3A_127, %dma_wait3A_128] : memref<10240x80xf32, #tpu.memory_space<vmem_shared>> -> memref<10240x80xf32, #tpu.memory_space<vmem_shared>>
          tpu.wait_indirect_dma semaphore(%run_scoped3A_103 : memref<!tpu.dma_semaphore, #tpu.memory_space<semaphore_mem>>) src(%dma_wait3A_119 : memref<128x80xf32, #tpu.memory_space<vmem>>) dst(%dma_wait3A_129 : memref<10240x80xf32, #tpu.memory_space<vmem_shared>>)
          tpu.yield
        }) : () -> ()
        %run_scoped3A_95 = arith.constant 1 : i32
        %run_scoped3A_96 = arith.constant 1 : i32
        "tpu.region"() ({
          %run_scoped3A_103 = tpu.sem_alloc : memref<!tpu.dma_semaphore, #tpu.memory_space<semaphore_mem>>
          %dma_start3A_104 = arith.constant 384 : i32
          %dma_start3A_105 = arith.constant 0 : i32
          %dma_start3A_106 = tpu.memref_slice %arg8[%dma_start3A_104, %dma_start3A_105] : memref<512x80xf32, #tpu.memory_space<vmem>> -> memref<128x80xf32, #tpu.memory_space<vmem>>
          %dma_start3A_107 = arith.constant 0 : i32
          %dma_start3A_108 = arith.constant 0 : i32
          %dma_start3A_109 = tpu.memref_slice %arg7[%run_scoped3A_95, %dma_start3A_107, %dma_start3A_108] : memref<2x2x128xi32, #tpu.memory_space<vmem>> -> memref<1x2x128xi32, #tpu.memory_space<vmem>>
          %dma_start3A_110 = tpu.memref_squeeze %dma_start3A_109 : memref<1x2x128xi32, #tpu.memory_space<vmem>> -> memref<2x128xi32, #tpu.memory_space<vmem>>
          %dma_start3A_111 = arith.constant 0 : i32
          %dma_start3A_112 = tpu.memref_slice %dma_start3A_110[%run_scoped3A_96, %dma_start3A_111] : memref<2x128xi32, #tpu.memory_space<vmem>> -> memref<1x128xi32, #tpu.memory_space<vmem>>
          %dma_start3A_113 = tpu.memref_squeeze %dma_start3A_112 : memref<1x128xi32, #tpu.memory_space<vmem>> -> memref<128xi32, #tpu.memory_space<vmem>>
          %dma_start3A_114 = arith.constant 0 : i32
          %dma_start3A_115 = arith.constant 0 : i32
          %dma_start3A_116 = tpu.memref_slice %arg10[%dma_start3A_114, %dma_start3A_115] : memref<10240x80xf32, #tpu.memory_space<vmem_shared>> -> memref<10240x80xf32, #tpu.memory_space<vmem_shared>>
          tpu.enqueue_indirect_dma source(%dma_start3A_106 : memref<128x80xf32, #tpu.memory_space<vmem>>) target(%dma_start3A_116 : memref<10240x80xf32, #tpu.memory_space<vmem_shared>>) offsets(%dma_start3A_113 : memref<128xi32, #tpu.memory_space<vmem>>) semaphore(%run_scoped3A_103 : memref<!tpu.dma_semaphore, #tpu.memory_space<semaphore_mem>>) {add = true}
          %dma_wait3A_117 = arith.constant 384 : i32
          %dma_wait3A_118 = arith.constant 0 : i32
          %dma_wait3A_119 = tpu.memref_slice %arg8[%dma_wait3A_117, %dma_wait3A_118] : memref<512x80xf32, #tpu.memory_space<vmem>> -> memref<128x80xf32, #tpu.memory_space<vmem>>
          %dma_wait3A_120 = arith.constant 0 : i32
          %dma_wait3A_121 = arith.constant 0 : i32
          %dma_wait3A_122 = tpu.memref_slice %arg7[%run_scoped3A_95, %dma_wait3A_120, %dma_wait3A_121] : memref<2x2x128xi32, #tpu.memory_space<vmem>> -> memref<1x2x128xi32, #tpu.memory_space<vmem>>
          %dma_wait3A_123 = tpu.memref_squeeze %dma_wait3A_122 : memref<1x2x128xi32, #tpu.memory_space<vmem>> -> memref<2x128xi32, #tpu.memory_space<vmem>>
          %dma_wait3A_124 = arith.constant 0 : i32
          %dma_wait3A_125 = tpu.memref_slice %dma_wait3A_123[%run_scoped3A_96, %dma_wait3A_124] : memref<2x128xi32, #tpu.memory_space<vmem>> -> memref<1x128xi32, #tpu.memory_space<vmem>>
          %dma_wait3A_126 = tpu.memref_squeeze %dma_wait3A_125 : memref<1x128xi32, #tpu.memory_space<vmem>> -> memref<128xi32, #tpu.memory_space<vmem>>
          %dma_wait3A_127 = arith.constant 0 : i32
          %dma_wait3A_128 = arith.constant 0 : i32
          %dma_wait3A_129 = tpu.memref_slice %arg10[%dma_wait3A_127, %dma_wait3A_128] : memref<10240x80xf32, #tpu.memory_space<vmem_shared>> -> memref<10240x80xf32, #tpu.memory_space<vmem_shared>>
          tpu.wait_indirect_dma semaphore(%run_scoped3A_103 : memref<!tpu.dma_semaphore, #tpu.memory_space<semaphore_mem>>) src(%dma_wait3A_119 : memref<128x80xf32, #tpu.memory_space<vmem>>) dst(%dma_wait3A_129 : memref<10240x80xf32, #tpu.memory_space<vmem_shared>>)
          tpu.yield
        }) : () -> ()
        %add3A_97 = arith.constant 2 : i32
        %add3A_98 = arith.addi %add3A_73, %add3A_97 : i32
        %lt3A_99 = arith.cmpi slt, %add3A_98, %add3A_3 : i32
        %convert_element_type3A_100 = arith.extui %lt3A_99 : i1 to i32
        %cond3A_101 = arith.constant 0 : i32
        %cond3A_102 = arith.cmpi ne, %convert_element_type3A_100, %cond3A_101 : i32
        scf.if %cond3A_102 {
          %add3A_103 = arith.constant 2 : i32
          %add3A_104 = arith.addi %add3A_73, %add3A_103 : i32
          %mul3A_105 = arith.constant 32 : i32
          %mul3A_106 = arith.muli %mul3A_105, %add3A_104 : i32
          %add3A_107 = arith.addi %add3A, %mul3A_106 : i32
          "tpu.region"() ({
            %run_scoped3A_125 = tpu.sem_alloc : memref<!tpu.dma_semaphore, #tpu.memory_space<semaphore_mem>>
            %dma_start3A_126 = arith.constant 256 : i32
            %dma_start3A_127 = tpu.memref_slice %arg6[%dma_start3A_126] : memref<512xi32, #tpu.memory_space<vmem>> -> memref<256xi32, #tpu.memory_space<vmem>>
            %dma_start3A_128 = arith.constant 0 : i32
            %dma_start3A_129 = tpu.memref_slice %arg3[%add3A_107, %dma_start3A_128] : memref<1250x256xi32, #tpu.memory_space<hbm>> -> memref<1x256xi32, #tpu.memory_space<hbm>>
            %dma_start3A_130 = tpu.memref_squeeze %dma_start3A_129 : memref<1x256xi32, #tpu.memory_space<hbm>> -> memref<256xi32, #tpu.memory_space<hbm>>
            %dma_start3A_131 = arith.constant 256 : i32
            %dma_start3A_132 = tpu.memref_slice %arg6[%dma_start3A_131] : memref<512xi32, #tpu.memory_space<vmem>> -> memref<256xi32, #tpu.memory_space<vmem>>
            %dma_start3A_133 = arith.constant 0 : i32
            %dma_start3A_134 = tpu.memref_slice %arg3[%add3A_107, %dma_start3A_133] : memref<1250x256xi32, #tpu.memory_space<hbm>> -> memref<1x256xi32, #tpu.memory_space<hbm>>
            %dma_start3A_135 = tpu.memref_squeeze %dma_start3A_134 : memref<1x256xi32, #tpu.memory_space<hbm>> -> memref<256xi32, #tpu.memory_space<hbm>>
            tpu.enqueue_dma source(%dma_start3A_135 : memref<256xi32, #tpu.memory_space<hbm>>) target(%dma_start3A_132 : memref<256xi32, #tpu.memory_space<vmem>>) target_semaphore(%run_scoped3A_125 : memref<!tpu.dma_semaphore, #tpu.memory_space<semaphore_mem>>)
            %dma_wait3A_136 = arith.constant 256 : i32
            %dma_wait3A_137 = tpu.memref_slice %arg6[%dma_wait3A_136] : memref<512xi32, #tpu.memory_space<vmem>> -> memref<256xi32, #tpu.memory_space<vmem>>
            %dma_wait3A_138 = arith.constant 0 : i32
            %dma_wait3A_139 = tpu.memref_slice %arg3[%add3A_107, %dma_wait3A_138] : memref<1250x256xi32, #tpu.memory_space<hbm>> -> memref<1x256xi32, #tpu.memory_space<hbm>>
            %dma_wait3A_140 = tpu.memref_squeeze %dma_wait3A_139 : memref<1x256xi32, #tpu.memory_space<hbm>> -> memref<256xi32, #tpu.memory_space<hbm>>
            %dma_wait3A_141 = arith.constant 256 : i32
            %dma_wait3A_142 = tpu.memref_slice %arg6[%dma_wait3A_141] : memref<512xi32, #tpu.memory_space<vmem>> -> memref<256xi32, #tpu.memory_space<vmem>>
            %dma_wait3A_143 = arith.constant 0 : i32
            %dma_wait3A_144 = tpu.memref_slice %arg3[%add3A_107, %dma_wait3A_143] : memref<1250x256xi32, #tpu.memory_space<hbm>> -> memref<1x256xi32, #tpu.memory_space<hbm>>
            %dma_wait3A_145 = tpu.memref_squeeze %dma_wait3A_144 : memref<1x256xi32, #tpu.memory_space<hbm>> -> memref<256xi32, #tpu.memory_space<hbm>>
            tpu.wait_dma2 semaphore(%run_scoped3A_125 : memref<!tpu.dma_semaphore, #tpu.memory_space<semaphore_mem>>) src(%dma_wait3A_145 : memref<256xi32, #tpu.memory_space<hbm>>) dst(%dma_wait3A_142 : memref<256xi32, #tpu.memory_space<vmem>>)
            tpu.yield
          }) : () -> ()
          %run_scoped3A_108 = arith.constant 1 : i32
          "tpu.region"() ({
            %run_scoped3A_125 = tpu.sem_alloc : memref<!tpu.dma_semaphore, #tpu.memory_space<semaphore_mem>>
            %dma_start3A_126 = arith.constant 0 : i32
            %dma_start3A_127 = arith.constant 0 : i32
            %dma_start3A_128 = tpu.memref_slice %arg7[%run_scoped3A_108, %dma_start3A_126, %dma_start3A_127] : memref<2x2x128xi32, #tpu.memory_space<vmem>> -> memref<1x2x128xi32, #tpu.memory_space<vmem>>
            %dma_start3A_129 = tpu.memref_squeeze %dma_start3A_128 : memref<1x2x128xi32, #tpu.memory_space<vmem>> -> memref<2x128xi32, #tpu.memory_space<vmem>>
            %dma_start3A_130 = arith.constant 0 : i32
            %dma_start3A_131 = arith.constant 0 : i32
            %dma_start3A_132 = tpu.memref_slice %arg4[%add3A_107, %dma_start3A_130, %dma_start3A_131] : memref<1250x2x128xi32, #tpu.memory_space<hbm>> -> memref<1x2x128xi32, #tpu.memory_space<hbm>>
            %dma_start3A_133 = tpu.memref_squeeze %dma_start3A_132 : memref<1x2x128xi32, #tpu.memory_space<hbm>> -> memref<2x128xi32, #tpu.memory_space<hbm>>
            %dma_start3A_134 = arith.constant 0 : i32
            %dma_start3A_135 = arith.constant 0 : i32
            %dma_start3A_136 = tpu.memref_slice %arg7[%run_scoped3A_108, %dma_start3A_134, %dma_start3A_135] : memref<2x2x128xi32, #tpu.memory_space<vmem>> -> memref<1x2x128xi32, #tpu.memory_space<vmem>>
            %dma_start3A_137 = tpu.memref_squeeze %dma_start3A_136 : memref<1x2x128xi32, #tpu.memory_space<vmem>> -> memref<2x128xi32, #tpu.memory_space<vmem>>
            %dma_start3A_138 = arith.constant 0 : i32
            %dma_start3A_139 = arith.constant 0 : i32
            %dma_start3A_140 = tpu.memref_slice %arg4[%add3A_107, %dma_start3A_138, %dma_start3A_139] : memref<1250x2x128xi32, #tpu.memory_space<hbm>> -> memref<1x2x128xi32, #tpu.memory_space<hbm>>
            %dma_start3A_141 = tpu.memref_squeeze %dma_start3A_140 : memref<1x2x128xi32, #tpu.memory_space<hbm>> -> memref<2x128xi32, #tpu.memory_space<hbm>>
            tpu.enqueue_dma source(%dma_start3A_141 : memref<2x128xi32, #tpu.memory_space<hbm>>) target(%dma_start3A_137 : memref<2x128xi32, #tpu.memory_space<vmem>>) target_semaphore(%run_scoped3A_125 : memref<!tpu.dma_semaphore, #tpu.memory_space<semaphore_mem>>)
            %dma_wait3A_142 = arith.constant 0 : i32
            %dma_wait3A_143 = arith.constant 0 : i32
            %dma_wait3A_144 = tpu.memref_slice %arg7[%run_scoped3A_108, %dma_wait3A_142, %dma_wait3A_143] : memref<2x2x128xi32, #tpu.memory_space<vmem>> -> memref<1x2x128xi32, #tpu.memory_space<vmem>>
            %dma_wait3A_145 = tpu.memref_squeeze %dma_wait3A_144 : memref<1x2x128xi32, #tpu.memory_space<vmem>> -> memref<2x128xi32, #tpu.memory_space<vmem>>
            %dma_wait3A_146 = arith.constant 0 : i32
            %dma_wait3A_147 = arith.constant 0 : i32
            %dma_wait3A_148 = tpu.memref_slice %arg4[%add3A_107, %dma_wait3A_146, %dma_wait3A_147] : memref<1250x2x128xi32, #tpu.memory_space<hbm>> -> memref<1x2x128xi32, #tpu.memory_space<hbm>>
            %dma_wait3A_149 = tpu.memref_squeeze %dma_wait3A_148 : memref<1x2x128xi32, #tpu.memory_space<hbm>> -> memref<2x128xi32, #tpu.memory_space<hbm>>
            %dma_wait3A_150 = arith.constant 0 : i32
            %dma_wait3A_151 = arith.constant 0 : i32
            %dma_wait3A_152 = tpu.memref_slice %arg7[%run_scoped3A_108, %dma_wait3A_150, %dma_wait3A_151] : memref<2x2x128xi32, #tpu.memory_space<vmem>> -> memref<1x2x128xi32, #tpu.memory_space<vmem>>
            %dma_wait3A_153 = tpu.memref_squeeze %dma_wait3A_152 : memref<1x2x128xi32, #tpu.memory_space<vmem>> -> memref<2x128xi32, #tpu.memory_space<vmem>>
            %dma_wait3A_154 = arith.constant 0 : i32
            %dma_wait3A_155 = arith.constant 0 : i32
            %dma_wait3A_156 = tpu.memref_slice %arg4[%add3A_107, %dma_wait3A_154, %dma_wait3A_155] : memref<1250x2x128xi32, #tpu.memory_space<hbm>> -> memref<1x2x128xi32, #tpu.memory_space<hbm>>
            %dma_wait3A_157 = tpu.memref_squeeze %dma_wait3A_156 : memref<1x2x128xi32, #tpu.memory_space<hbm>> -> memref<2x128xi32, #tpu.memory_space<hbm>>
            tpu.wait_dma2 semaphore(%run_scoped3A_125 : memref<!tpu.dma_semaphore, #tpu.memory_space<semaphore_mem>>) src(%dma_wait3A_157 : memref<2x128xi32, #tpu.memory_space<hbm>>) dst(%dma_wait3A_153 : memref<2x128xi32, #tpu.memory_space<vmem>>)
            tpu.yield
          }) : () -> ()
          %dma_start3A_109 = arith.constant 256 : i32
          %dma_start3A_110 = arith.constant 0 : i32
          %dma_start3A_111 = tpu.memref_slice %arg8[%dma_start3A_109, %dma_start3A_110] : memref<512x80xf32, #tpu.memory_space<vmem>> -> memref<128x80xf32, #tpu.memory_space<vmem>>
          %dma_start3A_112 = arith.constant 256 : i32
          %dma_start3A_113 = tpu.memref_slice %arg6[%dma_start3A_112] : memref<512xi32, #tpu.memory_space<vmem>> -> memref<128xi32, #tpu.memory_space<vmem>>
          %dma_start3A_114 = arith.constant 0 : i32
          %dma_start3A_115 = arith.constant 0 : i32
          %dma_start3A_116 = tpu.memref_slice %arg2[%dma_start3A_114, %dma_start3A_115] : memref<10240x80xf32, #tpu.memory_space<hbm>> -> memref<10240x80xf32, #tpu.memory_space<hbm>>
          tpu.enqueue_indirect_dma source(%dma_start3A_116 : memref<10240x80xf32, #tpu.memory_space<hbm>>) target(%dma_start3A_111 : memref<128x80xf32, #tpu.memory_space<vmem>>) offsets(%dma_start3A_113 : memref<128xi32, #tpu.memory_space<vmem>>) semaphore(%arg12 : memref<!tpu.dma_semaphore, #tpu.memory_space<semaphore_mem>>)
          %dma_start3A_117 = arith.constant 384 : i32
          %dma_start3A_118 = arith.constant 0 : i32
          %dma_start3A_119 = tpu.memref_slice %arg8[%dma_start3A_117, %dma_start3A_118] : memref<512x80xf32, #tpu.memory_space<vmem>> -> memref<128x80xf32, #tpu.memory_space<vmem>>
          %dma_start3A_120 = arith.constant 384 : i32
          %dma_start3A_121 = tpu.memref_slice %arg6[%dma_start3A_120] : memref<512xi32, #tpu.memory_space<vmem>> -> memref<128xi32, #tpu.memory_space<vmem>>
          %dma_start3A_122 = arith.constant 0 : i32
          %dma_start3A_123 = arith.constant 0 : i32
          %dma_start3A_124 = tpu.memref_slice %arg2[%dma_start3A_122, %dma_start3A_123] : memref<10240x80xf32, #tpu.memory_space<hbm>> -> memref<10240x80xf32, #tpu.memory_space<hbm>>
          tpu.enqueue_indirect_dma source(%dma_start3A_124 : memref<10240x80xf32, #tpu.memory_space<hbm>>) target(%dma_start3A_119 : memref<128x80xf32, #tpu.memory_space<vmem>>) offsets(%dma_start3A_121 : memref<128xi32, #tpu.memory_space<vmem>>) semaphore(%arg12 : memref<!tpu.dma_semaphore, #tpu.memory_space<semaphore_mem>>)
        } else {
        }
      } else {
      }
    }
    %scan3A_56 = arith.constant 20 : i32
    %barrier3A_57 = arith.constant 0 : index
    tpu.barrier barrier_id(%barrier3A_57)
    %mul3A_58 = arith.constant 640 : i32
    %mul3A_59 = arith.muli %arg1, %mul3A_58 : i32
    %mul3A_60 = arith.constant 640 : i32
    %mul3A_61 = arith.muli %arg1, %mul3A_60 : i32
    "tpu.region"() ({
      %run_scoped3A_62 = tpu.sem_alloc : memref<!tpu.dma_semaphore, #tpu.memory_space<semaphore_mem>>
      %dma_start3A_63 = arith.constant 0 : i32
      %dma_start3A_64 = tpu.memref_slice %arg5[%arg0, %mul3A_61, %dma_start3A_63] : memref<2x10240x80xf32, #tpu.memory_space<hbm>> -> memref<1x640x80xf32, #tpu.memory_space<hbm>>
      %dma_start3A_65 = tpu.memref_squeeze %dma_start3A_64 : memref<1x640x80xf32, #tpu.memory_space<hbm>> -> memref<640x80xf32, #tpu.memory_space<hbm>>
      %dma_start3A_66 = arith.constant 0 : i32
      %dma_start3A_67 = tpu.memref_slice %arg10[%mul3A_59, %dma_start3A_66] : memref<10240x80xf32, #tpu.memory_space<vmem_shared>> -> memref<640x80xf32, #tpu.memory_space<vmem_shared>>
      tpu.enqueue_dma source(%dma_start3A_67 : memref<640x80xf32, #tpu.memory_space<vmem_shared>>) target(%dma_start3A_65 : memref<640x80xf32, #tpu.memory_space<hbm>>) target_semaphore(%run_scoped3A_62 : memref<!tpu.dma_semaphore, #tpu.memory_space<semaphore_mem>>)
      %dma_wait3A = arith.constant 0 : i32
      %dma_wait3A_68 = tpu.memref_slice %arg5[%arg0, %mul3A_61, %dma_wait3A] : memref<2x10240x80xf32, #tpu.memory_space<hbm>> -> memref<1x640x80xf32, #tpu.memory_space<hbm>>
      %dma_wait3A_69 = tpu.memref_squeeze %dma_wait3A_68 : memref<1x640x80xf32, #tpu.memory_space<hbm>> -> memref<640x80xf32, #tpu.memory_space<hbm>>
      %dma_wait3A_70 = arith.constant 0 : i32
      %dma_wait3A_71 = tpu.memref_slice %arg10[%mul3A_59, %dma_wait3A_70] : memref<10240x80xf32, #tpu.memory_space<vmem_shared>> -> memref<640x80xf32, #tpu.memory_space<vmem_shared>>
      tpu.wait_dma2 semaphore(%run_scoped3A_62 : memref<!tpu.dma_semaphore, #tpu.memory_space<semaphore_mem>>) src(%dma_wait3A_71 : memref<640x80xf32, #tpu.memory_space<vmem_shared>>) dst(%dma_wait3A_69 : memref<640x80xf32, #tpu.memory_space<hbm>>)
      tpu.yield
    }) : () -> ()
    return
  }
}

#map = affine_map<(d0, d1) -> (0, 0)>
#map1 = affine_map<(d0, d1) -> (0, 0, 0)>
module attributes {stable_mosaic.version = 14 : i64} {
  func.func @scat(%arg0: i32, %arg1: i32, %arg2: memref<10240x64xf32, #tpu.memory_space<hbm>>, %arg3: memref<625x512xi32, #tpu.memory_space<hbm>>, %arg4: memref<625x4x128xi32, #tpu.memory_space<hbm>>, %arg5: memref<2x10240x64xf32, #tpu.memory_space<hbm>>, %arg6: memref<1024xi32, #tpu.memory_space<vmem>>, %arg7: memref<2x4x128xi32, #tpu.memory_space<vmem>>, %arg8: memref<1024x64xf32, #tpu.memory_space<vmem>>, %arg9: memref<40x64xf32, #tpu.memory_space<vmem>>, %arg10: memref<10240x64xf32, #tpu.memory_space<vmem_shared>>, %arg11: memref<!tpu.dma_semaphore, #tpu.memory_space<semaphore_mem>>, %arg12: memref<!tpu.dma_semaphore, #tpu.memory_space<semaphore_mem>>) attributes {dimension_semantics = [#tpu.dimension_semantics<core_parallel>, #tpu.dimension_semantics<subcore_parallel>], iteration_bounds = array<i64: 2, 16>, scalar_prefetch = 0 : i64, scratch_operands = 7 : i64, tpu.core_type = #tpu.core_type<sc_vector_subcore>, window_params = [{transform_indices = #map}, {transform_indices = #map}, {transform_indices = #map1}, {transform_indices = #map1}]} {
    %mul3A = arith.constant 2 : i32
    %mul3A_0 = arith.muli %arg1, %mul3A : i32
    %add3A = arith.addi %mul3A_0, %arg0 : i32
    %lt3A = arith.constant 17 : i32
    %lt3A_1 = arith.cmpi slt, %add3A, %lt3A : i32
    %convert_element_type3A = arith.extui %lt3A_1 : i1 to i32
    %add3A_2 = arith.constant 19 : i32
    %add3A_3 = arith.addi %add3A_2, %convert_element_type3A : i32
    %add3A_4 = arith.constant 0 : i32
    %add3A_5 = arith.addi %add3A, %add3A_4 : i32
    "tpu.region"() ({
      %run_scoped3A_94 = tpu.sem_alloc : memref<!tpu.dma_semaphore, #tpu.memory_space<semaphore_mem>>
      %dma_start3A_95 = arith.constant 0 : i32
      %dma_start3A_96 = tpu.memref_slice %arg6[%dma_start3A_95] : memref<1024xi32, #tpu.memory_space<vmem>> -> memref<512xi32, #tpu.memory_space<vmem>>
      %dma_start3A_97 = arith.constant 0 : i32
      %dma_start3A_98 = tpu.memref_slice %arg3[%add3A_5, %dma_start3A_97] : memref<625x512xi32, #tpu.memory_space<hbm>> -> memref<1x512xi32, #tpu.memory_space<hbm>>
      %dma_start3A_99 = tpu.memref_squeeze %dma_start3A_98 : memref<1x512xi32, #tpu.memory_space<hbm>> -> memref<512xi32, #tpu.memory_space<hbm>>
      %dma_start3A_100 = arith.constant 0 : i32
      %dma_start3A_101 = tpu.memref_slice %arg6[%dma_start3A_100] : memref<1024xi32, #tpu.memory_space<vmem>> -> memref<512xi32, #tpu.memory_space<vmem>>
      %dma_start3A_102 = arith.constant 0 : i32
      %dma_start3A_103 = tpu.memref_slice %arg3[%add3A_5, %dma_start3A_102] : memref<625x512xi32, #tpu.memory_space<hbm>> -> memref<1x512xi32, #tpu.memory_space<hbm>>
      %dma_start3A_104 = tpu.memref_squeeze %dma_start3A_103 : memref<1x512xi32, #tpu.memory_space<hbm>> -> memref<512xi32, #tpu.memory_space<hbm>>
      tpu.enqueue_dma source(%dma_start3A_104 : memref<512xi32, #tpu.memory_space<hbm>>) target(%dma_start3A_101 : memref<512xi32, #tpu.memory_space<vmem>>) target_semaphore(%run_scoped3A_94 : memref<!tpu.dma_semaphore, #tpu.memory_space<semaphore_mem>>)
      %dma_wait3A = arith.constant 0 : i32
      %dma_wait3A_105 = tpu.memref_slice %arg6[%dma_wait3A] : memref<1024xi32, #tpu.memory_space<vmem>> -> memref<512xi32, #tpu.memory_space<vmem>>
      %dma_wait3A_106 = arith.constant 0 : i32
      %dma_wait3A_107 = tpu.memref_slice %arg3[%add3A_5, %dma_wait3A_106] : memref<625x512xi32, #tpu.memory_space<hbm>> -> memref<1x512xi32, #tpu.memory_space<hbm>>
      %dma_wait3A_108 = tpu.memref_squeeze %dma_wait3A_107 : memref<1x512xi32, #tpu.memory_space<hbm>> -> memref<512xi32, #tpu.memory_space<hbm>>
      %dma_wait3A_109 = arith.constant 0 : i32
      %dma_wait3A_110 = tpu.memref_slice %arg6[%dma_wait3A_109] : memref<1024xi32, #tpu.memory_space<vmem>> -> memref<512xi32, #tpu.memory_space<vmem>>
      %dma_wait3A_111 = arith.constant 0 : i32
      %dma_wait3A_112 = tpu.memref_slice %arg3[%add3A_5, %dma_wait3A_111] : memref<625x512xi32, #tpu.memory_space<hbm>> -> memref<1x512xi32, #tpu.memory_space<hbm>>
      %dma_wait3A_113 = tpu.memref_squeeze %dma_wait3A_112 : memref<1x512xi32, #tpu.memory_space<hbm>> -> memref<512xi32, #tpu.memory_space<hbm>>
      tpu.wait_dma2 semaphore(%run_scoped3A_94 : memref<!tpu.dma_semaphore, #tpu.memory_space<semaphore_mem>>) src(%dma_wait3A_113 : memref<512xi32, #tpu.memory_space<hbm>>) dst(%dma_wait3A_110 : memref<512xi32, #tpu.memory_space<vmem>>)
      tpu.yield
    }) : () -> ()
    %run_scoped3A = arith.constant 0 : i32
    "tpu.region"() ({
      %run_scoped3A_94 = tpu.sem_alloc : memref<!tpu.dma_semaphore, #tpu.memory_space<semaphore_mem>>
      %dma_start3A_95 = arith.constant 0 : i32
      %dma_start3A_96 = arith.constant 0 : i32
      %dma_start3A_97 = tpu.memref_slice %arg7[%run_scoped3A, %dma_start3A_95, %dma_start3A_96] : memref<2x4x128xi32, #tpu.memory_space<vmem>> -> memref<1x4x128xi32, #tpu.memory_space<vmem>>
      %dma_start3A_98 = tpu.memref_squeeze %dma_start3A_97 : memref<1x4x128xi32, #tpu.memory_space<vmem>> -> memref<4x128xi32, #tpu.memory_space<vmem>>
      %dma_start3A_99 = arith.constant 0 : i32
      %dma_start3A_100 = arith.constant 0 : i32
      %dma_start3A_101 = tpu.memref_slice %arg4[%add3A_5, %dma_start3A_99, %dma_start3A_100] : memref<625x4x128xi32, #tpu.memory_space<hbm>> -> memref<1x4x128xi32, #tpu.memory_space<hbm>>
      %dma_start3A_102 = tpu.memref_squeeze %dma_start3A_101 : memref<1x4x128xi32, #tpu.memory_space<hbm>> -> memref<4x128xi32, #tpu.memory_space<hbm>>
      %dma_start3A_103 = arith.constant 0 : i32
      %dma_start3A_104 = arith.constant 0 : i32
      %dma_start3A_105 = tpu.memref_slice %arg7[%run_scoped3A, %dma_start3A_103, %dma_start3A_104] : memref<2x4x128xi32, #tpu.memory_space<vmem>> -> memref<1x4x128xi32, #tpu.memory_space<vmem>>
      %dma_start3A_106 = tpu.memref_squeeze %dma_start3A_105 : memref<1x4x128xi32, #tpu.memory_space<vmem>> -> memref<4x128xi32, #tpu.memory_space<vmem>>
      %dma_start3A_107 = arith.constant 0 : i32
      %dma_start3A_108 = arith.constant 0 : i32
      %dma_start3A_109 = tpu.memref_slice %arg4[%add3A_5, %dma_start3A_107, %dma_start3A_108] : memref<625x4x128xi32, #tpu.memory_space<hbm>> -> memref<1x4x128xi32, #tpu.memory_space<hbm>>
      %dma_start3A_110 = tpu.memref_squeeze %dma_start3A_109 : memref<1x4x128xi32, #tpu.memory_space<hbm>> -> memref<4x128xi32, #tpu.memory_space<hbm>>
      tpu.enqueue_dma source(%dma_start3A_110 : memref<4x128xi32, #tpu.memory_space<hbm>>) target(%dma_start3A_106 : memref<4x128xi32, #tpu.memory_space<vmem>>) target_semaphore(%run_scoped3A_94 : memref<!tpu.dma_semaphore, #tpu.memory_space<semaphore_mem>>)
      %dma_wait3A = arith.constant 0 : i32
      %dma_wait3A_111 = arith.constant 0 : i32
      %dma_wait3A_112 = tpu.memref_slice %arg7[%run_scoped3A, %dma_wait3A, %dma_wait3A_111] : memref<2x4x128xi32, #tpu.memory_space<vmem>> -> memref<1x4x128xi32, #tpu.memory_space<vmem>>
      %dma_wait3A_113 = tpu.memref_squeeze %dma_wait3A_112 : memref<1x4x128xi32, #tpu.memory_space<vmem>> -> memref<4x128xi32, #tpu.memory_space<vmem>>
      %dma_wait3A_114 = arith.constant 0 : i32
      %dma_wait3A_115 = arith.constant 0 : i32
      %dma_wait3A_116 = tpu.memref_slice %arg4[%add3A_5, %dma_wait3A_114, %dma_wait3A_115] : memref<625x4x128xi32, #tpu.memory_space<hbm>> -> memref<1x4x128xi32, #tpu.memory_space<hbm>>
      %dma_wait3A_117 = tpu.memref_squeeze %dma_wait3A_116 : memref<1x4x128xi32, #tpu.memory_space<hbm>> -> memref<4x128xi32, #tpu.memory_space<hbm>>
      %dma_wait3A_118 = arith.constant 0 : i32
      %dma_wait3A_119 = arith.constant 0 : i32
      %dma_wait3A_120 = tpu.memref_slice %arg7[%run_scoped3A, %dma_wait3A_118, %dma_wait3A_119] : memref<2x4x128xi32, #tpu.memory_space<vmem>> -> memref<1x4x128xi32, #tpu.memory_space<vmem>>
      %dma_wait3A_121 = tpu.memref_squeeze %dma_wait3A_120 : memref<1x4x128xi32, #tpu.memory_space<vmem>> -> memref<4x128xi32, #tpu.memory_space<vmem>>
      %dma_wait3A_122 = arith.constant 0 : i32
      %dma_wait3A_123 = arith.constant 0 : i32
      %dma_wait3A_124 = tpu.memref_slice %arg4[%add3A_5, %dma_wait3A_122, %dma_wait3A_123] : memref<625x4x128xi32, #tpu.memory_space<hbm>> -> memref<1x4x128xi32, #tpu.memory_space<hbm>>
      %dma_wait3A_125 = tpu.memref_squeeze %dma_wait3A_124 : memref<1x4x128xi32, #tpu.memory_space<hbm>> -> memref<4x128xi32, #tpu.memory_space<hbm>>
      tpu.wait_dma2 semaphore(%run_scoped3A_94 : memref<!tpu.dma_semaphore, #tpu.memory_space<semaphore_mem>>) src(%dma_wait3A_125 : memref<4x128xi32, #tpu.memory_space<hbm>>) dst(%dma_wait3A_121 : memref<4x128xi32, #tpu.memory_space<vmem>>)
      tpu.yield
    }) : () -> ()
    %dma_start3A = arith.constant 0 : i32
    %dma_start3A_6 = arith.constant 0 : i32
    %dma_start3A_7 = tpu.memref_slice %arg8[%dma_start3A, %dma_start3A_6] : memref<1024x64xf32, #tpu.memory_space<vmem>> -> memref<128x64xf32, #tpu.memory_space<vmem>>
    %dma_start3A_8 = arith.constant 0 : i32
    %dma_start3A_9 = tpu.memref_slice %arg6[%dma_start3A_8] : memref<1024xi32, #tpu.memory_space<vmem>> -> memref<128xi32, #tpu.memory_space<vmem>>
    %dma_start3A_10 = arith.constant 0 : i32
    %dma_start3A_11 = arith.constant 0 : i32
    %dma_start3A_12 = tpu.memref_slice %arg2[%dma_start3A_10, %dma_start3A_11] : memref<10240x64xf32, #tpu.memory_space<hbm>> -> memref<10240x64xf32, #tpu.memory_space<hbm>>
    tpu.enqueue_indirect_dma source(%dma_start3A_12 : memref<10240x64xf32, #tpu.memory_space<hbm>>) target(%dma_start3A_7 : memref<128x64xf32, #tpu.memory_space<vmem>>) offsets(%dma_start3A_9 : memref<128xi32, #tpu.memory_space<vmem>>) semaphore(%arg11 : memref<!tpu.dma_semaphore, #tpu.memory_space<semaphore_mem>>)
    %dma_start3A_13 = arith.constant 128 : i32
    %dma_start3A_14 = arith.constant 0 : i32
    %dma_start3A_15 = tpu.memref_slice %arg8[%dma_start3A_13, %dma_start3A_14] : memref<1024x64xf32, #tpu.memory_space<vmem>> -> memref<128x64xf32, #tpu.memory_space<vmem>>
    %dma_start3A_16 = arith.constant 128 : i32
    %dma_start3A_17 = tpu.memref_slice %arg6[%dma_start3A_16] : memref<1024xi32, #tpu.memory_space<vmem>> -> memref<128xi32, #tpu.memory_space<vmem>>
    %dma_start3A_18 = arith.constant 0 : i32
    %dma_start3A_19 = arith.constant 0 : i32
    %dma_start3A_20 = tpu.memref_slice %arg2[%dma_start3A_18, %dma_start3A_19] : memref<10240x64xf32, #tpu.memory_space<hbm>> -> memref<10240x64xf32, #tpu.memory_space<hbm>>
    tpu.enqueue_indirect_dma source(%dma_start3A_20 : memref<10240x64xf32, #tpu.memory_space<hbm>>) target(%dma_start3A_15 : memref<128x64xf32, #tpu.memory_space<vmem>>) offsets(%dma_start3A_17 : memref<128xi32, #tpu.memory_space<vmem>>) semaphore(%arg11 : memref<!tpu.dma_semaphore, #tpu.memory_space<semaphore_mem>>)
    %dma_start3A_21 = arith.constant 256 : i32
    %dma_start3A_22 = arith.constant 0 : i32
    %dma_start3A_23 = tpu.memref_slice %arg8[%dma_start3A_21, %dma_start3A_22] : memref<1024x64xf32, #tpu.memory_space<vmem>> -> memref<128x64xf32, #tpu.memory_space<vmem>>
    %dma_start3A_24 = arith.constant 256 : i32
    %dma_start3A_25 = tpu.memref_slice %arg6[%dma_start3A_24] : memref<1024xi32, #tpu.memory_space<vmem>> -> memref<128xi32, #tpu.memory_space<vmem>>
    %dma_start3A_26 = arith.constant 0 : i32
    %dma_start3A_27 = arith.constant 0 : i32
    %dma_start3A_28 = tpu.memref_slice %arg2[%dma_start3A_26, %dma_start3A_27] : memref<10240x64xf32, #tpu.memory_space<hbm>> -> memref<10240x64xf32, #tpu.memory_space<hbm>>
    tpu.enqueue_indirect_dma source(%dma_start3A_28 : memref<10240x64xf32, #tpu.memory_space<hbm>>) target(%dma_start3A_23 : memref<128x64xf32, #tpu.memory_space<vmem>>) offsets(%dma_start3A_25 : memref<128xi32, #tpu.memory_space<vmem>>) semaphore(%arg11 : memref<!tpu.dma_semaphore, #tpu.memory_space<semaphore_mem>>)
    %dma_start3A_29 = arith.constant 384 : i32
    %dma_start3A_30 = arith.constant 0 : i32
    %dma_start3A_31 = tpu.memref_slice %arg8[%dma_start3A_29, %dma_start3A_30] : memref<1024x64xf32, #tpu.memory_space<vmem>> -> memref<128x64xf32, #tpu.memory_space<vmem>>
    %dma_start3A_32 = arith.constant 384 : i32
    %dma_start3A_33 = tpu.memref_slice %arg6[%dma_start3A_32] : memref<1024xi32, #tpu.memory_space<vmem>> -> memref<128xi32, #tpu.memory_space<vmem>>
    %dma_start3A_34 = arith.constant 0 : i32
    %dma_start3A_35 = arith.constant 0 : i32
    %dma_start3A_36 = tpu.memref_slice %arg2[%dma_start3A_34, %dma_start3A_35] : memref<10240x64xf32, #tpu.memory_space<hbm>> -> memref<10240x64xf32, #tpu.memory_space<hbm>>
    tpu.enqueue_indirect_dma source(%dma_start3A_36 : memref<10240x64xf32, #tpu.memory_space<hbm>>) target(%dma_start3A_31 : memref<128x64xf32, #tpu.memory_space<vmem>>) offsets(%dma_start3A_33 : memref<128xi32, #tpu.memory_space<vmem>>) semaphore(%arg11 : memref<!tpu.dma_semaphore, #tpu.memory_space<semaphore_mem>>)
    %add3A_37 = arith.constant 32 : i32
    %add3A_38 = arith.addi %add3A, %add3A_37 : i32
    "tpu.region"() ({
      %run_scoped3A_94 = tpu.sem_alloc : memref<!tpu.dma_semaphore, #tpu.memory_space<semaphore_mem>>
      %dma_start3A_95 = arith.constant 512 : i32
      %dma_start3A_96 = tpu.memref_slice %arg6[%dma_start3A_95] : memref<1024xi32, #tpu.memory_space<vmem>> -> memref<512xi32, #tpu.memory_space<vmem>>
      %dma_start3A_97 = arith.constant 0 : i32
      %dma_start3A_98 = tpu.memref_slice %arg3[%add3A_38, %dma_start3A_97] : memref<625x512xi32, #tpu.memory_space<hbm>> -> memref<1x512xi32, #tpu.memory_space<hbm>>
      %dma_start3A_99 = tpu.memref_squeeze %dma_start3A_98 : memref<1x512xi32, #tpu.memory_space<hbm>> -> memref<512xi32, #tpu.memory_space<hbm>>
      %dma_start3A_100 = arith.constant 512 : i32
      %dma_start3A_101 = tpu.memref_slice %arg6[%dma_start3A_100] : memref<1024xi32, #tpu.memory_space<vmem>> -> memref<512xi32, #tpu.memory_space<vmem>>
      %dma_start3A_102 = arith.constant 0 : i32
      %dma_start3A_103 = tpu.memref_slice %arg3[%add3A_38, %dma_start3A_102] : memref<625x512xi32, #tpu.memory_space<hbm>> -> memref<1x512xi32, #tpu.memory_space<hbm>>
      %dma_start3A_104 = tpu.memref_squeeze %dma_start3A_103 : memref<1x512xi32, #tpu.memory_space<hbm>> -> memref<512xi32, #tpu.memory_space<hbm>>
      tpu.enqueue_dma source(%dma_start3A_104 : memref<512xi32, #tpu.memory_space<hbm>>) target(%dma_start3A_101 : memref<512xi32, #tpu.memory_space<vmem>>) target_semaphore(%run_scoped3A_94 : memref<!tpu.dma_semaphore, #tpu.memory_space<semaphore_mem>>)
      %dma_wait3A = arith.constant 512 : i32
      %dma_wait3A_105 = tpu.memref_slice %arg6[%dma_wait3A] : memref<1024xi32, #tpu.memory_space<vmem>> -> memref<512xi32, #tpu.memory_space<vmem>>
      %dma_wait3A_106 = arith.constant 0 : i32
      %dma_wait3A_107 = tpu.memref_slice %arg3[%add3A_38, %dma_wait3A_106] : memref<625x512xi32, #tpu.memory_space<hbm>> -> memref<1x512xi32, #tpu.memory_space<hbm>>
      %dma_wait3A_108 = tpu.memref_squeeze %dma_wait3A_107 : memref<1x512xi32, #tpu.memory_space<hbm>> -> memref<512xi32, #tpu.memory_space<hbm>>
      %dma_wait3A_109 = arith.constant 512 : i32
      %dma_wait3A_110 = tpu.memref_slice %arg6[%dma_wait3A_109] : memref<1024xi32, #tpu.memory_space<vmem>> -> memref<512xi32, #tpu.memory_space<vmem>>
      %dma_wait3A_111 = arith.constant 0 : i32
      %dma_wait3A_112 = tpu.memref_slice %arg3[%add3A_38, %dma_wait3A_111] : memref<625x512xi32, #tpu.memory_space<hbm>> -> memref<1x512xi32, #tpu.memory_space<hbm>>
      %dma_wait3A_113 = tpu.memref_squeeze %dma_wait3A_112 : memref<1x512xi32, #tpu.memory_space<hbm>> -> memref<512xi32, #tpu.memory_space<hbm>>
      tpu.wait_dma2 semaphore(%run_scoped3A_94 : memref<!tpu.dma_semaphore, #tpu.memory_space<semaphore_mem>>) src(%dma_wait3A_113 : memref<512xi32, #tpu.memory_space<hbm>>) dst(%dma_wait3A_110 : memref<512xi32, #tpu.memory_space<vmem>>)
      tpu.yield
    }) : () -> ()
    %run_scoped3A_39 = arith.constant 1 : i32
    "tpu.region"() ({
      %run_scoped3A_94 = tpu.sem_alloc : memref<!tpu.dma_semaphore, #tpu.memory_space<semaphore_mem>>
      %dma_start3A_95 = arith.constant 0 : i32
      %dma_start3A_96 = arith.constant 0 : i32
      %dma_start3A_97 = tpu.memref_slice %arg7[%run_scoped3A_39, %dma_start3A_95, %dma_start3A_96] : memref<2x4x128xi32, #tpu.memory_space<vmem>> -> memref<1x4x128xi32, #tpu.memory_space<vmem>>
      %dma_start3A_98 = tpu.memref_squeeze %dma_start3A_97 : memref<1x4x128xi32, #tpu.memory_space<vmem>> -> memref<4x128xi32, #tpu.memory_space<vmem>>
      %dma_start3A_99 = arith.constant 0 : i32
      %dma_start3A_100 = arith.constant 0 : i32
      %dma_start3A_101 = tpu.memref_slice %arg4[%add3A_38, %dma_start3A_99, %dma_start3A_100] : memref<625x4x128xi32, #tpu.memory_space<hbm>> -> memref<1x4x128xi32, #tpu.memory_space<hbm>>
      %dma_start3A_102 = tpu.memref_squeeze %dma_start3A_101 : memref<1x4x128xi32, #tpu.memory_space<hbm>> -> memref<4x128xi32, #tpu.memory_space<hbm>>
      %dma_start3A_103 = arith.constant 0 : i32
      %dma_start3A_104 = arith.constant 0 : i32
      %dma_start3A_105 = tpu.memref_slice %arg7[%run_scoped3A_39, %dma_start3A_103, %dma_start3A_104] : memref<2x4x128xi32, #tpu.memory_space<vmem>> -> memref<1x4x128xi32, #tpu.memory_space<vmem>>
      %dma_start3A_106 = tpu.memref_squeeze %dma_start3A_105 : memref<1x4x128xi32, #tpu.memory_space<vmem>> -> memref<4x128xi32, #tpu.memory_space<vmem>>
      %dma_start3A_107 = arith.constant 0 : i32
      %dma_start3A_108 = arith.constant 0 : i32
      %dma_start3A_109 = tpu.memref_slice %arg4[%add3A_38, %dma_start3A_107, %dma_start3A_108] : memref<625x4x128xi32, #tpu.memory_space<hbm>> -> memref<1x4x128xi32, #tpu.memory_space<hbm>>
      %dma_start3A_110 = tpu.memref_squeeze %dma_start3A_109 : memref<1x4x128xi32, #tpu.memory_space<hbm>> -> memref<4x128xi32, #tpu.memory_space<hbm>>
      tpu.enqueue_dma source(%dma_start3A_110 : memref<4x128xi32, #tpu.memory_space<hbm>>) target(%dma_start3A_106 : memref<4x128xi32, #tpu.memory_space<vmem>>) target_semaphore(%run_scoped3A_94 : memref<!tpu.dma_semaphore, #tpu.memory_space<semaphore_mem>>)
      %dma_wait3A = arith.constant 0 : i32
      %dma_wait3A_111 = arith.constant 0 : i32
      %dma_wait3A_112 = tpu.memref_slice %arg7[%run_scoped3A_39, %dma_wait3A, %dma_wait3A_111] : memref<2x4x128xi32, #tpu.memory_space<vmem>> -> memref<1x4x128xi32, #tpu.memory_space<vmem>>
      %dma_wait3A_113 = tpu.memref_squeeze %dma_wait3A_112 : memref<1x4x128xi32, #tpu.memory_space<vmem>> -> memref<4x128xi32, #tpu.memory_space<vmem>>
      %dma_wait3A_114 = arith.constant 0 : i32
      %dma_wait3A_115 = arith.constant 0 : i32
      %dma_wait3A_116 = tpu.memref_slice %arg4[%add3A_38, %dma_wait3A_114, %dma_wait3A_115] : memref<625x4x128xi32, #tpu.memory_space<hbm>> -> memref<1x4x128xi32, #tpu.memory_space<hbm>>
      %dma_wait3A_117 = tpu.memref_squeeze %dma_wait3A_116 : memref<1x4x128xi32, #tpu.memory_space<hbm>> -> memref<4x128xi32, #tpu.memory_space<hbm>>
      %dma_wait3A_118 = arith.constant 0 : i32
      %dma_wait3A_119 = arith.constant 0 : i32
      %dma_wait3A_120 = tpu.memref_slice %arg7[%run_scoped3A_39, %dma_wait3A_118, %dma_wait3A_119] : memref<2x4x128xi32, #tpu.memory_space<vmem>> -> memref<1x4x128xi32, #tpu.memory_space<vmem>>
      %dma_wait3A_121 = tpu.memref_squeeze %dma_wait3A_120 : memref<1x4x128xi32, #tpu.memory_space<vmem>> -> memref<4x128xi32, #tpu.memory_space<vmem>>
      %dma_wait3A_122 = arith.constant 0 : i32
      %dma_wait3A_123 = arith.constant 0 : i32
      %dma_wait3A_124 = tpu.memref_slice %arg4[%add3A_38, %dma_wait3A_122, %dma_wait3A_123] : memref<625x4x128xi32, #tpu.memory_space<hbm>> -> memref<1x4x128xi32, #tpu.memory_space<hbm>>
      %dma_wait3A_125 = tpu.memref_squeeze %dma_wait3A_124 : memref<1x4x128xi32, #tpu.memory_space<hbm>> -> memref<4x128xi32, #tpu.memory_space<hbm>>
      tpu.wait_dma2 semaphore(%run_scoped3A_94 : memref<!tpu.dma_semaphore, #tpu.memory_space<semaphore_mem>>) src(%dma_wait3A_125 : memref<4x128xi32, #tpu.memory_space<hbm>>) dst(%dma_wait3A_121 : memref<4x128xi32, #tpu.memory_space<vmem>>)
      tpu.yield
    }) : () -> ()
    %dma_start3A_40 = arith.constant 512 : i32
    %dma_start3A_41 = arith.constant 0 : i32
    %dma_start3A_42 = tpu.memref_slice %arg8[%dma_start3A_40, %dma_start3A_41] : memref<1024x64xf32, #tpu.memory_space<vmem>> -> memref<128x64xf32, #tpu.memory_space<vmem>>
    %dma_start3A_43 = arith.constant 512 : i32
    %dma_start3A_44 = tpu.memref_slice %arg6[%dma_start3A_43] : memref<1024xi32, #tpu.memory_space<vmem>> -> memref<128xi32, #tpu.memory_space<vmem>>
    %dma_start3A_45 = arith.constant 0 : i32
    %dma_start3A_46 = arith.constant 0 : i32
    %dma_start3A_47 = tpu.memref_slice %arg2[%dma_start3A_45, %dma_start3A_46] : memref<10240x64xf32, #tpu.memory_space<hbm>> -> memref<10240x64xf32, #tpu.memory_space<hbm>>
    tpu.enqueue_indirect_dma source(%dma_start3A_47 : memref<10240x64xf32, #tpu.memory_space<hbm>>) target(%dma_start3A_42 : memref<128x64xf32, #tpu.memory_space<vmem>>) offsets(%dma_start3A_44 : memref<128xi32, #tpu.memory_space<vmem>>) semaphore(%arg12 : memref<!tpu.dma_semaphore, #tpu.memory_space<semaphore_mem>>)
    %dma_start3A_48 = arith.constant 640 : i32
    %dma_start3A_49 = arith.constant 0 : i32
    %dma_start3A_50 = tpu.memref_slice %arg8[%dma_start3A_48, %dma_start3A_49] : memref<1024x64xf32, #tpu.memory_space<vmem>> -> memref<128x64xf32, #tpu.memory_space<vmem>>
    %dma_start3A_51 = arith.constant 640 : i32
    %dma_start3A_52 = tpu.memref_slice %arg6[%dma_start3A_51] : memref<1024xi32, #tpu.memory_space<vmem>> -> memref<128xi32, #tpu.memory_space<vmem>>
    %dma_start3A_53 = arith.constant 0 : i32
    %dma_start3A_54 = arith.constant 0 : i32
    %dma_start3A_55 = tpu.memref_slice %arg2[%dma_start3A_53, %dma_start3A_54] : memref<10240x64xf32, #tpu.memory_space<hbm>> -> memref<10240x64xf32, #tpu.memory_space<hbm>>
    tpu.enqueue_indirect_dma source(%dma_start3A_55 : memref<10240x64xf32, #tpu.memory_space<hbm>>) target(%dma_start3A_50 : memref<128x64xf32, #tpu.memory_space<vmem>>) offsets(%dma_start3A_52 : memref<128xi32, #tpu.memory_space<vmem>>) semaphore(%arg12 : memref<!tpu.dma_semaphore, #tpu.memory_space<semaphore_mem>>)
    %dma_start3A_56 = arith.constant 768 : i32
    %dma_start3A_57 = arith.constant 0 : i32
    %dma_start3A_58 = tpu.memref_slice %arg8[%dma_start3A_56, %dma_start3A_57] : memref<1024x64xf32, #tpu.memory_space<vmem>> -> memref<128x64xf32, #tpu.memory_space<vmem>>
    %dma_start3A_59 = arith.constant 768 : i32
    %dma_start3A_60 = tpu.memref_slice %arg6[%dma_start3A_59] : memref<1024xi32, #tpu.memory_space<vmem>> -> memref<128xi32, #tpu.memory_space<vmem>>
    %dma_start3A_61 = arith.constant 0 : i32
    %dma_start3A_62 = arith.constant 0 : i32
    %dma_start3A_63 = tpu.memref_slice %arg2[%dma_start3A_61, %dma_start3A_62] : memref<10240x64xf32, #tpu.memory_space<hbm>> -> memref<10240x64xf32, #tpu.memory_space<hbm>>
    tpu.enqueue_indirect_dma source(%dma_start3A_63 : memref<10240x64xf32, #tpu.memory_space<hbm>>) target(%dma_start3A_58 : memref<128x64xf32, #tpu.memory_space<vmem>>) offsets(%dma_start3A_60 : memref<128xi32, #tpu.memory_space<vmem>>) semaphore(%arg12 : memref<!tpu.dma_semaphore, #tpu.memory_space<semaphore_mem>>)
    %dma_start3A_64 = arith.constant 896 : i32
    %dma_start3A_65 = arith.constant 0 : i32
    %dma_start3A_66 = tpu.memref_slice %arg8[%dma_start3A_64, %dma_start3A_65] : memref<1024x64xf32, #tpu.memory_space<vmem>> -> memref<128x64xf32, #tpu.memory_space<vmem>>
    %dma_start3A_67 = arith.constant 896 : i32
    %dma_start3A_68 = tpu.memref_slice %arg6[%dma_start3A_67] : memref<1024xi32, #tpu.memory_space<vmem>> -> memref<128xi32, #tpu.memory_space<vmem>>
    %dma_start3A_69 = arith.constant 0 : i32
    %dma_start3A_70 = arith.constant 0 : i32
    %dma_start3A_71 = tpu.memref_slice %arg2[%dma_start3A_69, %dma_start3A_70] : memref<10240x64xf32, #tpu.memory_space<hbm>> -> memref<10240x64xf32, #tpu.memory_space<hbm>>
    tpu.enqueue_indirect_dma source(%dma_start3A_71 : memref<10240x64xf32, #tpu.memory_space<hbm>>) target(%dma_start3A_66 : memref<128x64xf32, #tpu.memory_space<vmem>>) offsets(%dma_start3A_68 : memref<128xi32, #tpu.memory_space<vmem>>) semaphore(%arg12 : memref<!tpu.dma_semaphore, #tpu.memory_space<semaphore_mem>>)
    %scan3A = arith.constant 0 : i32
    %scan3A_72 = arith.constant 0 : i32
    %scan3A_73 = arith.constant 40 : i32
    %scan3A_74 = arith.addi %scan3A_72, %scan3A_73 : i32
    %scan3A_75 = arith.constant 1 : i32
    scf.for %scan3A_94 = %scan3A_72 to %scan3A_74 step %scan3A_75  : i32 {
      %broadcast_in_dim3A = arith.constant 0.000000e+00 : f32
      %broadcast_in_dim3A_95 = vector.broadcast %broadcast_in_dim3A : f32 to vector<16xf32>
      %swap3A = arith.index_cast %scan3A_94 : i32 to index
      %swap3A_96 = arith.constant 0 : index
      %swap3A_97 = tpu.vector_load %arg9[%swap3A, %swap3A_96] {strides = array<i32>} : memref<40x64xf32, #tpu.memory_space<vmem>>, vector<1x16xf32>,
      %swap3A_98 = vector.shape_cast %swap3A_97 : vector<1x16xf32> to vector<16xf32>
      %swap3A_99 = vector.shape_cast %broadcast_in_dim3A_95 : vector<16xf32> to vector<1x16xf32>
      tpu.vector_store %arg9[%swap3A, %swap3A_96], %swap3A_99 {strides = array<i32>} : memref<40x64xf32, #tpu.memory_space<vmem>>, vector<1x16xf32>,
      %broadcast_in_dim3A_100 = arith.constant 0.000000e+00 : f32
      %broadcast_in_dim3A_101 = vector.broadcast %broadcast_in_dim3A_100 : f32 to vector<16xf32>
      %swap3A_102 = arith.index_cast %scan3A_94 : i32 to index
      %swap3A_103 = arith.constant 16 : index
      %swap3A_104 = tpu.vector_load %arg9[%swap3A_102, %swap3A_103] {strides = array<i32>} : memref<40x64xf32, #tpu.memory_space<vmem>>, vector<1x16xf32>,
      %swap3A_105 = vector.shape_cast %swap3A_104 : vector<1x16xf32> to vector<16xf32>
      %swap3A_106 = vector.shape_cast %broadcast_in_dim3A_101 : vector<16xf32> to vector<1x16xf32>
      tpu.vector_store %arg9[%swap3A_102, %swap3A_103], %swap3A_106 {strides = array<i32>} : memref<40x64xf32, #tpu.memory_space<vmem>>, vector<1x16xf32>,
      %broadcast_in_dim3A_107 = arith.constant 0.000000e+00 : f32
      %broadcast_in_dim3A_108 = vector.broadcast %broadcast_in_dim3A_107 : f32 to vector<16xf32>
      %swap3A_109 = arith.index_cast %scan3A_94 : i32 to index
      %swap3A_110 = arith.constant 32 : index
      %swap3A_111 = tpu.vector_load %arg9[%swap3A_109, %swap3A_110] {strides = array<i32>} : memref<40x64xf32, #tpu.memory_space<vmem>>, vector<1x16xf32>,
      %swap3A_112 = vector.shape_cast %swap3A_111 : vector<1x16xf32> to vector<16xf32>
      %swap3A_113 = vector.shape_cast %broadcast_in_dim3A_108 : vector<16xf32> to vector<1x16xf32>
      tpu.vector_store %arg9[%swap3A_109, %swap3A_110], %swap3A_113 {strides = array<i32>} : memref<40x64xf32, #tpu.memory_space<vmem>>, vector<1x16xf32>,
      %broadcast_in_dim3A_114 = arith.constant 0.000000e+00 : f32
      %broadcast_in_dim3A_115 = vector.broadcast %broadcast_in_dim3A_114 : f32 to vector<16xf32>
      %swap3A_116 = arith.index_cast %scan3A_94 : i32 to index
      %swap3A_117 = arith.constant 48 : index
      %swap3A_118 = tpu.vector_load %arg9[%swap3A_116, %swap3A_117] {strides = array<i32>} : memref<40x64xf32, #tpu.memory_space<vmem>>, vector<1x16xf32>,
      %swap3A_119 = vector.shape_cast %swap3A_118 : vector<1x16xf32> to vector<16xf32>
      %swap3A_120 = vector.shape_cast %broadcast_in_dim3A_115 : vector<16xf32> to vector<1x16xf32>
      tpu.vector_store %arg9[%swap3A_116, %swap3A_117], %swap3A_120 {strides = array<i32>} : memref<40x64xf32, #tpu.memory_space<vmem>>, vector<1x16xf32>,
    }
    %scan3A_76 = arith.constant 40 : i32
    %scan3A_77 = arith.constant 0 : i32
    %scan3A_78 = arith.constant 0 : i32
    %scan3A_79 = arith.constant 16 : i32
    %scan3A_80 = arith.addi %scan3A_78, %scan3A_79 : i32
    %scan3A_81 = arith.constant 1 : i32
    scf.for %scan3A_94 = %scan3A_78 to %scan3A_80 step %scan3A_81  : i32 {
      %mul3A_95 = arith.constant 640 : i32
      %mul3A_96 = arith.muli %arg1, %mul3A_95 : i32
      %mul3A_97 = arith.constant 40 : i32
      %mul3A_98 = arith.muli %scan3A_94, %mul3A_97 : i32
      %add3A_99 = arith.addi %mul3A_96, %mul3A_98 : i32
      "tpu.region"() ({
        %run_scoped3A_100 = tpu.sem_alloc : memref<!tpu.dma_semaphore, #tpu.memory_space<semaphore_mem>>
        %dma_start3A_101 = arith.constant 0 : i32
        %dma_start3A_102 = tpu.memref_slice %arg10[%add3A_99, %dma_start3A_101] : memref<10240x64xf32, #tpu.memory_space<vmem_shared>> -> memref<40x64xf32, #tpu.memory_space<vmem_shared>>
        %dma_start3A_103 = arith.constant 0 : i32
        %dma_start3A_104 = tpu.memref_slice %arg10[%add3A_99, %dma_start3A_103] : memref<10240x64xf32, #tpu.memory_space<vmem_shared>> -> memref<40x64xf32, #tpu.memory_space<vmem_shared>>
        tpu.enqueue_dma source(%arg9 : memref<40x64xf32, #tpu.memory_space<vmem>>) target(%dma_start3A_104 : memref<40x64xf32, #tpu.memory_space<vmem_shared>>) target_semaphore(%run_scoped3A_100 : memref<!tpu.dma_semaphore, #tpu.memory_space<semaphore_mem>>)
        %dma_wait3A = arith.constant 0 : i32
        %dma_wait3A_105 = tpu.memref_slice %arg10[%add3A_99, %dma_wait3A] : memref<10240x64xf32, #tpu.memory_space<vmem_shared>> -> memref<40x64xf32, #tpu.memory_space<vmem_shared>>
        %dma_wait3A_106 = arith.constant 0 : i32
        %dma_wait3A_107 = tpu.memref_slice %arg10[%add3A_99, %dma_wait3A_106] : memref<10240x64xf32, #tpu.memory_space<vmem_shared>> -> memref<40x64xf32, #tpu.memory_space<vmem_shared>>
        tpu.wait_dma2 semaphore(%run_scoped3A_100 : memref<!tpu.dma_semaphore, #tpu.memory_space<semaphore_mem>>) src(%arg9 : memref<40x64xf32, #tpu.memory_space<vmem>>) dst(%dma_wait3A_107 : memref<40x64xf32, #tpu.memory_space<vmem_shared>>)
        tpu.yield
      }) : () -> ()
    }
    %scan3A_82 = arith.constant 16 : i32
    %barrier3A = arith.constant 0 : index
    tpu.barrier barrier_id(%barrier3A)
    %scan3A_83 = arith.constant 0 : i32
    %scan3A_84 = arith.constant 0 : i32
    %scan3A_85 = arith.constant 10 : i32
    %scan3A_86 = arith.addi %scan3A_84, %scan3A_85 : i32
    %scan3A_87 = arith.constant 1 : i32
    scf.for %scan3A_94 = %scan3A_84 to %scan3A_86 step %scan3A_87  : i32 {
      %mul3A_95 = arith.constant 2 : i32
      %mul3A_96 = arith.muli %mul3A_95, %scan3A_94 : i32
      %add3A_97 = arith.constant 0 : i32
      %add3A_98 = arith.addi %mul3A_96, %add3A_97 : i32
      %lt3A_99 = arith.cmpi slt, %add3A_98, %add3A_3 : i32
      %convert_element_type3A_100 = arith.extui %lt3A_99 : i1 to i32
      %cond3A = arith.constant 0 : i32
      %cond3A_101 = arith.cmpi ne, %convert_element_type3A_100, %cond3A : i32
      scf.if %cond3A_101 {
        %dma_wait3A = arith.constant 0 : i32
        %dma_wait3A_110 = arith.constant 0 : i32
        %dma_wait3A_111 = tpu.memref_slice %arg8[%dma_wait3A, %dma_wait3A_110] : memref<1024x64xf32, #tpu.memory_space<vmem>> -> memref<128x64xf32, #tpu.memory_space<vmem>>
        %dma_wait3A_112 = arith.constant 0 : i32
        %dma_wait3A_113 = tpu.memref_slice %arg6[%dma_wait3A_112] : memref<1024xi32, #tpu.memory_space<vmem>> -> memref<128xi32, #tpu.memory_space<vmem>>
        %dma_wait3A_114 = arith.constant 0 : i32
        %dma_wait3A_115 = arith.constant 0 : i32
        %dma_wait3A_116 = tpu.memref_slice %arg2[%dma_wait3A_114, %dma_wait3A_115] : memref<10240x64xf32, #tpu.memory_space<hbm>> -> memref<10240x64xf32, #tpu.memory_space<hbm>>
        tpu.wait_indirect_dma semaphore(%arg11 : memref<!tpu.dma_semaphore, #tpu.memory_space<semaphore_mem>>) src(%dma_wait3A_116 : memref<10240x64xf32, #tpu.memory_space<hbm>>) dst(%dma_wait3A_111 : memref<128x64xf32, #tpu.memory_space<vmem>>)
        %dma_wait3A_117 = arith.constant 128 : i32
        %dma_wait3A_118 = arith.constant 0 : i32
        %dma_wait3A_119 = tpu.memref_slice %arg8[%dma_wait3A_117, %dma_wait3A_118] : memref<1024x64xf32, #tpu.memory_space<vmem>> -> memref<128x64xf32, #tpu.memory_space<vmem>>
        %dma_wait3A_120 = arith.constant 128 : i32
        %dma_wait3A_121 = tpu.memref_slice %arg6[%dma_wait3A_120] : memref<1024xi32, #tpu.memory_space<vmem>> -> memref<128xi32, #tpu.memory_space<vmem>>
        %dma_wait3A_122 = arith.constant 0 : i32
        %dma_wait3A_123 = arith.constant 0 : i32
        %dma_wait3A_124 = tpu.memref_slice %arg2[%dma_wait3A_122, %dma_wait3A_123] : memref<10240x64xf32, #tpu.memory_space<hbm>> -> memref<10240x64xf32, #tpu.memory_space<hbm>>
        tpu.wait_indirect_dma semaphore(%arg11 : memref<!tpu.dma_semaphore, #tpu.memory_space<semaphore_mem>>) src(%dma_wait3A_124 : memref<10240x64xf32, #tpu.memory_space<hbm>>) dst(%dma_wait3A_119 : memref<128x64xf32, #tpu.memory_space<vmem>>)
        %dma_wait3A_125 = arith.constant 256 : i32
        %dma_wait3A_126 = arith.constant 0 : i32
        %dma_wait3A_127 = tpu.memref_slice %arg8[%dma_wait3A_125, %dma_wait3A_126] : memref<1024x64xf32, #tpu.memory_space<vmem>> -> memref<128x64xf32, #tpu.memory_space<vmem>>
        %dma_wait3A_128 = arith.constant 256 : i32
        %dma_wait3A_129 = tpu.memref_slice %arg6[%dma_wait3A_128] : memref<1024xi32, #tpu.memory_space<vmem>> -> memref<128xi32, #tpu.memory_space<vmem>>
        %dma_wait3A_130 = arith.constant 0 : i32
        %dma_wait3A_131 = arith.constant 0 : i32
        %dma_wait3A_132 = tpu.memref_slice %arg2[%dma_wait3A_130, %dma_wait3A_131] : memref<10240x64xf32, #tpu.memory_space<hbm>> -> memref<10240x64xf32, #tpu.memory_space<hbm>>
        tpu.wait_indirect_dma semaphore(%arg11 : memref<!tpu.dma_semaphore, #tpu.memory_space<semaphore_mem>>) src(%dma_wait3A_132 : memref<10240x64xf32, #tpu.memory_space<hbm>>) dst(%dma_wait3A_127 : memref<128x64xf32, #tpu.memory_space<vmem>>)
        %dma_wait3A_133 = arith.constant 384 : i32
        %dma_wait3A_134 = arith.constant 0 : i32
        %dma_wait3A_135 = tpu.memref_slice %arg8[%dma_wait3A_133, %dma_wait3A_134] : memref<1024x64xf32, #tpu.memory_space<vmem>> -> memref<128x64xf32, #tpu.memory_space<vmem>>
        %dma_wait3A_136 = arith.constant 384 : i32
        %dma_wait3A_137 = tpu.memref_slice %arg6[%dma_wait3A_136] : memref<1024xi32, #tpu.memory_space<vmem>> -> memref<128xi32, #tpu.memory_space<vmem>>
        %dma_wait3A_138 = arith.constant 0 : i32
        %dma_wait3A_139 = arith.constant 0 : i32
        %dma_wait3A_140 = tpu.memref_slice %arg2[%dma_wait3A_138, %dma_wait3A_139] : memref<10240x64xf32, #tpu.memory_space<hbm>> -> memref<10240x64xf32, #tpu.memory_space<hbm>>
        tpu.wait_indirect_dma semaphore(%arg11 : memref<!tpu.dma_semaphore, #tpu.memory_space<semaphore_mem>>) src(%dma_wait3A_140 : memref<10240x64xf32, #tpu.memory_space<hbm>>) dst(%dma_wait3A_135 : memref<128x64xf32, #tpu.memory_space<vmem>>)
        %run_scoped3A_141 = arith.constant 0 : i32
        %run_scoped3A_142 = arith.constant 0 : i32
        "tpu.region"() ({
          %run_scoped3A_155 = tpu.sem_alloc : memref<!tpu.dma_semaphore, #tpu.memory_space<semaphore_mem>>
          %dma_start3A_156 = arith.constant 0 : i32
          %dma_start3A_157 = arith.constant 0 : i32
          %dma_start3A_158 = tpu.memref_slice %arg8[%dma_start3A_156, %dma_start3A_157] : memref<1024x64xf32, #tpu.memory_space<vmem>> -> memref<128x64xf32, #tpu.memory_space<vmem>>
          %dma_start3A_159 = arith.constant 0 : i32
          %dma_start3A_160 = arith.constant 0 : i32
          %dma_start3A_161 = tpu.memref_slice %arg7[%run_scoped3A_141, %dma_start3A_159, %dma_start3A_160] : memref<2x4x128xi32, #tpu.memory_space<vmem>> -> memref<1x4x128xi32, #tpu.memory_space<vmem>>
          %dma_start3A_162 = tpu.memref_squeeze %dma_start3A_161 : memref<1x4x128xi32, #tpu.memory_space<vmem>> -> memref<4x128xi32, #tpu.memory_space<vmem>>
          %dma_start3A_163 = arith.constant 0 : i32
          %dma_start3A_164 = tpu.memref_slice %dma_start3A_162[%run_scoped3A_142, %dma_start3A_163] : memref<4x128xi32, #tpu.memory_space<vmem>> -> memref<1x128xi32, #tpu.memory_space<vmem>>
          %dma_start3A_165 = tpu.memref_squeeze %dma_start3A_164 : memref<1x128xi32, #tpu.memory_space<vmem>> -> memref<128xi32, #tpu.memory_space<vmem>>
          %dma_start3A_166 = arith.constant 0 : i32
          %dma_start3A_167 = arith.constant 0 : i32
          %dma_start3A_168 = tpu.memref_slice %arg10[%dma_start3A_166, %dma_start3A_167] : memref<10240x64xf32, #tpu.memory_space<vmem_shared>> -> memref<10240x64xf32, #tpu.memory_space<vmem_shared>>
          tpu.enqueue_indirect_dma source(%dma_start3A_158 : memref<128x64xf32, #tpu.memory_space<vmem>>) target(%dma_start3A_168 : memref<10240x64xf32, #tpu.memory_space<vmem_shared>>) offsets(%dma_start3A_165 : memref<128xi32, #tpu.memory_space<vmem>>) semaphore(%run_scoped3A_155 : memref<!tpu.dma_semaphore, #tpu.memory_space<semaphore_mem>>) {add = true}
          %dma_wait3A_169 = arith.constant 0 : i32
          %dma_wait3A_170 = arith.constant 0 : i32
          %dma_wait3A_171 = tpu.memref_slice %arg8[%dma_wait3A_169, %dma_wait3A_170] : memref<1024x64xf32, #tpu.memory_space<vmem>> -> memref<128x64xf32, #tpu.memory_space<vmem>>
          %dma_wait3A_172 = arith.constant 0 : i32
          %dma_wait3A_173 = arith.constant 0 : i32
          %dma_wait3A_174 = tpu.memref_slice %arg7[%run_scoped3A_141, %dma_wait3A_172, %dma_wait3A_173] : memref<2x4x128xi32, #tpu.memory_space<vmem>> -> memref<1x4x128xi32, #tpu.memory_space<vmem>>
          %dma_wait3A_175 = tpu.memref_squeeze %dma_wait3A_174 : memref<1x4x128xi32, #tpu.memory_space<vmem>> -> memref<4x128xi32, #tpu.memory_space<vmem>>
          %dma_wait3A_176 = arith.constant 0 : i32
          %dma_wait3A_177 = tpu.memref_slice %dma_wait3A_175[%run_scoped3A_142, %dma_wait3A_176] : memref<4x128xi32, #tpu.memory_space<vmem>> -> memref<1x128xi32, #tpu.memory_space<vmem>>
          %dma_wait3A_178 = tpu.memref_squeeze %dma_wait3A_177 : memref<1x128xi32, #tpu.memory_space<vmem>> -> memref<128xi32, #tpu.memory_space<vmem>>
          %dma_wait3A_179 = arith.constant 0 : i32
          %dma_wait3A_180 = arith.constant 0 : i32
          %dma_wait3A_181 = tpu.memref_slice %arg10[%dma_wait3A_179, %dma_wait3A_180] : memref<10240x64xf32, #tpu.memory_space<vmem_shared>> -> memref<10240x64xf32, #tpu.memory_space<vmem_shared>>
          tpu.wait_indirect_dma semaphore(%run_scoped3A_155 : memref<!tpu.dma_semaphore, #tpu.memory_space<semaphore_mem>>) src(%dma_wait3A_171 : memref<128x64xf32, #tpu.memory_space<vmem>>) dst(%dma_wait3A_181 : memref<10240x64xf32, #tpu.memory_space<vmem_shared>>)
          tpu.yield
        }) : () -> ()
        %run_scoped3A_143 = arith.constant 0 : i32
        %run_scoped3A_144 = arith.constant 1 : i32
        "tpu.region"() ({
          %run_scoped3A_155 = tpu.sem_alloc : memref<!tpu.dma_semaphore, #tpu.memory_space<semaphore_mem>>
          %dma_start3A_156 = arith.constant 128 : i32
          %dma_start3A_157 = arith.constant 0 : i32
          %dma_start3A_158 = tpu.memref_slice %arg8[%dma_start3A_156, %dma_start3A_157] : memref<1024x64xf32, #tpu.memory_space<vmem>> -> memref<128x64xf32, #tpu.memory_space<vmem>>
          %dma_start3A_159 = arith.constant 0 : i32
          %dma_start3A_160 = arith.constant 0 : i32
          %dma_start3A_161 = tpu.memref_slice %arg7[%run_scoped3A_143, %dma_start3A_159, %dma_start3A_160] : memref<2x4x128xi32, #tpu.memory_space<vmem>> -> memref<1x4x128xi32, #tpu.memory_space<vmem>>
          %dma_start3A_162 = tpu.memref_squeeze %dma_start3A_161 : memref<1x4x128xi32, #tpu.memory_space<vmem>> -> memref<4x128xi32, #tpu.memory_space<vmem>>
          %dma_start3A_163 = arith.constant 0 : i32
          %dma_start3A_164 = tpu.memref_slice %dma_start3A_162[%run_scoped3A_144, %dma_start3A_163] : memref<4x128xi32, #tpu.memory_space<vmem>> -> memref<1x128xi32, #tpu.memory_space<vmem>>
          %dma_start3A_165 = tpu.memref_squeeze %dma_start3A_164 : memref<1x128xi32, #tpu.memory_space<vmem>> -> memref<128xi32, #tpu.memory_space<vmem>>
          %dma_start3A_166 = arith.constant 0 : i32
          %dma_start3A_167 = arith.constant 0 : i32
          %dma_start3A_168 = tpu.memref_slice %arg10[%dma_start3A_166, %dma_start3A_167] : memref<10240x64xf32, #tpu.memory_space<vmem_shared>> -> memref<10240x64xf32, #tpu.memory_space<vmem_shared>>
          tpu.enqueue_indirect_dma source(%dma_start3A_158 : memref<128x64xf32, #tpu.memory_space<vmem>>) target(%dma_start3A_168 : memref<10240x64xf32, #tpu.memory_space<vmem_shared>>) offsets(%dma_start3A_165 : memref<128xi32, #tpu.memory_space<vmem>>) semaphore(%run_scoped3A_155 : memref<!tpu.dma_semaphore, #tpu.memory_space<semaphore_mem>>) {add = true}
          %dma_wait3A_169 = arith.constant 128 : i32
          %dma_wait3A_170 = arith.constant 0 : i32
          %dma_wait3A_171 = tpu.memref_slice %arg8[%dma_wait3A_169, %dma_wait3A_170] : memref<1024x64xf32, #tpu.memory_space<vmem>> -> memref<128x64xf32, #tpu.memory_space<vmem>>
          %dma_wait3A_172 = arith.constant 0 : i32
          %dma_wait3A_173 = arith.constant 0 : i32
          %dma_wait3A_174 = tpu.memref_slice %arg7[%run_scoped3A_143, %dma_wait3A_172, %dma_wait3A_173] : memref<2x4x128xi32, #tpu.memory_space<vmem>> -> memref<1x4x128xi32, #tpu.memory_space<vmem>>
          %dma_wait3A_175 = tpu.memref_squeeze %dma_wait3A_174 : memref<1x4x128xi32, #tpu.memory_space<vmem>> -> memref<4x128xi32, #tpu.memory_space<vmem>>
          %dma_wait3A_176 = arith.constant 0 : i32
          %dma_wait3A_177 = tpu.memref_slice %dma_wait3A_175[%run_scoped3A_144, %dma_wait3A_176] : memref<4x128xi32, #tpu.memory_space<vmem>> -> memref<1x128xi32, #tpu.memory_space<vmem>>
          %dma_wait3A_178 = tpu.memref_squeeze %dma_wait3A_177 : memref<1x128xi32, #tpu.memory_space<vmem>> -> memref<128xi32, #tpu.memory_space<vmem>>
          %dma_wait3A_179 = arith.constant 0 : i32
          %dma_wait3A_180 = arith.constant 0 : i32
          %dma_wait3A_181 = tpu.memref_slice %arg10[%dma_wait3A_179, %dma_wait3A_180] : memref<10240x64xf32, #tpu.memory_space<vmem_shared>> -> memref<10240x64xf32, #tpu.memory_space<vmem_shared>>
          tpu.wait_indirect_dma semaphore(%run_scoped3A_155 : memref<!tpu.dma_semaphore, #tpu.memory_space<semaphore_mem>>) src(%dma_wait3A_171 : memref<128x64xf32, #tpu.memory_space<vmem>>) dst(%dma_wait3A_181 : memref<10240x64xf32, #tpu.memory_space<vmem_shared>>)
          tpu.yield
        }) : () -> ()
        %run_scoped3A_145 = arith.constant 0 : i32
        %run_scoped3A_146 = arith.constant 2 : i32
        "tpu.region"() ({
          %run_scoped3A_155 = tpu.sem_alloc : memref<!tpu.dma_semaphore, #tpu.memory_space<semaphore_mem>>
          %dma_start3A_156 = arith.constant 256 : i32
          %dma_start3A_157 = arith.constant 0 : i32
          %dma_start3A_158 = tpu.memref_slice %arg8[%dma_start3A_156, %dma_start3A_157] : memref<1024x64xf32, #tpu.memory_space<vmem>> -> memref<128x64xf32, #tpu.memory_space<vmem>>
          %dma_start3A_159 = arith.constant 0 : i32
          %dma_start3A_160 = arith.constant 0 : i32
          %dma_start3A_161 = tpu.memref_slice %arg7[%run_scoped3A_145, %dma_start3A_159, %dma_start3A_160] : memref<2x4x128xi32, #tpu.memory_space<vmem>> -> memref<1x4x128xi32, #tpu.memory_space<vmem>>
          %dma_start3A_162 = tpu.memref_squeeze %dma_start3A_161 : memref<1x4x128xi32, #tpu.memory_space<vmem>> -> memref<4x128xi32, #tpu.memory_space<vmem>>
          %dma_start3A_163 = arith.constant 0 : i32
          %dma_start3A_164 = tpu.memref_slice %dma_start3A_162[%run_scoped3A_146, %dma_start3A_163] : memref<4x128xi32, #tpu.memory_space<vmem>> -> memref<1x128xi32, #tpu.memory_space<vmem>>
          %dma_start3A_165 = tpu.memref_squeeze %dma_start3A_164 : memref<1x128xi32, #tpu.memory_space<vmem>> -> memref<128xi32, #tpu.memory_space<vmem>>
          %dma_start3A_166 = arith.constant 0 : i32
          %dma_start3A_167 = arith.constant 0 : i32
          %dma_start3A_168 = tpu.memref_slice %arg10[%dma_start3A_166, %dma_start3A_167] : memref<10240x64xf32, #tpu.memory_space<vmem_shared>> -> memref<10240x64xf32, #tpu.memory_space<vmem_shared>>
          tpu.enqueue_indirect_dma source(%dma_start3A_158 : memref<128x64xf32, #tpu.memory_space<vmem>>) target(%dma_start3A_168 : memref<10240x64xf32, #tpu.memory_space<vmem_shared>>) offsets(%dma_start3A_165 : memref<128xi32, #tpu.memory_space<vmem>>) semaphore(%run_scoped3A_155 : memref<!tpu.dma_semaphore, #tpu.memory_space<semaphore_mem>>) {add = true}
          %dma_wait3A_169 = arith.constant 256 : i32
          %dma_wait3A_170 = arith.constant 0 : i32
          %dma_wait3A_171 = tpu.memref_slice %arg8[%dma_wait3A_169, %dma_wait3A_170] : memref<1024x64xf32, #tpu.memory_space<vmem>> -> memref<128x64xf32, #tpu.memory_space<vmem>>
          %dma_wait3A_172 = arith.constant 0 : i32
          %dma_wait3A_173 = arith.constant 0 : i32
          %dma_wait3A_174 = tpu.memref_slice %arg7[%run_scoped3A_145, %dma_wait3A_172, %dma_wait3A_173] : memref<2x4x128xi32, #tpu.memory_space<vmem>> -> memref<1x4x128xi32, #tpu.memory_space<vmem>>
          %dma_wait3A_175 = tpu.memref_squeeze %dma_wait3A_174 : memref<1x4x128xi32, #tpu.memory_space<vmem>> -> memref<4x128xi32, #tpu.memory_space<vmem>>
          %dma_wait3A_176 = arith.constant 0 : i32
          %dma_wait3A_177 = tpu.memref_slice %dma_wait3A_175[%run_scoped3A_146, %dma_wait3A_176] : memref<4x128xi32, #tpu.memory_space<vmem>> -> memref<1x128xi32, #tpu.memory_space<vmem>>
          %dma_wait3A_178 = tpu.memref_squeeze %dma_wait3A_177 : memref<1x128xi32, #tpu.memory_space<vmem>> -> memref<128xi32, #tpu.memory_space<vmem>>
          %dma_wait3A_179 = arith.constant 0 : i32
          %dma_wait3A_180 = arith.constant 0 : i32
          %dma_wait3A_181 = tpu.memref_slice %arg10[%dma_wait3A_179, %dma_wait3A_180] : memref<10240x64xf32, #tpu.memory_space<vmem_shared>> -> memref<10240x64xf32, #tpu.memory_space<vmem_shared>>
          tpu.wait_indirect_dma semaphore(%run_scoped3A_155 : memref<!tpu.dma_semaphore, #tpu.memory_space<semaphore_mem>>) src(%dma_wait3A_171 : memref<128x64xf32, #tpu.memory_space<vmem>>) dst(%dma_wait3A_181 : memref<10240x64xf32, #tpu.memory_space<vmem_shared>>)
          tpu.yield
        }) : () -> ()
        %run_scoped3A_147 = arith.constant 0 : i32
        %run_scoped3A_148 = arith.constant 3 : i32
        "tpu.region"() ({
          %run_scoped3A_155 = tpu.sem_alloc : memref<!tpu.dma_semaphore, #tpu.memory_space<semaphore_mem>>
          %dma_start3A_156 = arith.constant 384 : i32
          %dma_start3A_157 = arith.constant 0 : i32
          %dma_start3A_158 = tpu.memref_slice %arg8[%dma_start3A_156, %dma_start3A_157] : memref<1024x64xf32, #tpu.memory_space<vmem>> -> memref<128x64xf32, #tpu.memory_space<vmem>>
          %dma_start3A_159 = arith.constant 0 : i32
          %dma_start3A_160 = arith.constant 0 : i32
          %dma_start3A_161 = tpu.memref_slice %arg7[%run_scoped3A_147, %dma_start3A_159, %dma_start3A_160] : memref<2x4x128xi32, #tpu.memory_space<vmem>> -> memref<1x4x128xi32, #tpu.memory_space<vmem>>
          %dma_start3A_162 = tpu.memref_squeeze %dma_start3A_161 : memref<1x4x128xi32, #tpu.memory_space<vmem>> -> memref<4x128xi32, #tpu.memory_space<vmem>>
          %dma_start3A_163 = arith.constant 0 : i32
          %dma_start3A_164 = tpu.memref_slice %dma_start3A_162[%run_scoped3A_148, %dma_start3A_163] : memref<4x128xi32, #tpu.memory_space<vmem>> -> memref<1x128xi32, #tpu.memory_space<vmem>>
          %dma_start3A_165 = tpu.memref_squeeze %dma_start3A_164 : memref<1x128xi32, #tpu.memory_space<vmem>> -> memref<128xi32, #tpu.memory_space<vmem>>
          %dma_start3A_166 = arith.constant 0 : i32
          %dma_start3A_167 = arith.constant 0 : i32
          %dma_start3A_168 = tpu.memref_slice %arg10[%dma_start3A_166, %dma_start3A_167] : memref<10240x64xf32, #tpu.memory_space<vmem_shared>> -> memref<10240x64xf32, #tpu.memory_space<vmem_shared>>
          tpu.enqueue_indirect_dma source(%dma_start3A_158 : memref<128x64xf32, #tpu.memory_space<vmem>>) target(%dma_start3A_168 : memref<10240x64xf32, #tpu.memory_space<vmem_shared>>) offsets(%dma_start3A_165 : memref<128xi32, #tpu.memory_space<vmem>>) semaphore(%run_scoped3A_155 : memref<!tpu.dma_semaphore, #tpu.memory_space<semaphore_mem>>) {add = true}
          %dma_wait3A_169 = arith.constant 384 : i32
          %dma_wait3A_170 = arith.constant 0 : i32
          %dma_wait3A_171 = tpu.memref_slice %arg8[%dma_wait3A_169, %dma_wait3A_170] : memref<1024x64xf32, #tpu.memory_space<vmem>> -> memref<128x64xf32, #tpu.memory_space<vmem>>
          %dma_wait3A_172 = arith.constant 0 : i32
          %dma_wait3A_173 = arith.constant 0 : i32
          %dma_wait3A_174 = tpu.memref_slice %arg7[%run_scoped3A_147, %dma_wait3A_172, %dma_wait3A_173] : memref<2x4x128xi32, #tpu.memory_space<vmem>> -> memref<1x4x128xi32, #tpu.memory_space<vmem>>
          %dma_wait3A_175 = tpu.memref_squeeze %dma_wait3A_174 : memref<1x4x128xi32, #tpu.memory_space<vmem>> -> memref<4x128xi32, #tpu.memory_space<vmem>>
          %dma_wait3A_176 = arith.constant 0 : i32
          %dma_wait3A_177 = tpu.memref_slice %dma_wait3A_175[%run_scoped3A_148, %dma_wait3A_176] : memref<4x128xi32, #tpu.memory_space<vmem>> -> memref<1x128xi32, #tpu.memory_space<vmem>>
          %dma_wait3A_178 = tpu.memref_squeeze %dma_wait3A_177 : memref<1x128xi32, #tpu.memory_space<vmem>> -> memref<128xi32, #tpu.memory_space<vmem>>
          %dma_wait3A_179 = arith.constant 0 : i32
          %dma_wait3A_180 = arith.constant 0 : i32
          %dma_wait3A_181 = tpu.memref_slice %arg10[%dma_wait3A_179, %dma_wait3A_180] : memref<10240x64xf32, #tpu.memory_space<vmem_shared>> -> memref<10240x64xf32, #tpu.memory_space<vmem_shared>>
          tpu.wait_indirect_dma semaphore(%run_scoped3A_155 : memref<!tpu.dma_semaphore, #tpu.memory_space<semaphore_mem>>) src(%dma_wait3A_171 : memref<128x64xf32, #tpu.memory_space<vmem>>) dst(%dma_wait3A_181 : memref<10240x64xf32, #tpu.memory_space<vmem_shared>>)
          tpu.yield
        }) : () -> ()
        %add3A_149 = arith.constant 2 : i32
        %add3A_150 = arith.addi %add3A_98, %add3A_149 : i32
        %lt3A_151 = arith.cmpi slt, %add3A_150, %add3A_3 : i32
        %convert_element_type3A_152 = arith.extui %lt3A_151 : i1 to i32
        %cond3A_153 = arith.constant 0 : i32
        %cond3A_154 = arith.cmpi ne, %convert_element_type3A_152, %cond3A_153 : i32
        scf.if %cond3A_154 {
          %add3A_155 = arith.constant 2 : i32
          %add3A_156 = arith.addi %add3A_98, %add3A_155 : i32
          %mul3A_157 = arith.constant 32 : i32
          %mul3A_158 = arith.muli %mul3A_157, %add3A_156 : i32
          %add3A_159 = arith.addi %add3A, %mul3A_158 : i32
          "tpu.region"() ({
            %run_scoped3A_193 = tpu.sem_alloc : memref<!tpu.dma_semaphore, #tpu.memory_space<semaphore_mem>>
            %dma_start3A_194 = arith.constant 0 : i32
            %dma_start3A_195 = tpu.memref_slice %arg6[%dma_start3A_194] : memref<1024xi32, #tpu.memory_space<vmem>> -> memref<512xi32, #tpu.memory_space<vmem>>
            %dma_start3A_196 = arith.constant 0 : i32
            %dma_start3A_197 = tpu.memref_slice %arg3[%add3A_159, %dma_start3A_196] : memref<625x512xi32, #tpu.memory_space<hbm>> -> memref<1x512xi32, #tpu.memory_space<hbm>>
            %dma_start3A_198 = tpu.memref_squeeze %dma_start3A_197 : memref<1x512xi32, #tpu.memory_space<hbm>> -> memref<512xi32, #tpu.memory_space<hbm>>
            %dma_start3A_199 = arith.constant 0 : i32
            %dma_start3A_200 = tpu.memref_slice %arg6[%dma_start3A_199] : memref<1024xi32, #tpu.memory_space<vmem>> -> memref<512xi32, #tpu.memory_space<vmem>>
            %dma_start3A_201 = arith.constant 0 : i32
            %dma_start3A_202 = tpu.memref_slice %arg3[%add3A_159, %dma_start3A_201] : memref<625x512xi32, #tpu.memory_space<hbm>> -> memref<1x512xi32, #tpu.memory_space<hbm>>
            %dma_start3A_203 = tpu.memref_squeeze %dma_start3A_202 : memref<1x512xi32, #tpu.memory_space<hbm>> -> memref<512xi32, #tpu.memory_space<hbm>>
            tpu.enqueue_dma source(%dma_start3A_203 : memref<512xi32, #tpu.memory_space<hbm>>) target(%dma_start3A_200 : memref<512xi32, #tpu.memory_space<vmem>>) target_semaphore(%run_scoped3A_193 : memref<!tpu.dma_semaphore, #tpu.memory_space<semaphore_mem>>)
            %dma_wait3A_204 = arith.constant 0 : i32
            %dma_wait3A_205 = tpu.memref_slice %arg6[%dma_wait3A_204] : memref<1024xi32, #tpu.memory_space<vmem>> -> memref<512xi32, #tpu.memory_space<vmem>>
            %dma_wait3A_206 = arith.constant 0 : i32
            %dma_wait3A_207 = tpu.memref_slice %arg3[%add3A_159, %dma_wait3A_206] : memref<625x512xi32, #tpu.memory_space<hbm>> -> memref<1x512xi32, #tpu.memory_space<hbm>>
            %dma_wait3A_208 = tpu.memref_squeeze %dma_wait3A_207 : memref<1x512xi32, #tpu.memory_space<hbm>> -> memref<512xi32, #tpu.memory_space<hbm>>
            %dma_wait3A_209 = arith.constant 0 : i32
            %dma_wait3A_210 = tpu.memref_slice %arg6[%dma_wait3A_209] : memref<1024xi32, #tpu.memory_space<vmem>> -> memref<512xi32, #tpu.memory_space<vmem>>
            %dma_wait3A_211 = arith.constant 0 : i32
            %dma_wait3A_212 = tpu.memref_slice %arg3[%add3A_159, %dma_wait3A_211] : memref<625x512xi32, #tpu.memory_space<hbm>> -> memref<1x512xi32, #tpu.memory_space<hbm>>
            %dma_wait3A_213 = tpu.memref_squeeze %dma_wait3A_212 : memref<1x512xi32, #tpu.memory_space<hbm>> -> memref<512xi32, #tpu.memory_space<hbm>>
            tpu.wait_dma2 semaphore(%run_scoped3A_193 : memref<!tpu.dma_semaphore, #tpu.memory_space<semaphore_mem>>) src(%dma_wait3A_213 : memref<512xi32, #tpu.memory_space<hbm>>) dst(%dma_wait3A_210 : memref<512xi32, #tpu.memory_space<vmem>>)
            tpu.yield
          }) : () -> ()
          %run_scoped3A_160 = arith.constant 0 : i32
          "tpu.region"() ({
            %run_scoped3A_193 = tpu.sem_alloc : memref<!tpu.dma_semaphore, #tpu.memory_space<semaphore_mem>>
            %dma_start3A_194 = arith.constant 0 : i32
            %dma_start3A_195 = arith.constant 0 : i32
            %dma_start3A_196 = tpu.memref_slice %arg7[%run_scoped3A_160, %dma_start3A_194, %dma_start3A_195] : memref<2x4x128xi32, #tpu.memory_space<vmem>> -> memref<1x4x128xi32, #tpu.memory_space<vmem>>
            %dma_start3A_197 = tpu.memref_squeeze %dma_start3A_196 : memref<1x4x128xi32, #tpu.memory_space<vmem>> -> memref<4x128xi32, #tpu.memory_space<vmem>>
            %dma_start3A_198 = arith.constant 0 : i32
            %dma_start3A_199 = arith.constant 0 : i32
            %dma_start3A_200 = tpu.memref_slice %arg4[%add3A_159, %dma_start3A_198, %dma_start3A_199] : memref<625x4x128xi32, #tpu.memory_space<hbm>> -> memref<1x4x128xi32, #tpu.memory_space<hbm>>
            %dma_start3A_201 = tpu.memref_squeeze %dma_start3A_200 : memref<1x4x128xi32, #tpu.memory_space<hbm>> -> memref<4x128xi32, #tpu.memory_space<hbm>>
            %dma_start3A_202 = arith.constant 0 : i32
            %dma_start3A_203 = arith.constant 0 : i32
            %dma_start3A_204 = tpu.memref_slice %arg7[%run_scoped3A_160, %dma_start3A_202, %dma_start3A_203] : memref<2x4x128xi32, #tpu.memory_space<vmem>> -> memref<1x4x128xi32, #tpu.memory_space<vmem>>
            %dma_start3A_205 = tpu.memref_squeeze %dma_start3A_204 : memref<1x4x128xi32, #tpu.memory_space<vmem>> -> memref<4x128xi32, #tpu.memory_space<vmem>>
            %dma_start3A_206 = arith.constant 0 : i32
            %dma_start3A_207 = arith.constant 0 : i32
            %dma_start3A_208 = tpu.memref_slice %arg4[%add3A_159, %dma_start3A_206, %dma_start3A_207] : memref<625x4x128xi32, #tpu.memory_space<hbm>> -> memref<1x4x128xi32, #tpu.memory_space<hbm>>
            %dma_start3A_209 = tpu.memref_squeeze %dma_start3A_208 : memref<1x4x128xi32, #tpu.memory_space<hbm>> -> memref<4x128xi32, #tpu.memory_space<hbm>>
            tpu.enqueue_dma source(%dma_start3A_209 : memref<4x128xi32, #tpu.memory_space<hbm>>) target(%dma_start3A_205 : memref<4x128xi32, #tpu.memory_space<vmem>>) target_semaphore(%run_scoped3A_193 : memref<!tpu.dma_semaphore, #tpu.memory_space<semaphore_mem>>)
            %dma_wait3A_210 = arith.constant 0 : i32
            %dma_wait3A_211 = arith.constant 0 : i32
            %dma_wait3A_212 = tpu.memref_slice %arg7[%run_scoped3A_160, %dma_wait3A_210, %dma_wait3A_211] : memref<2x4x128xi32, #tpu.memory_space<vmem>> -> memref<1x4x128xi32, #tpu.memory_space<vmem>>
            %dma_wait3A_213 = tpu.memref_squeeze %dma_wait3A_212 : memref<1x4x128xi32, #tpu.memory_space<vmem>> -> memref<4x128xi32, #tpu.memory_space<vmem>>
            %dma_wait3A_214 = arith.constant 0 : i32
            %dma_wait3A_215 = arith.constant 0 : i32
            %dma_wait3A_216 = tpu.memref_slice %arg4[%add3A_159, %dma_wait3A_214, %dma_wait3A_215] : memref<625x4x128xi32, #tpu.memory_space<hbm>> -> memref<1x4x128xi32, #tpu.memory_space<hbm>>
            %dma_wait3A_217 = tpu.memref_squeeze %dma_wait3A_216 : memref<1x4x128xi32, #tpu.memory_space<hbm>> -> memref<4x128xi32, #tpu.memory_space<hbm>>
            %dma_wait3A_218 = arith.constant 0 : i32
            %dma_wait3A_219 = arith.constant 0 : i32
            %dma_wait3A_220 = tpu.memref_slice %arg7[%run_scoped3A_160, %dma_wait3A_218, %dma_wait3A_219] : memref<2x4x128xi32, #tpu.memory_space<vmem>> -> memref<1x4x128xi32, #tpu.memory_space<vmem>>
            %dma_wait3A_221 = tpu.memref_squeeze %dma_wait3A_220 : memref<1x4x128xi32, #tpu.memory_space<vmem>> -> memref<4x128xi32, #tpu.memory_space<vmem>>
            %dma_wait3A_222 = arith.constant 0 : i32
            %dma_wait3A_223 = arith.constant 0 : i32
            %dma_wait3A_224 = tpu.memref_slice %arg4[%add3A_159, %dma_wait3A_222, %dma_wait3A_223] : memref<625x4x128xi32, #tpu.memory_space<hbm>> -> memref<1x4x128xi32, #tpu.memory_space<hbm>>
            %dma_wait3A_225 = tpu.memref_squeeze %dma_wait3A_224 : memref<1x4x128xi32, #tpu.memory_space<hbm>> -> memref<4x128xi32, #tpu.memory_space<hbm>>
            tpu.wait_dma2 semaphore(%run_scoped3A_193 : memref<!tpu.dma_semaphore, #tpu.memory_space<semaphore_mem>>) src(%dma_wait3A_225 : memref<4x128xi32, #tpu.memory_space<hbm>>) dst(%dma_wait3A_221 : memref<4x128xi32, #tpu.memory_space<vmem>>)
            tpu.yield
          }) : () -> ()
          %dma_start3A_161 = arith.constant 0 : i32
          %dma_start3A_162 = arith.constant 0 : i32
          %dma_start3A_163 = tpu.memref_slice %arg8[%dma_start3A_161, %dma_start3A_162] : memref<1024x64xf32, #tpu.memory_space<vmem>> -> memref<128x64xf32, #tpu.memory_space<vmem>>
          %dma_start3A_164 = arith.constant 0 : i32
          %dma_start3A_165 = tpu.memref_slice %arg6[%dma_start3A_164] : memref<1024xi32, #tpu.memory_space<vmem>> -> memref<128xi32, #tpu.memory_space<vmem>>
          %dma_start3A_166 = arith.constant 0 : i32
          %dma_start3A_167 = arith.constant 0 : i32
          %dma_start3A_168 = tpu.memref_slice %arg2[%dma_start3A_166, %dma_start3A_167] : memref<10240x64xf32, #tpu.memory_space<hbm>> -> memref<10240x64xf32, #tpu.memory_space<hbm>>
          tpu.enqueue_indirect_dma source(%dma_start3A_168 : memref<10240x64xf32, #tpu.memory_space<hbm>>) target(%dma_start3A_163 : memref<128x64xf32, #tpu.memory_space<vmem>>) offsets(%dma_start3A_165 : memref<128xi32, #tpu.memory_space<vmem>>) semaphore(%arg11 : memref<!tpu.dma_semaphore, #tpu.memory_space<semaphore_mem>>)
          %dma_start3A_169 = arith.constant 128 : i32
          %dma_start3A_170 = arith.constant 0 : i32
          %dma_start3A_171 = tpu.memref_slice %arg8[%dma_start3A_169, %dma_start3A_170] : memref<1024x64xf32, #tpu.memory_space<vmem>> -> memref<128x64xf32, #tpu.memory_space<vmem>>
          %dma_start3A_172 = arith.constant 128 : i32
          %dma_start3A_173 = tpu.memref_slice %arg6[%dma_start3A_172] : memref<1024xi32, #tpu.memory_space<vmem>> -> memref<128xi32, #tpu.memory_space<vmem>>
          %dma_start3A_174 = arith.constant 0 : i32
          %dma_start3A_175 = arith.constant 0 : i32
          %dma_start3A_176 = tpu.memref_slice %arg2[%dma_start3A_174, %dma_start3A_175] : memref<10240x64xf32, #tpu.memory_space<hbm>> -> memref<10240x64xf32, #tpu.memory_space<hbm>>
          tpu.enqueue_indirect_dma source(%dma_start3A_176 : memref<10240x64xf32, #tpu.memory_space<hbm>>) target(%dma_start3A_171 : memref<128x64xf32, #tpu.memory_space<vmem>>) offsets(%dma_start3A_173 : memref<128xi32, #tpu.memory_space<vmem>>) semaphore(%arg11 : memref<!tpu.dma_semaphore, #tpu.memory_space<semaphore_mem>>)
          %dma_start3A_177 = arith.constant 256 : i32
          %dma_start3A_178 = arith.constant 0 : i32
          %dma_start3A_179 = tpu.memref_slice %arg8[%dma_start3A_177, %dma_start3A_178] : memref<1024x64xf32, #tpu.memory_space<vmem>> -> memref<128x64xf32, #tpu.memory_space<vmem>>
          %dma_start3A_180 = arith.constant 256 : i32
          %dma_start3A_181 = tpu.memref_slice %arg6[%dma_start3A_180] : memref<1024xi32, #tpu.memory_space<vmem>> -> memref<128xi32, #tpu.memory_space<vmem>>
          %dma_start3A_182 = arith.constant 0 : i32
          %dma_start3A_183 = arith.constant 0 : i32
          %dma_start3A_184 = tpu.memref_slice %arg2[%dma_start3A_182, %dma_start3A_183] : memref<10240x64xf32, #tpu.memory_space<hbm>> -> memref<10240x64xf32, #tpu.memory_space<hbm>>
          tpu.enqueue_indirect_dma source(%dma_start3A_184 : memref<10240x64xf32, #tpu.memory_space<hbm>>) target(%dma_start3A_179 : memref<128x64xf32, #tpu.memory_space<vmem>>) offsets(%dma_start3A_181 : memref<128xi32, #tpu.memory_space<vmem>>) semaphore(%arg11 : memref<!tpu.dma_semaphore, #tpu.memory_space<semaphore_mem>>)
          %dma_start3A_185 = arith.constant 384 : i32
          %dma_start3A_186 = arith.constant 0 : i32
          %dma_start3A_187 = tpu.memref_slice %arg8[%dma_start3A_185, %dma_start3A_186] : memref<1024x64xf32, #tpu.memory_space<vmem>> -> memref<128x64xf32, #tpu.memory_space<vmem>>
          %dma_start3A_188 = arith.constant 384 : i32
          %dma_start3A_189 = tpu.memref_slice %arg6[%dma_start3A_188] : memref<1024xi32, #tpu.memory_space<vmem>> -> memref<128xi32, #tpu.memory_space<vmem>>
          %dma_start3A_190 = arith.constant 0 : i32
          %dma_start3A_191 = arith.constant 0 : i32
          %dma_start3A_192 = tpu.memref_slice %arg2[%dma_start3A_190, %dma_start3A_191] : memref<10240x64xf32, #tpu.memory_space<hbm>> -> memref<10240x64xf32, #tpu.memory_space<hbm>>
          tpu.enqueue_indirect_dma source(%dma_start3A_192 : memref<10240x64xf32, #tpu.memory_space<hbm>>) target(%dma_start3A_187 : memref<128x64xf32, #tpu.memory_space<vmem>>) offsets(%dma_start3A_189 : memref<128xi32, #tpu.memory_space<vmem>>) semaphore(%arg11 : memref<!tpu.dma_semaphore, #tpu.memory_space<semaphore_mem>>)
        } else {
        }
      } else {
      }
      %mul3A_102 = arith.constant 2 : i32
      %mul3A_103 = arith.muli %mul3A_102, %scan3A_94 : i32
      %add3A_104 = arith.constant 1 : i32
      %add3A_105 = arith.addi %mul3A_103, %add3A_104 : i32
      %lt3A_106 = arith.cmpi slt, %add3A_105, %add3A_3 : i32
      %convert_element_type3A_107 = arith.extui %lt3A_106 : i1 to i32
      %cond3A_108 = arith.constant 0 : i32
      %cond3A_109 = arith.cmpi ne, %convert_element_type3A_107, %cond3A_108 : i32
      scf.if %cond3A_109 {
        %dma_wait3A = arith.constant 512 : i32
        %dma_wait3A_110 = arith.constant 0 : i32
        %dma_wait3A_111 = tpu.memref_slice %arg8[%dma_wait3A, %dma_wait3A_110] : memref<1024x64xf32, #tpu.memory_space<vmem>> -> memref<128x64xf32, #tpu.memory_space<vmem>>
        %dma_wait3A_112 = arith.constant 512 : i32
        %dma_wait3A_113 = tpu.memref_slice %arg6[%dma_wait3A_112] : memref<1024xi32, #tpu.memory_space<vmem>> -> memref<128xi32, #tpu.memory_space<vmem>>
        %dma_wait3A_114 = arith.constant 0 : i32
        %dma_wait3A_115 = arith.constant 0 : i32
        %dma_wait3A_116 = tpu.memref_slice %arg2[%dma_wait3A_114, %dma_wait3A_115] : memref<10240x64xf32, #tpu.memory_space<hbm>> -> memref<10240x64xf32, #tpu.memory_space<hbm>>
        tpu.wait_indirect_dma semaphore(%arg12 : memref<!tpu.dma_semaphore, #tpu.memory_space<semaphore_mem>>) src(%dma_wait3A_116 : memref<10240x64xf32, #tpu.memory_space<hbm>>) dst(%dma_wait3A_111 : memref<128x64xf32, #tpu.memory_space<vmem>>)
        %dma_wait3A_117 = arith.constant 640 : i32
        %dma_wait3A_118 = arith.constant 0 : i32
        %dma_wait3A_119 = tpu.memref_slice %arg8[%dma_wait3A_117, %dma_wait3A_118] : memref<1024x64xf32, #tpu.memory_space<vmem>> -> memref<128x64xf32, #tpu.memory_space<vmem>>
        %dma_wait3A_120 = arith.constant 640 : i32
        %dma_wait3A_121 = tpu.memref_slice %arg6[%dma_wait3A_120] : memref<1024xi32, #tpu.memory_space<vmem>> -> memref<128xi32, #tpu.memory_space<vmem>>
        %dma_wait3A_122 = arith.constant 0 : i32
        %dma_wait3A_123 = arith.constant 0 : i32
        %dma_wait3A_124 = tpu.memref_slice %arg2[%dma_wait3A_122, %dma_wait3A_123] : memref<10240x64xf32, #tpu.memory_space<hbm>> -> memref<10240x64xf32, #tpu.memory_space<hbm>>
        tpu.wait_indirect_dma semaphore(%arg12 : memref<!tpu.dma_semaphore, #tpu.memory_space<semaphore_mem>>) src(%dma_wait3A_124 : memref<10240x64xf32, #tpu.memory_space<hbm>>) dst(%dma_wait3A_119 : memref<128x64xf32, #tpu.memory_space<vmem>>)
        %dma_wait3A_125 = arith.constant 768 : i32
        %dma_wait3A_126 = arith.constant 0 : i32
        %dma_wait3A_127 = tpu.memref_slice %arg8[%dma_wait3A_125, %dma_wait3A_126] : memref<1024x64xf32, #tpu.memory_space<vmem>> -> memref<128x64xf32, #tpu.memory_space<vmem>>
        %dma_wait3A_128 = arith.constant 768 : i32
        %dma_wait3A_129 = tpu.memref_slice %arg6[%dma_wait3A_128] : memref<1024xi32, #tpu.memory_space<vmem>> -> memref<128xi32, #tpu.memory_space<vmem>>
        %dma_wait3A_130 = arith.constant 0 : i32
        %dma_wait3A_131 = arith.constant 0 : i32
        %dma_wait3A_132 = tpu.memref_slice %arg2[%dma_wait3A_130, %dma_wait3A_131] : memref<10240x64xf32, #tpu.memory_space<hbm>> -> memref<10240x64xf32, #tpu.memory_space<hbm>>
        tpu.wait_indirect_dma semaphore(%arg12 : memref<!tpu.dma_semaphore, #tpu.memory_space<semaphore_mem>>) src(%dma_wait3A_132 : memref<10240x64xf32, #tpu.memory_space<hbm>>) dst(%dma_wait3A_127 : memref<128x64xf32, #tpu.memory_space<vmem>>)
        %dma_wait3A_133 = arith.constant 896 : i32
        %dma_wait3A_134 = arith.constant 0 : i32
        %dma_wait3A_135 = tpu.memref_slice %arg8[%dma_wait3A_133, %dma_wait3A_134] : memref<1024x64xf32, #tpu.memory_space<vmem>> -> memref<128x64xf32, #tpu.memory_space<vmem>>
        %dma_wait3A_136 = arith.constant 896 : i32
        %dma_wait3A_137 = tpu.memref_slice %arg6[%dma_wait3A_136] : memref<1024xi32, #tpu.memory_space<vmem>> -> memref<128xi32, #tpu.memory_space<vmem>>
        %dma_wait3A_138 = arith.constant 0 : i32
        %dma_wait3A_139 = arith.constant 0 : i32
        %dma_wait3A_140 = tpu.memref_slice %arg2[%dma_wait3A_138, %dma_wait3A_139] : memref<10240x64xf32, #tpu.memory_space<hbm>> -> memref<10240x64xf32, #tpu.memory_space<hbm>>
        tpu.wait_indirect_dma semaphore(%arg12 : memref<!tpu.dma_semaphore, #tpu.memory_space<semaphore_mem>>) src(%dma_wait3A_140 : memref<10240x64xf32, #tpu.memory_space<hbm>>) dst(%dma_wait3A_135 : memref<128x64xf32, #tpu.memory_space<vmem>>)
        %run_scoped3A_141 = arith.constant 1 : i32
        %run_scoped3A_142 = arith.constant 0 : i32
        "tpu.region"() ({
          %run_scoped3A_155 = tpu.sem_alloc : memref<!tpu.dma_semaphore, #tpu.memory_space<semaphore_mem>>
          %dma_start3A_156 = arith.constant 512 : i32
          %dma_start3A_157 = arith.constant 0 : i32
          %dma_start3A_158 = tpu.memref_slice %arg8[%dma_start3A_156, %dma_start3A_157] : memref<1024x64xf32, #tpu.memory_space<vmem>> -> memref<128x64xf32, #tpu.memory_space<vmem>>
          %dma_start3A_159 = arith.constant 0 : i32
          %dma_start3A_160 = arith.constant 0 : i32
          %dma_start3A_161 = tpu.memref_slice %arg7[%run_scoped3A_141, %dma_start3A_159, %dma_start3A_160] : memref<2x4x128xi32, #tpu.memory_space<vmem>> -> memref<1x4x128xi32, #tpu.memory_space<vmem>>
          %dma_start3A_162 = tpu.memref_squeeze %dma_start3A_161 : memref<1x4x128xi32, #tpu.memory_space<vmem>> -> memref<4x128xi32, #tpu.memory_space<vmem>>
          %dma_start3A_163 = arith.constant 0 : i32
          %dma_start3A_164 = tpu.memref_slice %dma_start3A_162[%run_scoped3A_142, %dma_start3A_163] : memref<4x128xi32, #tpu.memory_space<vmem>> -> memref<1x128xi32, #tpu.memory_space<vmem>>
          %dma_start3A_165 = tpu.memref_squeeze %dma_start3A_164 : memref<1x128xi32, #tpu.memory_space<vmem>> -> memref<128xi32, #tpu.memory_space<vmem>>
          %dma_start3A_166 = arith.constant 0 : i32
          %dma_start3A_167 = arith.constant 0 : i32
          %dma_start3A_168 = tpu.memref_slice %arg10[%dma_start3A_166, %dma_start3A_167] : memref<10240x64xf32, #tpu.memory_space<vmem_shared>> -> memref<10240x64xf32, #tpu.memory_space<vmem_shared>>
          tpu.enqueue_indirect_dma source(%dma_start3A_158 : memref<128x64xf32, #tpu.memory_space<vmem>>) target(%dma_start3A_168 : memref<10240x64xf32, #tpu.memory_space<vmem_shared>>) offsets(%dma_start3A_165 : memref<128xi32, #tpu.memory_space<vmem>>) semaphore(%run_scoped3A_155 : memref<!tpu.dma_semaphore, #tpu.memory_space<semaphore_mem>>) {add = true}
          %dma_wait3A_169 = arith.constant 512 : i32
          %dma_wait3A_170 = arith.constant 0 : i32
          %dma_wait3A_171 = tpu.memref_slice %arg8[%dma_wait3A_169, %dma_wait3A_170] : memref<1024x64xf32, #tpu.memory_space<vmem>> -> memref<128x64xf32, #tpu.memory_space<vmem>>
          %dma_wait3A_172 = arith.constant 0 : i32
          %dma_wait3A_173 = arith.constant 0 : i32
          %dma_wait3A_174 = tpu.memref_slice %arg7[%run_scoped3A_141, %dma_wait3A_172, %dma_wait3A_173] : memref<2x4x128xi32, #tpu.memory_space<vmem>> -> memref<1x4x128xi32, #tpu.memory_space<vmem>>
          %dma_wait3A_175 = tpu.memref_squeeze %dma_wait3A_174 : memref<1x4x128xi32, #tpu.memory_space<vmem>> -> memref<4x128xi32, #tpu.memory_space<vmem>>
          %dma_wait3A_176 = arith.constant 0 : i32
          %dma_wait3A_177 = tpu.memref_slice %dma_wait3A_175[%run_scoped3A_142, %dma_wait3A_176] : memref<4x128xi32, #tpu.memory_space<vmem>> -> memref<1x128xi32, #tpu.memory_space<vmem>>
          %dma_wait3A_178 = tpu.memref_squeeze %dma_wait3A_177 : memref<1x128xi32, #tpu.memory_space<vmem>> -> memref<128xi32, #tpu.memory_space<vmem>>
          %dma_wait3A_179 = arith.constant 0 : i32
          %dma_wait3A_180 = arith.constant 0 : i32
          %dma_wait3A_181 = tpu.memref_slice %arg10[%dma_wait3A_179, %dma_wait3A_180] : memref<10240x64xf32, #tpu.memory_space<vmem_shared>> -> memref<10240x64xf32, #tpu.memory_space<vmem_shared>>
          tpu.wait_indirect_dma semaphore(%run_scoped3A_155 : memref<!tpu.dma_semaphore, #tpu.memory_space<semaphore_mem>>) src(%dma_wait3A_171 : memref<128x64xf32, #tpu.memory_space<vmem>>) dst(%dma_wait3A_181 : memref<10240x64xf32, #tpu.memory_space<vmem_shared>>)
          tpu.yield
        }) : () -> ()
        %run_scoped3A_143 = arith.constant 1 : i32
        %run_scoped3A_144 = arith.constant 1 : i32
        "tpu.region"() ({
          %run_scoped3A_155 = tpu.sem_alloc : memref<!tpu.dma_semaphore, #tpu.memory_space<semaphore_mem>>
          %dma_start3A_156 = arith.constant 640 : i32
          %dma_start3A_157 = arith.constant 0 : i32
          %dma_start3A_158 = tpu.memref_slice %arg8[%dma_start3A_156, %dma_start3A_157] : memref<1024x64xf32, #tpu.memory_space<vmem>> -> memref<128x64xf32, #tpu.memory_space<vmem>>
          %dma_start3A_159 = arith.constant 0 : i32
          %dma_start3A_160 = arith.constant 0 : i32
          %dma_start3A_161 = tpu.memref_slice %arg7[%run_scoped3A_143, %dma_start3A_159, %dma_start3A_160] : memref<2x4x128xi32, #tpu.memory_space<vmem>> -> memref<1x4x128xi32, #tpu.memory_space<vmem>>
          %dma_start3A_162 = tpu.memref_squeeze %dma_start3A_161 : memref<1x4x128xi32, #tpu.memory_space<vmem>> -> memref<4x128xi32, #tpu.memory_space<vmem>>
          %dma_start3A_163 = arith.constant 0 : i32
          %dma_start3A_164 = tpu.memref_slice %dma_start3A_162[%run_scoped3A_144, %dma_start3A_163] : memref<4x128xi32, #tpu.memory_space<vmem>> -> memref<1x128xi32, #tpu.memory_space<vmem>>
          %dma_start3A_165 = tpu.memref_squeeze %dma_start3A_164 : memref<1x128xi32, #tpu.memory_space<vmem>> -> memref<128xi32, #tpu.memory_space<vmem>>
          %dma_start3A_166 = arith.constant 0 : i32
          %dma_start3A_167 = arith.constant 0 : i32
          %dma_start3A_168 = tpu.memref_slice %arg10[%dma_start3A_166, %dma_start3A_167] : memref<10240x64xf32, #tpu.memory_space<vmem_shared>> -> memref<10240x64xf32, #tpu.memory_space<vmem_shared>>
          tpu.enqueue_indirect_dma source(%dma_start3A_158 : memref<128x64xf32, #tpu.memory_space<vmem>>) target(%dma_start3A_168 : memref<10240x64xf32, #tpu.memory_space<vmem_shared>>) offsets(%dma_start3A_165 : memref<128xi32, #tpu.memory_space<vmem>>) semaphore(%run_scoped3A_155 : memref<!tpu.dma_semaphore, #tpu.memory_space<semaphore_mem>>) {add = true}
          %dma_wait3A_169 = arith.constant 640 : i32
          %dma_wait3A_170 = arith.constant 0 : i32
          %dma_wait3A_171 = tpu.memref_slice %arg8[%dma_wait3A_169, %dma_wait3A_170] : memref<1024x64xf32, #tpu.memory_space<vmem>> -> memref<128x64xf32, #tpu.memory_space<vmem>>
          %dma_wait3A_172 = arith.constant 0 : i32
          %dma_wait3A_173 = arith.constant 0 : i32
          %dma_wait3A_174 = tpu.memref_slice %arg7[%run_scoped3A_143, %dma_wait3A_172, %dma_wait3A_173] : memref<2x4x128xi32, #tpu.memory_space<vmem>> -> memref<1x4x128xi32, #tpu.memory_space<vmem>>
          %dma_wait3A_175 = tpu.memref_squeeze %dma_wait3A_174 : memref<1x4x128xi32, #tpu.memory_space<vmem>> -> memref<4x128xi32, #tpu.memory_space<vmem>>
          %dma_wait3A_176 = arith.constant 0 : i32
          %dma_wait3A_177 = tpu.memref_slice %dma_wait3A_175[%run_scoped3A_144, %dma_wait3A_176] : memref<4x128xi32, #tpu.memory_space<vmem>> -> memref<1x128xi32, #tpu.memory_space<vmem>>
          %dma_wait3A_178 = tpu.memref_squeeze %dma_wait3A_177 : memref<1x128xi32, #tpu.memory_space<vmem>> -> memref<128xi32, #tpu.memory_space<vmem>>
          %dma_wait3A_179 = arith.constant 0 : i32
          %dma_wait3A_180 = arith.constant 0 : i32
          %dma_wait3A_181 = tpu.memref_slice %arg10[%dma_wait3A_179, %dma_wait3A_180] : memref<10240x64xf32, #tpu.memory_space<vmem_shared>> -> memref<10240x64xf32, #tpu.memory_space<vmem_shared>>
          tpu.wait_indirect_dma semaphore(%run_scoped3A_155 : memref<!tpu.dma_semaphore, #tpu.memory_space<semaphore_mem>>) src(%dma_wait3A_171 : memref<128x64xf32, #tpu.memory_space<vmem>>) dst(%dma_wait3A_181 : memref<10240x64xf32, #tpu.memory_space<vmem_shared>>)
          tpu.yield
        }) : () -> ()
        %run_scoped3A_145 = arith.constant 1 : i32
        %run_scoped3A_146 = arith.constant 2 : i32
        "tpu.region"() ({
          %run_scoped3A_155 = tpu.sem_alloc : memref<!tpu.dma_semaphore, #tpu.memory_space<semaphore_mem>>
          %dma_start3A_156 = arith.constant 768 : i32
          %dma_start3A_157 = arith.constant 0 : i32
          %dma_start3A_158 = tpu.memref_slice %arg8[%dma_start3A_156, %dma_start3A_157] : memref<1024x64xf32, #tpu.memory_space<vmem>> -> memref<128x64xf32, #tpu.memory_space<vmem>>
          %dma_start3A_159 = arith.constant 0 : i32
          %dma_start3A_160 = arith.constant 0 : i32
          %dma_start3A_161 = tpu.memref_slice %arg7[%run_scoped3A_145, %dma_start3A_159, %dma_start3A_160] : memref<2x4x128xi32, #tpu.memory_space<vmem>> -> memref<1x4x128xi32, #tpu.memory_space<vmem>>
          %dma_start3A_162 = tpu.memref_squeeze %dma_start3A_161 : memref<1x4x128xi32, #tpu.memory_space<vmem>> -> memref<4x128xi32, #tpu.memory_space<vmem>>
          %dma_start3A_163 = arith.constant 0 : i32
          %dma_start3A_164 = tpu.memref_slice %dma_start3A_162[%run_scoped3A_146, %dma_start3A_163] : memref<4x128xi32, #tpu.memory_space<vmem>> -> memref<1x128xi32, #tpu.memory_space<vmem>>
          %dma_start3A_165 = tpu.memref_squeeze %dma_start3A_164 : memref<1x128xi32, #tpu.memory_space<vmem>> -> memref<128xi32, #tpu.memory_space<vmem>>
          %dma_start3A_166 = arith.constant 0 : i32
          %dma_start3A_167 = arith.constant 0 : i32
          %dma_start3A_168 = tpu.memref_slice %arg10[%dma_start3A_166, %dma_start3A_167] : memref<10240x64xf32, #tpu.memory_space<vmem_shared>> -> memref<10240x64xf32, #tpu.memory_space<vmem_shared>>
          tpu.enqueue_indirect_dma source(%dma_start3A_158 : memref<128x64xf32, #tpu.memory_space<vmem>>) target(%dma_start3A_168 : memref<10240x64xf32, #tpu.memory_space<vmem_shared>>) offsets(%dma_start3A_165 : memref<128xi32, #tpu.memory_space<vmem>>) semaphore(%run_scoped3A_155 : memref<!tpu.dma_semaphore, #tpu.memory_space<semaphore_mem>>) {add = true}
          %dma_wait3A_169 = arith.constant 768 : i32
          %dma_wait3A_170 = arith.constant 0 : i32
          %dma_wait3A_171 = tpu.memref_slice %arg8[%dma_wait3A_169, %dma_wait3A_170] : memref<1024x64xf32, #tpu.memory_space<vmem>> -> memref<128x64xf32, #tpu.memory_space<vmem>>
          %dma_wait3A_172 = arith.constant 0 : i32
          %dma_wait3A_173 = arith.constant 0 : i32
          %dma_wait3A_174 = tpu.memref_slice %arg7[%run_scoped3A_145, %dma_wait3A_172, %dma_wait3A_173] : memref<2x4x128xi32, #tpu.memory_space<vmem>> -> memref<1x4x128xi32, #tpu.memory_space<vmem>>
          %dma_wait3A_175 = tpu.memref_squeeze %dma_wait3A_174 : memref<1x4x128xi32, #tpu.memory_space<vmem>> -> memref<4x128xi32, #tpu.memory_space<vmem>>
          %dma_wait3A_176 = arith.constant 0 : i32
          %dma_wait3A_177 = tpu.memref_slice %dma_wait3A_175[%run_scoped3A_146, %dma_wait3A_176] : memref<4x128xi32, #tpu.memory_space<vmem>> -> memref<1x128xi32, #tpu.memory_space<vmem>>
          %dma_wait3A_178 = tpu.memref_squeeze %dma_wait3A_177 : memref<1x128xi32, #tpu.memory_space<vmem>> -> memref<128xi32, #tpu.memory_space<vmem>>
          %dma_wait3A_179 = arith.constant 0 : i32
          %dma_wait3A_180 = arith.constant 0 : i32
          %dma_wait3A_181 = tpu.memref_slice %arg10[%dma_wait3A_179, %dma_wait3A_180] : memref<10240x64xf32, #tpu.memory_space<vmem_shared>> -> memref<10240x64xf32, #tpu.memory_space<vmem_shared>>
          tpu.wait_indirect_dma semaphore(%run_scoped3A_155 : memref<!tpu.dma_semaphore, #tpu.memory_space<semaphore_mem>>) src(%dma_wait3A_171 : memref<128x64xf32, #tpu.memory_space<vmem>>) dst(%dma_wait3A_181 : memref<10240x64xf32, #tpu.memory_space<vmem_shared>>)
          tpu.yield
        }) : () -> ()
        %run_scoped3A_147 = arith.constant 1 : i32
        %run_scoped3A_148 = arith.constant 3 : i32
        "tpu.region"() ({
          %run_scoped3A_155 = tpu.sem_alloc : memref<!tpu.dma_semaphore, #tpu.memory_space<semaphore_mem>>
          %dma_start3A_156 = arith.constant 896 : i32
          %dma_start3A_157 = arith.constant 0 : i32
          %dma_start3A_158 = tpu.memref_slice %arg8[%dma_start3A_156, %dma_start3A_157] : memref<1024x64xf32, #tpu.memory_space<vmem>> -> memref<128x64xf32, #tpu.memory_space<vmem>>
          %dma_start3A_159 = arith.constant 0 : i32
          %dma_start3A_160 = arith.constant 0 : i32
          %dma_start3A_161 = tpu.memref_slice %arg7[%run_scoped3A_147, %dma_start3A_159, %dma_start3A_160] : memref<2x4x128xi32, #tpu.memory_space<vmem>> -> memref<1x4x128xi32, #tpu.memory_space<vmem>>
          %dma_start3A_162 = tpu.memref_squeeze %dma_start3A_161 : memref<1x4x128xi32, #tpu.memory_space<vmem>> -> memref<4x128xi32, #tpu.memory_space<vmem>>
          %dma_start3A_163 = arith.constant 0 : i32
          %dma_start3A_164 = tpu.memref_slice %dma_start3A_162[%run_scoped3A_148, %dma_start3A_163] : memref<4x128xi32, #tpu.memory_space<vmem>> -> memref<1x128xi32, #tpu.memory_space<vmem>>
          %dma_start3A_165 = tpu.memref_squeeze %dma_start3A_164 : memref<1x128xi32, #tpu.memory_space<vmem>> -> memref<128xi32, #tpu.memory_space<vmem>>
          %dma_start3A_166 = arith.constant 0 : i32
          %dma_start3A_167 = arith.constant 0 : i32
          %dma_start3A_168 = tpu.memref_slice %arg10[%dma_start3A_166, %dma_start3A_167] : memref<10240x64xf32, #tpu.memory_space<vmem_shared>> -> memref<10240x64xf32, #tpu.memory_space<vmem_shared>>
          tpu.enqueue_indirect_dma source(%dma_start3A_158 : memref<128x64xf32, #tpu.memory_space<vmem>>) target(%dma_start3A_168 : memref<10240x64xf32, #tpu.memory_space<vmem_shared>>) offsets(%dma_start3A_165 : memref<128xi32, #tpu.memory_space<vmem>>) semaphore(%run_scoped3A_155 : memref<!tpu.dma_semaphore, #tpu.memory_space<semaphore_mem>>) {add = true}
          %dma_wait3A_169 = arith.constant 896 : i32
          %dma_wait3A_170 = arith.constant 0 : i32
          %dma_wait3A_171 = tpu.memref_slice %arg8[%dma_wait3A_169, %dma_wait3A_170] : memref<1024x64xf32, #tpu.memory_space<vmem>> -> memref<128x64xf32, #tpu.memory_space<vmem>>
          %dma_wait3A_172 = arith.constant 0 : i32
          %dma_wait3A_173 = arith.constant 0 : i32
          %dma_wait3A_174 = tpu.memref_slice %arg7[%run_scoped3A_147, %dma_wait3A_172, %dma_wait3A_173] : memref<2x4x128xi32, #tpu.memory_space<vmem>> -> memref<1x4x128xi32, #tpu.memory_space<vmem>>
          %dma_wait3A_175 = tpu.memref_squeeze %dma_wait3A_174 : memref<1x4x128xi32, #tpu.memory_space<vmem>> -> memref<4x128xi32, #tpu.memory_space<vmem>>
          %dma_wait3A_176 = arith.constant 0 : i32
          %dma_wait3A_177 = tpu.memref_slice %dma_wait3A_175[%run_scoped3A_148, %dma_wait3A_176] : memref<4x128xi32, #tpu.memory_space<vmem>> -> memref<1x128xi32, #tpu.memory_space<vmem>>
          %dma_wait3A_178 = tpu.memref_squeeze %dma_wait3A_177 : memref<1x128xi32, #tpu.memory_space<vmem>> -> memref<128xi32, #tpu.memory_space<vmem>>
          %dma_wait3A_179 = arith.constant 0 : i32
          %dma_wait3A_180 = arith.constant 0 : i32
          %dma_wait3A_181 = tpu.memref_slice %arg10[%dma_wait3A_179, %dma_wait3A_180] : memref<10240x64xf32, #tpu.memory_space<vmem_shared>> -> memref<10240x64xf32, #tpu.memory_space<vmem_shared>>
          tpu.wait_indirect_dma semaphore(%run_scoped3A_155 : memref<!tpu.dma_semaphore, #tpu.memory_space<semaphore_mem>>) src(%dma_wait3A_171 : memref<128x64xf32, #tpu.memory_space<vmem>>) dst(%dma_wait3A_181 : memref<10240x64xf32, #tpu.memory_space<vmem_shared>>)
          tpu.yield
        }) : () -> ()
        %add3A_149 = arith.constant 2 : i32
        %add3A_150 = arith.addi %add3A_105, %add3A_149 : i32
        %lt3A_151 = arith.cmpi slt, %add3A_150, %add3A_3 : i32
        %convert_element_type3A_152 = arith.extui %lt3A_151 : i1 to i32
        %cond3A_153 = arith.constant 0 : i32
        %cond3A_154 = arith.cmpi ne, %convert_element_type3A_152, %cond3A_153 : i32
        scf.if %cond3A_154 {
          %add3A_155 = arith.constant 2 : i32
          %add3A_156 = arith.addi %add3A_105, %add3A_155 : i32
          %mul3A_157 = arith.constant 32 : i32
          %mul3A_158 = arith.muli %mul3A_157, %add3A_156 : i32
          %add3A_159 = arith.addi %add3A, %mul3A_158 : i32
          "tpu.region"() ({
            %run_scoped3A_193 = tpu.sem_alloc : memref<!tpu.dma_semaphore, #tpu.memory_space<semaphore_mem>>
            %dma_start3A_194 = arith.constant 512 : i32
            %dma_start3A_195 = tpu.memref_slice %arg6[%dma_start3A_194] : memref<1024xi32, #tpu.memory_space<vmem>> -> memref<512xi32, #tpu.memory_space<vmem>>
            %dma_start3A_196 = arith.constant 0 : i32
            %dma_start3A_197 = tpu.memref_slice %arg3[%add3A_159, %dma_start3A_196] : memref<625x512xi32, #tpu.memory_space<hbm>> -> memref<1x512xi32, #tpu.memory_space<hbm>>
            %dma_start3A_198 = tpu.memref_squeeze %dma_start3A_197 : memref<1x512xi32, #tpu.memory_space<hbm>> -> memref<512xi32, #tpu.memory_space<hbm>>
            %dma_start3A_199 = arith.constant 512 : i32
            %dma_start3A_200 = tpu.memref_slice %arg6[%dma_start3A_199] : memref<1024xi32, #tpu.memory_space<vmem>> -> memref<512xi32, #tpu.memory_space<vmem>>
            %dma_start3A_201 = arith.constant 0 : i32
            %dma_start3A_202 = tpu.memref_slice %arg3[%add3A_159, %dma_start3A_201] : memref<625x512xi32, #tpu.memory_space<hbm>> -> memref<1x512xi32, #tpu.memory_space<hbm>>
            %dma_start3A_203 = tpu.memref_squeeze %dma_start3A_202 : memref<1x512xi32, #tpu.memory_space<hbm>> -> memref<512xi32, #tpu.memory_space<hbm>>
            tpu.enqueue_dma source(%dma_start3A_203 : memref<512xi32, #tpu.memory_space<hbm>>) target(%dma_start3A_200 : memref<512xi32, #tpu.memory_space<vmem>>) target_semaphore(%run_scoped3A_193 : memref<!tpu.dma_semaphore, #tpu.memory_space<semaphore_mem>>)
            %dma_wait3A_204 = arith.constant 512 : i32
            %dma_wait3A_205 = tpu.memref_slice %arg6[%dma_wait3A_204] : memref<1024xi32, #tpu.memory_space<vmem>> -> memref<512xi32, #tpu.memory_space<vmem>>
            %dma_wait3A_206 = arith.constant 0 : i32
            %dma_wait3A_207 = tpu.memref_slice %arg3[%add3A_159, %dma_wait3A_206] : memref<625x512xi32, #tpu.memory_space<hbm>> -> memref<1x512xi32, #tpu.memory_space<hbm>>
            %dma_wait3A_208 = tpu.memref_squeeze %dma_wait3A_207 : memref<1x512xi32, #tpu.memory_space<hbm>> -> memref<512xi32, #tpu.memory_space<hbm>>
            %dma_wait3A_209 = arith.constant 512 : i32
            %dma_wait3A_210 = tpu.memref_slice %arg6[%dma_wait3A_209] : memref<1024xi32, #tpu.memory_space<vmem>> -> memref<512xi32, #tpu.memory_space<vmem>>
            %dma_wait3A_211 = arith.constant 0 : i32
            %dma_wait3A_212 = tpu.memref_slice %arg3[%add3A_159, %dma_wait3A_211] : memref<625x512xi32, #tpu.memory_space<hbm>> -> memref<1x512xi32, #tpu.memory_space<hbm>>
            %dma_wait3A_213 = tpu.memref_squeeze %dma_wait3A_212 : memref<1x512xi32, #tpu.memory_space<hbm>> -> memref<512xi32, #tpu.memory_space<hbm>>
            tpu.wait_dma2 semaphore(%run_scoped3A_193 : memref<!tpu.dma_semaphore, #tpu.memory_space<semaphore_mem>>) src(%dma_wait3A_213 : memref<512xi32, #tpu.memory_space<hbm>>) dst(%dma_wait3A_210 : memref<512xi32, #tpu.memory_space<vmem>>)
            tpu.yield
          }) : () -> ()
          %run_scoped3A_160 = arith.constant 1 : i32
          "tpu.region"() ({
            %run_scoped3A_193 = tpu.sem_alloc : memref<!tpu.dma_semaphore, #tpu.memory_space<semaphore_mem>>
            %dma_start3A_194 = arith.constant 0 : i32
            %dma_start3A_195 = arith.constant 0 : i32
            %dma_start3A_196 = tpu.memref_slice %arg7[%run_scoped3A_160, %dma_start3A_194, %dma_start3A_195] : memref<2x4x128xi32, #tpu.memory_space<vmem>> -> memref<1x4x128xi32, #tpu.memory_space<vmem>>
            %dma_start3A_197 = tpu.memref_squeeze %dma_start3A_196 : memref<1x4x128xi32, #tpu.memory_space<vmem>> -> memref<4x128xi32, #tpu.memory_space<vmem>>
            %dma_start3A_198 = arith.constant 0 : i32
            %dma_start3A_199 = arith.constant 0 : i32
            %dma_start3A_200 = tpu.memref_slice %arg4[%add3A_159, %dma_start3A_198, %dma_start3A_199] : memref<625x4x128xi32, #tpu.memory_space<hbm>> -> memref<1x4x128xi32, #tpu.memory_space<hbm>>
            %dma_start3A_201 = tpu.memref_squeeze %dma_start3A_200 : memref<1x4x128xi32, #tpu.memory_space<hbm>> -> memref<4x128xi32, #tpu.memory_space<hbm>>
            %dma_start3A_202 = arith.constant 0 : i32
            %dma_start3A_203 = arith.constant 0 : i32
            %dma_start3A_204 = tpu.memref_slice %arg7[%run_scoped3A_160, %dma_start3A_202, %dma_start3A_203] : memref<2x4x128xi32, #tpu.memory_space<vmem>> -> memref<1x4x128xi32, #tpu.memory_space<vmem>>
            %dma_start3A_205 = tpu.memref_squeeze %dma_start3A_204 : memref<1x4x128xi32, #tpu.memory_space<vmem>> -> memref<4x128xi32, #tpu.memory_space<vmem>>
            %dma_start3A_206 = arith.constant 0 : i32
            %dma_start3A_207 = arith.constant 0 : i32
            %dma_start3A_208 = tpu.memref_slice %arg4[%add3A_159, %dma_start3A_206, %dma_start3A_207] : memref<625x4x128xi32, #tpu.memory_space<hbm>> -> memref<1x4x128xi32, #tpu.memory_space<hbm>>
            %dma_start3A_209 = tpu.memref_squeeze %dma_start3A_208 : memref<1x4x128xi32, #tpu.memory_space<hbm>> -> memref<4x128xi32, #tpu.memory_space<hbm>>
            tpu.enqueue_dma source(%dma_start3A_209 : memref<4x128xi32, #tpu.memory_space<hbm>>) target(%dma_start3A_205 : memref<4x128xi32, #tpu.memory_space<vmem>>) target_semaphore(%run_scoped3A_193 : memref<!tpu.dma_semaphore, #tpu.memory_space<semaphore_mem>>)
            %dma_wait3A_210 = arith.constant 0 : i32
            %dma_wait3A_211 = arith.constant 0 : i32
            %dma_wait3A_212 = tpu.memref_slice %arg7[%run_scoped3A_160, %dma_wait3A_210, %dma_wait3A_211] : memref<2x4x128xi32, #tpu.memory_space<vmem>> -> memref<1x4x128xi32, #tpu.memory_space<vmem>>
            %dma_wait3A_213 = tpu.memref_squeeze %dma_wait3A_212 : memref<1x4x128xi32, #tpu.memory_space<vmem>> -> memref<4x128xi32, #tpu.memory_space<vmem>>
            %dma_wait3A_214 = arith.constant 0 : i32
            %dma_wait3A_215 = arith.constant 0 : i32
            %dma_wait3A_216 = tpu.memref_slice %arg4[%add3A_159, %dma_wait3A_214, %dma_wait3A_215] : memref<625x4x128xi32, #tpu.memory_space<hbm>> -> memref<1x4x128xi32, #tpu.memory_space<hbm>>
            %dma_wait3A_217 = tpu.memref_squeeze %dma_wait3A_216 : memref<1x4x128xi32, #tpu.memory_space<hbm>> -> memref<4x128xi32, #tpu.memory_space<hbm>>
            %dma_wait3A_218 = arith.constant 0 : i32
            %dma_wait3A_219 = arith.constant 0 : i32
            %dma_wait3A_220 = tpu.memref_slice %arg7[%run_scoped3A_160, %dma_wait3A_218, %dma_wait3A_219] : memref<2x4x128xi32, #tpu.memory_space<vmem>> -> memref<1x4x128xi32, #tpu.memory_space<vmem>>
            %dma_wait3A_221 = tpu.memref_squeeze %dma_wait3A_220 : memref<1x4x128xi32, #tpu.memory_space<vmem>> -> memref<4x128xi32, #tpu.memory_space<vmem>>
            %dma_wait3A_222 = arith.constant 0 : i32
            %dma_wait3A_223 = arith.constant 0 : i32
            %dma_wait3A_224 = tpu.memref_slice %arg4[%add3A_159, %dma_wait3A_222, %dma_wait3A_223] : memref<625x4x128xi32, #tpu.memory_space<hbm>> -> memref<1x4x128xi32, #tpu.memory_space<hbm>>
            %dma_wait3A_225 = tpu.memref_squeeze %dma_wait3A_224 : memref<1x4x128xi32, #tpu.memory_space<hbm>> -> memref<4x128xi32, #tpu.memory_space<hbm>>
            tpu.wait_dma2 semaphore(%run_scoped3A_193 : memref<!tpu.dma_semaphore, #tpu.memory_space<semaphore_mem>>) src(%dma_wait3A_225 : memref<4x128xi32, #tpu.memory_space<hbm>>) dst(%dma_wait3A_221 : memref<4x128xi32, #tpu.memory_space<vmem>>)
            tpu.yield
          }) : () -> ()
          %dma_start3A_161 = arith.constant 512 : i32
          %dma_start3A_162 = arith.constant 0 : i32
          %dma_start3A_163 = tpu.memref_slice %arg8[%dma_start3A_161, %dma_start3A_162] : memref<1024x64xf32, #tpu.memory_space<vmem>> -> memref<128x64xf32, #tpu.memory_space<vmem>>
          %dma_start3A_164 = arith.constant 512 : i32
          %dma_start3A_165 = tpu.memref_slice %arg6[%dma_start3A_164] : memref<1024xi32, #tpu.memory_space<vmem>> -> memref<128xi32, #tpu.memory_space<vmem>>
          %dma_start3A_166 = arith.constant 0 : i32
          %dma_start3A_167 = arith.constant 0 : i32
          %dma_start3A_168 = tpu.memref_slice %arg2[%dma_start3A_166, %dma_start3A_167] : memref<10240x64xf32, #tpu.memory_space<hbm>> -> memref<10240x64xf32, #tpu.memory_space<hbm>>
          tpu.enqueue_indirect_dma source(%dma_start3A_168 : memref<10240x64xf32, #tpu.memory_space<hbm>>) target(%dma_start3A_163 : memref<128x64xf32, #tpu.memory_space<vmem>>) offsets(%dma_start3A_165 : memref<128xi32, #tpu.memory_space<vmem>>) semaphore(%arg12 : memref<!tpu.dma_semaphore, #tpu.memory_space<semaphore_mem>>)
          %dma_start3A_169 = arith.constant 640 : i32
          %dma_start3A_170 = arith.constant 0 : i32
          %dma_start3A_171 = tpu.memref_slice %arg8[%dma_start3A_169, %dma_start3A_170] : memref<1024x64xf32, #tpu.memory_space<vmem>> -> memref<128x64xf32, #tpu.memory_space<vmem>>
          %dma_start3A_172 = arith.constant 640 : i32
          %dma_start3A_173 = tpu.memref_slice %arg6[%dma_start3A_172] : memref<1024xi32, #tpu.memory_space<vmem>> -> memref<128xi32, #tpu.memory_space<vmem>>
          %dma_start3A_174 = arith.constant 0 : i32
          %dma_start3A_175 = arith.constant 0 : i32
          %dma_start3A_176 = tpu.memref_slice %arg2[%dma_start3A_174, %dma_start3A_175] : memref<10240x64xf32, #tpu.memory_space<hbm>> -> memref<10240x64xf32, #tpu.memory_space<hbm>>
          tpu.enqueue_indirect_dma source(%dma_start3A_176 : memref<10240x64xf32, #tpu.memory_space<hbm>>) target(%dma_start3A_171 : memref<128x64xf32, #tpu.memory_space<vmem>>) offsets(%dma_start3A_173 : memref<128xi32, #tpu.memory_space<vmem>>) semaphore(%arg12 : memref<!tpu.dma_semaphore, #tpu.memory_space<semaphore_mem>>)
          %dma_start3A_177 = arith.constant 768 : i32
          %dma_start3A_178 = arith.constant 0 : i32
          %dma_start3A_179 = tpu.memref_slice %arg8[%dma_start3A_177, %dma_start3A_178] : memref<1024x64xf32, #tpu.memory_space<vmem>> -> memref<128x64xf32, #tpu.memory_space<vmem>>
          %dma_start3A_180 = arith.constant 768 : i32
          %dma_start3A_181 = tpu.memref_slice %arg6[%dma_start3A_180] : memref<1024xi32, #tpu.memory_space<vmem>> -> memref<128xi32, #tpu.memory_space<vmem>>
          %dma_start3A_182 = arith.constant 0 : i32
          %dma_start3A_183 = arith.constant 0 : i32
          %dma_start3A_184 = tpu.memref_slice %arg2[%dma_start3A_182, %dma_start3A_183] : memref<10240x64xf32, #tpu.memory_space<hbm>> -> memref<10240x64xf32, #tpu.memory_space<hbm>>
          tpu.enqueue_indirect_dma source(%dma_start3A_184 : memref<10240x64xf32, #tpu.memory_space<hbm>>) target(%dma_start3A_179 : memref<128x64xf32, #tpu.memory_space<vmem>>) offsets(%dma_start3A_181 : memref<128xi32, #tpu.memory_space<vmem>>) semaphore(%arg12 : memref<!tpu.dma_semaphore, #tpu.memory_space<semaphore_mem>>)
          %dma_start3A_185 = arith.constant 896 : i32
          %dma_start3A_186 = arith.constant 0 : i32
          %dma_start3A_187 = tpu.memref_slice %arg8[%dma_start3A_185, %dma_start3A_186] : memref<1024x64xf32, #tpu.memory_space<vmem>> -> memref<128x64xf32, #tpu.memory_space<vmem>>
          %dma_start3A_188 = arith.constant 896 : i32
          %dma_start3A_189 = tpu.memref_slice %arg6[%dma_start3A_188] : memref<1024xi32, #tpu.memory_space<vmem>> -> memref<128xi32, #tpu.memory_space<vmem>>
          %dma_start3A_190 = arith.constant 0 : i32
          %dma_start3A_191 = arith.constant 0 : i32
          %dma_start3A_192 = tpu.memref_slice %arg2[%dma_start3A_190, %dma_start3A_191] : memref<10240x64xf32, #tpu.memory_space<hbm>> -> memref<10240x64xf32, #tpu.memory_space<hbm>>
          tpu.enqueue_indirect_dma source(%dma_start3A_192 : memref<10240x64xf32, #tpu.memory_space<hbm>>) target(%dma_start3A_187 : memref<128x64xf32, #tpu.memory_space<vmem>>) offsets(%dma_start3A_189 : memref<128xi32, #tpu.memory_space<vmem>>) semaphore(%arg12 : memref<!tpu.dma_semaphore, #tpu.memory_space<semaphore_mem>>)
        } else {
        }
      } else {
      }
    }
    %scan3A_88 = arith.constant 10 : i32
    %barrier3A_89 = arith.constant 0 : index
    tpu.barrier barrier_id(%barrier3A_89)
    %mul3A_90 = arith.constant 640 : i32
    %mul3A_91 = arith.muli %arg1, %mul3A_90 : i32
    %mul3A_92 = arith.constant 640 : i32
    %mul3A_93 = arith.muli %arg1, %mul3A_92 : i32
    "tpu.region"() ({
      %run_scoped3A_94 = tpu.sem_alloc : memref<!tpu.dma_semaphore, #tpu.memory_space<semaphore_mem>>
      %dma_start3A_95 = arith.constant 0 : i32
      %dma_start3A_96 = tpu.memref_slice %arg5[%arg0, %mul3A_93, %dma_start3A_95] : memref<2x10240x64xf32, #tpu.memory_space<hbm>> -> memref<1x640x64xf32, #tpu.memory_space<hbm>>
      %dma_start3A_97 = tpu.memref_squeeze %dma_start3A_96 : memref<1x640x64xf32, #tpu.memory_space<hbm>> -> memref<640x64xf32, #tpu.memory_space<hbm>>
      %dma_start3A_98 = arith.constant 0 : i32
      %dma_start3A_99 = tpu.memref_slice %arg10[%mul3A_91, %dma_start3A_98] : memref<10240x64xf32, #tpu.memory_space<vmem_shared>> -> memref<640x64xf32, #tpu.memory_space<vmem_shared>>
      tpu.enqueue_dma source(%dma_start3A_99 : memref<640x64xf32, #tpu.memory_space<vmem_shared>>) target(%dma_start3A_97 : memref<640x64xf32, #tpu.memory_space<hbm>>) target_semaphore(%run_scoped3A_94 : memref<!tpu.dma_semaphore, #tpu.memory_space<semaphore_mem>>)
      %dma_wait3A = arith.constant 0 : i32
      %dma_wait3A_100 = tpu.memref_slice %arg5[%arg0, %mul3A_93, %dma_wait3A] : memref<2x10240x64xf32, #tpu.memory_space<hbm>> -> memref<1x640x64xf32, #tpu.memory_space<hbm>>
      %dma_wait3A_101 = tpu.memref_squeeze %dma_wait3A_100 : memref<1x640x64xf32, #tpu.memory_space<hbm>> -> memref<640x64xf32, #tpu.memory_space<hbm>>
      %dma_wait3A_102 = arith.constant 0 : i32
      %dma_wait3A_103 = tpu.memref_slice %arg10[%mul3A_91, %dma_wait3A_102] : memref<10240x64xf32, #tpu.memory_space<vmem_shared>> -> memref<640x64xf32, #tpu.memory_space<vmem_shared>>
      tpu.wait_dma2 semaphore(%run_scoped3A_94 : memref<!tpu.dma_semaphore, #tpu.memory_space<semaphore_mem>>) src(%dma_wait3A_103 : memref<640x64xf32, #tpu.memory_space<vmem_shared>>) dst(%dma_wait3A_101 : memref<640x64xf32, #tpu.memory_space<hbm>>)
      tpu.yield
    }) : () -> ()
    return
  }
}

module attributes {stable_mosaic.version = 14 : i64} {
  func.func @_stage1_body(%arg0: i32, %arg1: memref<1024x128xf32, #tpu.memory_space<vmem>>, %arg2: memref<128x128xf32, #tpu.memory_space<vmem>>, %arg3: memref<1024x80xf32, #tpu.memory_space<vmem>>, %arg4: memref<1024x64xf32, #tpu.memory_space<vmem>>) attributes {dimension_semantics = [#tpu.dimension_semantics<arbitrary>], iteration_bounds = array<i64: 10>, scalar_prefetch = 0 : i64, scratch_operands = 0 : i64, tpu.core_type = #tpu.core_type<tc>, window_params = [{transform_indices = @transform_0, window_bounds = array<i64: 1024, 128>}, {pipeline_mode = #tpu.pipeline_mode<synchronous>, transform_indices = @transform_1, window_bounds = array<i64: 128, 128>}, {transform_indices = @transform_2, window_bounds = array<i64: 1024, 80>}, {transform_indices = @transform_3, window_bounds = array<i64: 1024, 64>}]} {
    %get3A = arith.constant 0 : index
    %get3A_0 = arith.constant 0 : index
    %get3A_1 = vector.load %arg1[%get3A, %get3A_0] : memref<1024x128xf32, #tpu.memory_space<vmem>>, vector<1024x128xf32>
    %get3A_2 = arith.constant 0 : index
    %get3A_3 = arith.constant 0 : index
    %get3A_4 = vector.load %arg2[%get3A_2, %get3A_3] : memref<128x128xf32, #tpu.memory_space<vmem>>, vector<128x128xf32>
    %dot_general3A = arith.constant dense<0.000000e+00> : vector<1024x128xf32>
    %dot_general3A_5 = tpu.matmul %get3A_1, %get3A_4, %dot_general3A {dimension_numbers = #tpu.dot_dimension_numbers<[1], [0], [0], [1], [0, 0, 1, 1], [], []>, precision = #tpu.contract_precision<fp32>, transpose_lhs_hint = false} : vector<1024x128xf32>, vector<128x128xf32>, vector<1024x128xf32> -> vector<1024x128xf32>
    %broadcast_in_dim3A = arith.constant 1.000000e+00 : f32
    %broadcast_in_dim3A_6 = vector.broadcast %broadcast_in_dim3A : f32 to vector<1024x16xf32>
    %slice3A = vector.extract_strided_slice %dot_general3A_5 {offsets = [0, 0], sizes = [1024, 64], strides = [1, 1]} : vector<1024x128xf32> to vector<1024x64xf32>
    %concatenate3A = tpu.concatenate %slice3A, %broadcast_in_dim3A_6 in 1 : vector<1024x64xf32>, vector<1024x16xf32> -> vector<1024x80xf32>
    %swap3A = arith.constant 0 : index
    %swap3A_7 = arith.constant 0 : index
    %swap3A_8 = vector.load %arg3[%swap3A, %swap3A_7] : memref<1024x80xf32, #tpu.memory_space<vmem>>, vector<1024x80xf32>
    tpu.vector_store %arg3[%swap3A, %swap3A_7], %concatenate3A {strides = array<i32>} : memref<1024x80xf32, #tpu.memory_space<vmem>>, vector<1024x80xf32>,
    %slice3A_9 = vector.extract_strided_slice %dot_general3A_5 {offsets = [0, 64], sizes = [1024, 64], strides = [1, 1]} : vector<1024x128xf32> to vector<1024x64xf32>
    %swap3A_10 = arith.constant 0 : index
    %swap3A_11 = arith.constant 0 : index
    %swap3A_12 = vector.load %arg4[%swap3A_10, %swap3A_11] : memref<1024x64xf32, #tpu.memory_space<vmem>>, vector<1024x64xf32>
    tpu.vector_store %arg4[%swap3A_10, %swap3A_11], %slice3A_9 {strides = array<i32>} : memref<1024x64xf32, #tpu.memory_space<vmem>>, vector<1024x64xf32>,
    return
  }
  func.func @transform_0(%arg0: i32) -> (i32, i32) {
    %c0_i32 = arith.constant 0 : i32
    %c0_i32_0 = arith.constant 0 : i32
    return %arg0, %c0_i32 : i32, i32
  }
  func.func @transform_1(%arg0: i32) -> (i32, i32) {
    %c0_i32 = arith.constant 0 : i32
    %c0_i32_0 = arith.constant 0 : i32
    %c0_i32_1 = arith.constant 0 : i32
    return %c0_i32, %c0_i32_0 : i32, i32
  }
  func.func @transform_2(%arg0: i32) -> (i32, i32) {
    %c0_i32 = arith.constant 0 : i32
    %c0_i32_0 = arith.constant 0 : i32
    return %arg0, %c0_i32 : i32, i32
  }
  func.func @transform_3(%arg0: i32) -> (i32, i32) {
    %c0_i32 = arith.constant 0 : i32
    %c0_i32_0 = arith.constant 0 : i32
    return %arg0, %c0_i32 : i32, i32
  }
}

module attributes {stable_mosaic.version = 14 : i64} {
  func.func @_stage2_body(%arg0: i32, %arg1: memref<1024x64xf32, #tpu.memory_space<vmem>>, %arg2: memref<2x1024x80xf32, #tpu.memory_space<vmem>>, %arg3: memref<1x64xf32, #tpu.memory_space<vmem>>, %arg4: memref<64x64xf32, #tpu.memory_space<vmem>>, %arg5: memref<64x64xf32, #tpu.memory_space<vmem>>, %arg6: memref<1024x64xf32, #tpu.memory_space<vmem>>, %arg7: memref<1024x64xf32, #tpu.memory_space<vmem>>, %arg8: memref<1024x8xf32, #tpu.memory_space<vmem>>) attributes {dimension_semantics = [#tpu.dimension_semantics<arbitrary>], iteration_bounds = array<i64: 10>, scalar_prefetch = 0 : i64, scratch_operands = 0 : i64, tpu.core_type = #tpu.core_type<tc>, window_params = [{transform_indices = @transform_0, window_bounds = array<i64: 1024, 64>}, {transform_indices = @transform_1, window_bounds = array<i64: 2, 1024, 80>}, {pipeline_mode = #tpu.pipeline_mode<synchronous>, transform_indices = @transform_2, window_bounds = array<i64: 1, 64>}, {pipeline_mode = #tpu.pipeline_mode<synchronous>, transform_indices = @transform_3, window_bounds = array<i64: 64, 64>}, {pipeline_mode = #tpu.pipeline_mode<synchronous>, transform_indices = @transform_4, window_bounds = array<i64: 64, 64>}, {transform_indices = @transform_5, window_bounds = array<i64: 1024, 64>}, {transform_indices = @transform_6, window_bounds = array<i64: 1024, 64>}, {transform_indices = @transform_7, window_bounds = array<i64: 1024, 8>}]} {
    %get3A = arith.constant 0 : index
    %get3A_0 = arith.constant 0 : index
    %get3A_1 = arith.constant 0 : index
    %get3A_2 = vector.load %arg2[%get3A, %get3A_0, %get3A_1] : memref<2x1024x80xf32, #tpu.memory_space<vmem>>, vector<1x1024x80xf32>
    %get3A_3 = vector.shape_cast %get3A_2 : vector<1x1024x80xf32> to vector<1024x80xf32>
    %get3A_4 = arith.constant 1 : index
    %get3A_5 = arith.constant 0 : index
    %get3A_6 = arith.constant 0 : index
    %get3A_7 = vector.load %arg2[%get3A_4, %get3A_5, %get3A_6] : memref<2x1024x80xf32, #tpu.memory_space<vmem>>, vector<1x1024x80xf32>
    %get3A_8 = vector.shape_cast %get3A_7 : vector<1x1024x80xf32> to vector<1024x80xf32>
    %add3A = arith.addf %get3A_3, %get3A_8 : vector<1024x80xf32>
    %slice3A = vector.extract_strided_slice %add3A {offsets = [0, 64], sizes = [1024, 1], strides = [1, 1]} : vector<1024x80xf32> to vector<1024x1xf32>
    %max3A = arith.constant 1.000000e+00 : f32
    %max3A_9 = vector.broadcast %max3A : f32 to vector<1024x1xf32>
    %max3A_10 = arith.maximumf %slice3A, %max3A_9 : vector<1024x1xf32>
    %slice3A_11 = vector.extract_strided_slice %add3A {offsets = [0, 0], sizes = [1024, 64], strides = [1, 1]} : vector<1024x80xf32> to vector<1024x64xf32>
    %div3A = vector.broadcast %max3A_10 : vector<1024x1xf32> to vector<1024x64xf32>
    %div3A_12 = arith.divf %slice3A_11, %div3A : vector<1024x64xf32>
    %get3A_13 = arith.constant 0 : index
    %get3A_14 = arith.constant 0 : index
    %get3A_15 = vector.load %arg1[%get3A_13, %get3A_14] : memref<1024x64xf32, #tpu.memory_space<vmem>>, vector<1024x64xf32>
    %add3A_16 = arith.addf %get3A_15, %div3A_12 : vector<1024x64xf32>
    %get3A_17 = arith.constant 0 : index
    %get3A_18 = arith.constant 0 : index
    %get3A_19 = vector.load %arg3[%get3A_17, %get3A_18] : memref<1x64xf32, #tpu.memory_space<vmem>>, vector<1x64xf32>
    %add3A_20 = vector.broadcast %get3A_19 : vector<1x64xf32> to vector<1024x64xf32>
    %add3A_21 = arith.addf %add3A_16, %add3A_20 : vector<1024x64xf32>
    %max3A_22 = arith.constant 0.000000e+00 : f32
    %max3A_23 = vector.broadcast %max3A_22 : f32 to vector<1024x64xf32>
    %max3A_24 = arith.maximumf %add3A_21, %max3A_23 : vector<1024x64xf32>
    %get3A_25 = arith.constant 0 : index
    %get3A_26 = arith.constant 0 : index
    %get3A_27 = vector.load %arg4[%get3A_25, %get3A_26] : memref<64x64xf32, #tpu.memory_space<vmem>>, vector<64x64xf32>
    %dot_general3A = arith.constant dense<0.000000e+00> : vector<1024x64xf32>
    %dot_general3A_28 = tpu.matmul %max3A_24, %get3A_27, %dot_general3A {dimension_numbers = #tpu.dot_dimension_numbers<[1], [0], [0], [1], [0, 0, 1, 1], [], []>, precision = #tpu.contract_precision<fp32>, transpose_lhs_hint = false} : vector<1024x64xf32>, vector<64x64xf32>, vector<1024x64xf32> -> vector<1024x64xf32>
    %swap3A = arith.constant 0 : index
    %swap3A_29 = arith.constant 0 : index
    %swap3A_30 = vector.load %arg6[%swap3A, %swap3A_29] : memref<1024x64xf32, #tpu.memory_space<vmem>>, vector<1024x64xf32>
    tpu.vector_store %arg6[%swap3A, %swap3A_29], %dot_general3A_28 {strides = array<i32>} : memref<1024x64xf32, #tpu.memory_space<vmem>>, vector<1024x64xf32>,
    %get3A_31 = arith.constant 0 : index
    %get3A_32 = arith.constant 0 : index
    %get3A_33 = vector.load %arg5[%get3A_31, %get3A_32] : memref<64x64xf32, #tpu.memory_space<vmem>>, vector<64x64xf32>
    %dot_general3A_34 = arith.constant dense<0.000000e+00> : vector<1024x64xf32>
    %dot_general3A_35 = tpu.matmul %max3A_24, %get3A_33, %dot_general3A_34 {dimension_numbers = #tpu.dot_dimension_numbers<[1], [0], [0], [1], [0, 0, 1, 1], [], []>, precision = #tpu.contract_precision<fp32>, transpose_lhs_hint = false} : vector<1024x64xf32>, vector<64x64xf32>, vector<1024x64xf32> -> vector<1024x64xf32>
    %swap3A_36 = arith.constant 0 : index
    %swap3A_37 = arith.constant 0 : index
    %swap3A_38 = vector.load %arg7[%swap3A_36, %swap3A_37] : memref<1024x64xf32, #tpu.memory_space<vmem>>, vector<1024x64xf32>
    tpu.vector_store %arg7[%swap3A_36, %swap3A_37], %dot_general3A_35 {strides = array<i32>} : memref<1024x64xf32, #tpu.memory_space<vmem>>, vector<1024x64xf32>,
    %broadcast_in_dim3A = vector.shape_cast %max3A_10 : vector<1024x1xf32> to vector<1024x1xf32>
    %broadcast_in_dim3A_39 = vector.broadcast %broadcast_in_dim3A : vector<1024x1xf32> to vector<1024x8xf32>
    %swap3A_40 = arith.constant 0 : index
    %swap3A_41 = arith.constant 0 : index
    %swap3A_42 = vector.load %arg8[%swap3A_40, %swap3A_41] : memref<1024x8xf32, #tpu.memory_space<vmem>>, vector<1024x8xf32>
    tpu.vector_store %arg8[%swap3A_40, %swap3A_41], %broadcast_in_dim3A_39 {strides = array<i32>} : memref<1024x8xf32, #tpu.memory_space<vmem>>, vector<1024x8xf32>,
    return
  }
  func.func @transform_0(%arg0: i32) -> (i32, i32) {
    %c0_i32 = arith.constant 0 : i32
    %c0_i32_0 = arith.constant 0 : i32
    return %arg0, %c0_i32 : i32, i32
  }
  func.func @transform_1(%arg0: i32) -> (i32, i32, i32) {
    %c0_i32 = arith.constant 0 : i32
    %c0_i32_0 = arith.constant 0 : i32
    %c0_i32_1 = arith.constant 0 : i32
    return %c0_i32, %arg0, %c0_i32_0 : i32, i32, i32
  }
  func.func @transform_2(%arg0: i32) -> (i32, i32) {
    %c0_i32 = arith.constant 0 : i32
    %c0_i32_0 = arith.constant 0 : i32
    %c0_i32_1 = arith.constant 0 : i32
    return %c0_i32, %c0_i32_0 : i32, i32
  }
  func.func @transform_3(%arg0: i32) -> (i32, i32) {
    %c0_i32 = arith.constant 0 : i32
    %c0_i32_0 = arith.constant 0 : i32
    %c0_i32_1 = arith.constant 0 : i32
    return %c0_i32, %c0_i32_0 : i32, i32
  }
  func.func @transform_4(%arg0: i32) -> (i32, i32) {
    %c0_i32 = arith.constant 0 : i32
    %c0_i32_0 = arith.constant 0 : i32
    %c0_i32_1 = arith.constant 0 : i32
    return %c0_i32, %c0_i32_0 : i32, i32
  }
  func.func @transform_5(%arg0: i32) -> (i32, i32) {
    %c0_i32 = arith.constant 0 : i32
    %c0_i32_0 = arith.constant 0 : i32
    return %arg0, %c0_i32 : i32, i32
  }
  func.func @transform_6(%arg0: i32) -> (i32, i32) {
    %c0_i32 = arith.constant 0 : i32
    %c0_i32_0 = arith.constant 0 : i32
    return %arg0, %c0_i32 : i32, i32
  }
  func.func @transform_7(%arg0: i32) -> (i32, i32) {
    %c0_i32 = arith.constant 0 : i32
    %c0_i32_0 = arith.constant 0 : i32
    return %arg0, %c0_i32 : i32, i32
  }
}

module attributes {stable_mosaic.version = 14 : i64} {
  func.func @_stage3_body(%arg0: i32, %arg1: memref<1024x64xf32, #tpu.memory_space<vmem>>, %arg2: memref<2x1024x64xf32, #tpu.memory_space<vmem>>, %arg3: memref<1024x8xf32, #tpu.memory_space<vmem>>, %arg4: memref<1x64xf32, #tpu.memory_space<vmem>>, %arg5: memref<64x8xf32, #tpu.memory_space<vmem>>, %arg6: memref<1x8xf32, #tpu.memory_space<vmem>>, %arg7: memref<1024x8xf32, #tpu.memory_space<vmem>>) attributes {dimension_semantics = [#tpu.dimension_semantics<arbitrary>], iteration_bounds = array<i64: 10>, scalar_prefetch = 0 : i64, scratch_operands = 0 : i64, tpu.core_type = #tpu.core_type<tc>, window_params = [{transform_indices = @transform_0, window_bounds = array<i64: 1024, 64>}, {transform_indices = @transform_1, window_bounds = array<i64: 2, 1024, 64>}, {transform_indices = @transform_2, window_bounds = array<i64: 1024, 8>}, {pipeline_mode = #tpu.pipeline_mode<synchronous>, transform_indices = @transform_3, window_bounds = array<i64: 1, 64>}, {pipeline_mode = #tpu.pipeline_mode<synchronous>, transform_indices = @transform_4, window_bounds = array<i64: 64, 8>}, {pipeline_mode = #tpu.pipeline_mode<synchronous>, transform_indices = @transform_5, window_bounds = array<i64: 1, 8>}, {transform_indices = @transform_6, window_bounds = array<i64: 1024, 8>}]} {
    %get3A = arith.constant 0 : index
    %get3A_0 = arith.constant 0 : index
    %get3A_1 = arith.constant 0 : index
    %get3A_2 = vector.load %arg2[%get3A, %get3A_0, %get3A_1] : memref<2x1024x64xf32, #tpu.memory_space<vmem>>, vector<1x1024x64xf32>
    %get3A_3 = vector.shape_cast %get3A_2 : vector<1x1024x64xf32> to vector<1024x64xf32>
    %get3A_4 = arith.constant 1 : index
    %get3A_5 = arith.constant 0 : index
    %get3A_6 = arith.constant 0 : index
    %get3A_7 = vector.load %arg2[%get3A_4, %get3A_5, %get3A_6] : memref<2x1024x64xf32, #tpu.memory_space<vmem>>, vector<1x1024x64xf32>
    %get3A_8 = vector.shape_cast %get3A_7 : vector<1x1024x64xf32> to vector<1024x64xf32>
    %add3A = arith.addf %get3A_3, %get3A_8 : vector<1024x64xf32>
    %get3A_9 = arith.constant 0 : index
    %get3A_10 = arith.constant 0 : index
    %get3A_11 = vector.load %arg3[%get3A_9, %get3A_10] : memref<1024x8xf32, #tpu.memory_space<vmem>>, vector<1024x1xf32>
    %div3A = vector.broadcast %get3A_11 : vector<1024x1xf32> to vector<1024x64xf32>
    %div3A_12 = arith.divf %add3A, %div3A : vector<1024x64xf32>
    %get3A_13 = arith.constant 0 : index
    %get3A_14 = arith.constant 0 : index
    %get3A_15 = vector.load %arg1[%get3A_13, %get3A_14] : memref<1024x64xf32, #tpu.memory_space<vmem>>, vector<1024x64xf32>
    %add3A_16 = arith.addf %get3A_15, %div3A_12 : vector<1024x64xf32>
    %get3A_17 = arith.constant 0 : index
    %get3A_18 = arith.constant 0 : index
    %get3A_19 = vector.load %arg4[%get3A_17, %get3A_18] : memref<1x64xf32, #tpu.memory_space<vmem>>, vector<1x64xf32>
    %add3A_20 = vector.broadcast %get3A_19 : vector<1x64xf32> to vector<1024x64xf32>
    %add3A_21 = arith.addf %add3A_16, %add3A_20 : vector<1024x64xf32>
    %max3A = arith.constant 0.000000e+00 : f32
    %max3A_22 = vector.broadcast %max3A : f32 to vector<1024x64xf32>
    %max3A_23 = arith.maximumf %add3A_21, %max3A_22 : vector<1024x64xf32>
    %get3A_24 = arith.constant 0 : index
    %get3A_25 = arith.constant 0 : index
    %get3A_26 = vector.load %arg5[%get3A_24, %get3A_25] : memref<64x8xf32, #tpu.memory_space<vmem>>, vector<64x8xf32>
    %dot_general3A = arith.constant dense<0.000000e+00> : vector<1024x8xf32>
    %dot_general3A_27 = tpu.matmul %max3A_23, %get3A_26, %dot_general3A {dimension_numbers = #tpu.dot_dimension_numbers<[1], [0], [0], [1], [0, 0, 1, 1], [], []>, precision = #tpu.contract_precision<fp32>, transpose_lhs_hint = false} : vector<1024x64xf32>, vector<64x8xf32>, vector<1024x8xf32> -> vector<1024x8xf32>
    %get3A_28 = arith.constant 0 : index
    %get3A_29 = arith.constant 0 : index
    %get3A_30 = vector.load %arg6[%get3A_28, %get3A_29] : memref<1x8xf32, #tpu.memory_space<vmem>>, vector<1x8xf32>
    %add3A_31 = vector.broadcast %get3A_30 : vector<1x8xf32> to vector<1024x8xf32>
    %add3A_32 = arith.addf %dot_general3A_27, %add3A_31 : vector<1024x8xf32>
    %swap3A = arith.constant 0 : index
    %swap3A_33 = arith.constant 0 : index
    %swap3A_34 = vector.load %arg7[%swap3A, %swap3A_33] : memref<1024x8xf32, #tpu.memory_space<vmem>>, vector<1024x8xf32>
    tpu.vector_store %arg7[%swap3A, %swap3A_33], %add3A_32 {strides = array<i32>} : memref<1024x8xf32, #tpu.memory_space<vmem>>, vector<1024x8xf32>,
    return
  }
  func.func @transform_0(%arg0: i32) -> (i32, i32) {
    %c0_i32 = arith.constant 0 : i32
    %c0_i32_0 = arith.constant 0 : i32
    return %arg0, %c0_i32 : i32, i32
  }
  func.func @transform_1(%arg0: i32) -> (i32, i32, i32) {
    %c0_i32 = arith.constant 0 : i32
    %c0_i32_0 = arith.constant 0 : i32
    %c0_i32_1 = arith.constant 0 : i32
    return %c0_i32, %arg0, %c0_i32_0 : i32, i32, i32
  }
  func.func @transform_2(%arg0: i32) -> (i32, i32) {
    %c0_i32 = arith.constant 0 : i32
    %c0_i32_0 = arith.constant 0 : i32
    return %arg0, %c0_i32 : i32, i32
  }
  func.func @transform_3(%arg0: i32) -> (i32, i32) {
    %c0_i32 = arith.constant 0 : i32
    %c0_i32_0 = arith.constant 0 : i32
    %c0_i32_1 = arith.constant 0 : i32
    return %c0_i32, %c0_i32_0 : i32, i32
  }
  func.func @transform_4(%arg0: i32) -> (i32, i32) {
    %c0_i32 = arith.constant 0 : i32
    %c0_i32_0 = arith.constant 0 : i32
    %c0_i32_1 = arith.constant 0 : i32
    return %c0_i32, %c0_i32_0 : i32, i32
  }
  func.func @transform_5(%arg0: i32) -> (i32, i32) {
    %c0_i32 = arith.constant 0 : i32
    %c0_i32_0 = arith.constant 0 : i32
    %c0_i32_1 = arith.constant 0 : i32
    return %c0_i32, %c0_i32_0 : i32, i32
  }
  func.func @transform_6(%arg0: i32) -> (i32, i32) {
    %c0_i32 = arith.constant 0 : i32
    %c0_i32_0 = arith.constant 0 : i32
    return %arg0, %c0_i32 : i32, i32
  }
}

</mosaic_0001>

<sc_bundles>
// kernel: kernel.10.cloned.1.call-start
scs
__scs_entry_jumppad:
0x0: {  	(pc) =	sbr.rel $0x88, $3  }
0x1: {  	(tag) =	ssettag $0x0;
	lr =	simm.s32 $0x1  }
0x2: {  	[smem:$0x3F97] =	sst lr;
	_ =	strace $0xD0000000  }
0x3: {  	_ = 	snop  }
0x4: {  	_ = 	snop  }
0x5: {  	_ = 	snop  }
0x6: {  	_ = 	snop  }
0x7: {  	_ = 	snop  }
__scs_overlays_trampoline_lowered:
0x8: {  	[smem:$0x3FA6] =	sst s0  }
0x9: {  	[smem:$0x3FA7] =	sst s1  }
0xa: {  	[smem:$0x3FA8] =	sst s2  }
0xb: {  	[smem:$0x3FA9] =	sst s3  }
0xc: {  	[smem:$0x3FAA] =	sst s4  }
0xd: {  	[smem:$0x3FAB] =	sst s5  }
0xe: {  	[smem:$0x3FAC] =	sst s6  }
0xf: {  	[smem:$0x3FAD] =	sst s7  }
0x10: {  	[smem:$0x3FAE] =	sst s8  }
0x11: {  	[smem:$0x3FAF] =	sst s9;
	s0 =	simm.s32 @!p0 $0x0  }
0x12: {  	s1 =	sld [smem:$0x3F95];
	s0 =	simm.s32 @p0 $0x1  }
0x13: {  	[smem:$0x3FB0] =	sst s0;
	s0 =	simm.s32 @!p1 $0x0  }
0x14: {  	s2 =	sld [smem:$0x3F94];
	s0 =	simm.s32 @p1 $0x1  }
0x15: {  	[smem:$0x3FB1] =	sst s0;
	s0 =	simm.s32 @!p2 $0x0  }
0x16: {  	s3 =	sld [smem:$0x3FDB];
	s0 =	simm.s32 @p2 $0x1  }
0x17: {  	s4 =	simm.s32 $0x1BF5;
	[smem:$0x3FB3] =	sst s0  }
0x18: {  	s0 =	sld [smem:$0x3F96];
	_ =	swait.ge [sflag:s4], $0x0  }
0x19: {  	s7 =	sld [smem:$0x3F97]  }
0x1a: {  	s8 =	sadd.s32 $0xFFFFE003, lr  }
0x1b: {  	s9 =	sadd.s32 $0xFFFFFEF7, lr;
	s5 =	simm.s32 $0xFFFFFFFF;
	p2 =	slt.u32 s8, $0xFFFFF086  }
0x1c: {  	p1 =	slt.u32 s9, $0xF7A;
	s5 =	simm.s32 @!p2 $0x0  }
0x1d: {  	s5 =	simm.s32 @p1 $0x1;
	p0 =	seq.s32 s7, s2  }
0x1e: {  	s7 =	smul.u32 @!p0 $0xF7A, s2;
	p2 =	seq.s32 @!p0 s5, $0x0  }
0x1f: {  	s9 =	smul.u32 $0xF7A, s1;
	s8 =	simm.s32 @!p0 $0x1BF5;
	p2 =	por !p2, p0  }
0x20: {  	[sflag:s8] =	ssyncset.s32 @!p0 $0xFFFFF086;
	s6 =	sadd.s32 @!p0 s3, s7;
	s7 =	simm.s32 @!p0 $0x108  }
0x21: {  	s3 =	sadd.s32 s3, s9;
	s6 =	sadd.s32 @!p0 $0x88, s6;
	s7 =	simm.s32 @p2 $0x1082  }
0x22: {  	[simem:s7], [sflag:s8] =	dma.local @!p0 [hbm:s6], $0xF7A  }
0x23: {  	s9 =	sor.u32 $0xD0000000, s2;
	s6 =	simm.s32 $0x108;
	_ =	swait.ge @!p0 [sflag:s8], $0x0  }
0x24: {  	s3 =	sadd.s32 $0x88, s3;
	s6 =	simm.s32 @!p1 $0x1082;
	[sflag:s4] =	ssyncset.s32 $0xFFFFF086  }
0x25: {  	[simem:s6], [sflag:s4] =	dma.local [hbm:s3], $0xF7A  }
0x26: {  	[smem:$0x3F97] =	sst s1;
	(tag) =	ssettag s2;
	_ =	strace s9  }
0x27: {  	s1 =	sld [smem:$0x3FA7]  }
0x28: {  	s2 =	sld [smem:$0x3FA8]  }
0x29: {  	s4 =	sld [smem:$0x3FAA]  }
0x2a: {  	p0 =	seq.s32 s5, $0x0;
	s5 =	sld [smem:$0x3FAB]  }
0x2b: {  	s6 =	sld [smem:$0x3FAC]  }
0x2c: {  	s7 =	sld [smem:$0x3FAD]  }
0x2d: {  	s3 =	simm.s32 $0x108;
	s8 =	sld [smem:$0x3FAE]  }
0x2e: {  	s3 =	simm.s32 @!p0 $0x1082;
	s9 =	sld [smem:$0x3FAF]  }
0x2f: {  	lr =	sadd.s32 s0, s3;
	s0 =	sld [smem:$0x3FA6]  }
0x30: {  	s3 =	sld [smem:$0x3FA9]  }
0x31: {  	[smem:$0x3FB2] =	sst s10  }
0x32: {  	s10 =	sld [smem:$0x3FB0];
	_ =	sdelay $0x3  }
0x33: {  	p0 =	seq.s32 s10, $0x1;
	s10 =	sld [smem:$0x3FB2];
	_ =	sdelay $0x3  }
0x34: {  	[smem:$0x3FB2] =	sst s10  }
0x35: {  	s10 =	sld [smem:$0x3FB1];
	_ =	sdelay $0x3  }
0x36: {  	p1 =	seq.s32 s10, $0x1;
	s10 =	sld [smem:$0x3FB2];
	_ =	sdelay $0x3  }
0x37: {  	[smem:$0x3FB2] =	sst s10  }
0x38: {  	s10 =	sld [smem:$0x3FB3]  }
0x39: {  	_ = 	snop;
	(pc) =	sbr.ind lr, $3  }
0x3a: {  	_ = 	snop  }
0x3b: {  	_ = 	snop  }
0x3c: {  	p2 =	seq.s32 s10, $0x1;
	s10 =	sld [smem:$0x3FB2]  }
0x3d: {  	_ =	shalt  }
0x3e: {  	_ =	shalt  }
0x3f: {  	_ =	shalt  }
0x40: {  	_ =	shalt  }
0x41: {  	_ =	shalt  }
0x42: {  	_ =	shalt  }
0x43: {  	_ =	shalt  }
0x44: {  	_ =	shalt  }
0x45: {  	_ =	shalt  }
0x46: {  	_ =	shalt  }
0x47: {  	_ =	shalt  }
0x48: {  	_ =	shalt  }
0x49: {  	_ =	shalt  }
0x4a: {  	_ =	shalt  }
0x4b: {  	_ =	shalt  }
0x4c: {  	_ =	shalt  }
0x4d: {  	_ =	shalt  }
0x4e: {  	_ =	shalt  }
0x4f: {  	_ =	shalt  }
0x50: {  	_ =	shalt  }
0x51: {  	_ =	shalt  }
0x52: {  	_ =	shalt  }
0x53: {  	_ =	shalt  }
0x54: {  	_ =	shalt  }
0x55: {  	_ =	shalt  }
0x56: {  	_ =	shalt  }
0x57: {  	_ =	shalt  }
0x58: {  	_ =	shalt  }
0x59: {  	_ =	shalt  }
0x5a: {  	_ =	shalt  }
0x5b: {  	_ =	shalt  }
0x5c: {  	_ =	shalt  }
0x5d: {  	_ =	shalt  }
0x5e: {  	_ =	shalt  }
0x5f: {  	_ =	shalt  }
0x60: {  	_ =	shalt  }
0x61: {  	_ =	shalt  }
0x62: {  	_ =	shalt  }
0x63: {  	_ =	shalt  }
0x64: {  	_ =	shalt  }
0x65: {  	_ =	shalt  }
0x66: {  	_ =	shalt  }
0x67: {  	_ =	shalt  }
0x68: {  	_ =	shalt  }
0x69: {  	_ =	shalt  }
0x6a: {  	_ =	shalt  }
0x6b: {  	_ =	shalt  }
0x6c: {  	_ =	shalt  }
0x6d: {  	_ =	shalt  }
0x6e: {  	_ =	shalt  }
0x6f: {  	_ =	shalt  }
0x70: {  	_ =	shalt  }
0x71: {  	_ =	shalt  }
0x72: {  	_ =	shalt  }
0x73: {  	_ =	shalt  }
0x74: {  	_ =	shalt  }
0x75: {  	_ =	shalt  }
0x76: {  	_ =	shalt  }
0x77: {  	_ =	shalt  }
0x78: {  	_ =	shalt  }
0x79: {  	_ =	shalt  }
0x7a: {  	_ =	shalt  }
0x7b: {  	_ =	shalt  }
0x7c: {  	_ =	shalt  }
0x7d: {  	_ =	shalt  }
0x7e: {  	_ =	shalt  }
0x7f: {  	_ =	shalt  }
0x80: {  	_ =	shalt  }
0x81: {  	_ =	shalt  }
0x82: {  	_ =	shalt  }
0x83: {  	_ =	shalt  }
0x84: {  	_ =	shalt  }
0x85: {  	_ =	shalt  }
0x86: {  	_ =	shalt  }
0x87: {  	_ =	shalt  }
.Lfunc_end0:
.L_simem_size_0:
called_computation.1_lowered:
.L_overlay_start_0:
0x88: {  	s2 =	sld [smem:$0x3FD9]  }
0x89: {  	s3 =	sld [smem:$0x3FFE];
	_ =	sdelay $0x1  }
0x8a: {  	s1 =	srdreg.scid  }
0x8b: {  	s0 =	sand.u32 $0x1, s1  }
0x8c: {  	s16 =	sshll.u32 s0, $0xA;
	s2 =	sadd.s32 s3, s2  }
0x8d: {  	s2 =	sadd.s32 s2, s16  }
0x8e: {  	[smem:$0x3FBE] =	sst s2  }
0x8f: {  	_ = 	snop  }
0x90: {  	(tm) =	ssettm $0x1  }
0x91: {  	s17 =	sld [smem:$0x3FFB];
	_ =	sdelay $0x3  }
0x92: {  	_ =	strace s17  }
0x93: {  	s2 =	sld [smem:$0x3FFC];
	_ =	sdelay $0x3  }
0x94: {  	_ =	strace s2  }
0x95: {  	s2 =	sld [smem:$0x3FFD];
	_ =	sdelay $0x3  }
0x96: {  	_ =	strace s2  }
0x97: {  	_ =	strace $0x8FFFFFFF  }
0x98: {  	s18 =	sld [smem:$0x3FDB];
	_ =	sdelay $0x1  }
0x99: {  	s19 =	simm.s32 $_scs_section_size  }
0x9a: {  	s4 =	simm.s32 $_size__tile_overlayer_lowered;
	s5 =	simm.s32 $_tile_overlayer_lowered  }
0x9b: {  	s22 =	simm.s32 $0x1BFF;
	s21 =	sshll.u32 s5, $0x1;
	s2 =	sadd.s32 s19, s18  }
0x9c: {  	s6 =	simm.s32 $0x0;
	s20 =	sshll.u32 s4, $0x1;
	s4 =	sadd.s32 s21, s2  }
0x9d: {  	[timem:s6], [sflag:s22] =	dma.local [hbm:s4], s20  }
0x9e: {  	_ =	swait.ge [sflag:s22], s20  }
0x9f: {  	s3 =	ssub.s32 $0x0, s20;
	[sflag:s22] =	ssyncset.done $0x0  }
0xa0: {  	[sflag:s22] =	ssyncadd.s32 s3;
	_ =	sdelay $0x1  }
0xa1: {  	s23 =	simm.s32 $0x1B8B  }
0xa2: {  	_ =	swait.ge [sflag:s23], $0x1  }
0xa3: {  	[sflag:s23] =	ssyncset.done $0x0  }
0xa4: {  	s25 =	simm.s32 $0x1B8E;
	s24 =	sld [smem:$0x3FFE];
	[sflag:s23] =	ssyncadd.s32 $0xFFFFFFFF  }
0xa5: {  	s26 =	simm.s32 $execute0_lowered;
	[smem:$0x3FD2] =	sst s25  }
0xa6: {  	s4 =	sshll.u32 s26, $0x1;
	_ =	strace $0x80000049;
	[dreg:$0x1] =	wrdreg $0xFFFFFFFF  }
0xa7: {  	s28 =	simm.s32 $_size_execute0_lowered;
	s2 =	sadd.s32 s2, s4;
	[dreg:$0x0] =	wrdreg $0x0  }
0xa8: {  	s4 =	sshll.u32 s28, $0x1;
	[dreg:$0x2] =	wrdreg s2  }
0xa9: {  	[dreg:$0x3] =	wrdreg s4  }
0xaa: {  	[dreg:$0x4] =	wrdreg $0xC0  }
0xab: {  	_ =	task [dreg:s6], $0x5FFFF  }
0xac: {  	[dreg:$0x1] =	wrdreg $0xFFFFFFFF  }
0xad: {  	[dreg:$0x0] =	wrdreg $0x60  }
0xae: {  	[dreg:$0x2] =	wrdreg s24  }
0xaf: {  	[dreg:$0x3] =	wrdreg $0x112000  }
0xb0: {  	[dreg:$0x4] =	wrdreg $0x9  }
0xb1: {  	_ =	task.clear_ibuf [dreg:s6], $0x5FFFF;
	_ =	strace $0x90000049  }
0xb2: {  	s29 =	simm.s32 $0x9;
	_ =	strace $0x8000004B  }
0xb3: {  	_ =	swait.ge [sflag:s29], $0x1  }
0xb4: {  	[sflag:s29] =	ssyncadd.s32 $0xFFFFFFFF  }
0xb5: {  	_ =	strace $0x9000004B  }
0xb6: {  	_ =	sfence  }
0xb7: {  	s30 =	sld [smem:$0x0];
	_ =	sdelay $0x2  }
0xb8: {  	s31 =	sshll.u32 s1, $0xD;
	s1 =	sshrl.u32 s1, $0x2  }
0xb9: {  	s3 =	sand.u32 $0x4000, s31;
	s1 =	sadd.s32 s1, s30  }
0xba: {  	s0 =	sor.u32 s3, s0;
	s1 =	sshll.u32 s1, $0x11  }
0xbb: {  	s0 =	sor.u32 s1, s0  }
0xbc: {  	s0 =	sadd.s32 $0x8F2B, s0  }
0xbd: {  	[sflag:s0] =	ssyncadd.remote.s32 $0x1  }
0xbe: {  	_ =	sfence.sel $0xFFFF  }
0xbf: {  	[dreg:$0x0] =	wrdreg $0xFFFFFFFF;
	(pc) =	sbr.abs _section_cstart, $3  }
0xc0: {  	[dreg:$0x1] =	wrdreg $0xFFFFFFFF  }
0xc1: {  	_ =	task.clear_ibuf [dreg:s6], $0x2FFFF;
	_ =	strace $0x9FFFFFFF  }
0xc2: {  	(tm) =	ssettm $0x7FFFFFFF  }
0xc3: {  	_ =	shalt  }
tec
execute0_lowered:
.L_overlay_start_1:
0x0: {  	(tag) =	ssettag $0x1  }
0x1: {  	s0 =	rddreg [dreg:$0x0]  }
0x2: {  	s1 =	rddreg [dreg:$0x1];
	s2 =	srdreg.scid  }
0x3: {  	s4 =	simm.s32 $0x0;
	s12 =	stileid.u32;
	s28 =	simm.s32 $0x2  }
0x4: {  	s29 =	simm.s32 $0x680;
	s30 =	simm.s32 $0x700;
	s31 =	simm.s32 $0x780  }
0x5: {  	s2 =	sand.u32 $0x1, s2;
	[smem:$0x7FF] =	sst s4;
	s6 =	smul.u32 $0xA000, s12  }
0x6: {  	s4 =	sadd.s32 $0xBA00, s0;
	s7 =	sadd.s32 $0x1C00, s0;
	s8 =	sadd.s32 $0x60800, s0  }
0x7: {  	s10 =	sshll.u32 s12, $0x1;
	s11 =	smul.u32 $0x28000, s12;
	s5 =	ssub.s32 $0x2, s2  }
0x8: {  	s3 =	smul.u32 $0xA0000, s2;
	s16 =	sor.u32 s2, s10;
	s9 =	sshrl.u32 s5, $0x1  }
0x9: {  	_ =	strace $0x8000004A;
	s15 =	ssub.s32 s5, s9;
	s9 =	sshll.u32 s16, $0x6  }
0xa: {  	s2 =	sshll.u32 s2, $0x6;
	s20 =	sshrl.u32 s11, $0x2;
	s13 =	sadd.s32 s7, s9  }
0xb: {  	s17 =	sor.u32 $0x800, s9;
	s9 =	sadd.s32 s8, s9;
	[dreg:$0x3] =	wrdreg s13  }
0xc: {  	s3 =	sadd.s32 s6, s3;
	[dreg:$0x4] =	wrdreg s9;
	s18 =	sadd.s32 s7, s17  }
0xd: {  	s3 =	sshrl.u32 s3, $0x3;
	s19 =	sadd.s32 s8, s17;
	[dreg:$0x5] =	wrdreg s18  }
0xe: {  	s0 =	sadd.s32 s3, s0;
	s3 =	smax.u32 s15, $0x1;
	[dreg:$0x6] =	wrdreg s19  }
0xf: {  	p0 =	slt.u32 s16, $0x11;
	s9 =	sadd.s32 s20, s1;
	[dreg:$0x9] =	wrdreg s3  }
0x10: {  	s21 =	sadd.s32 s6, s1;
	s0 =	sadd.s32 $0x1FA00, s0;
	[dreg:$0x8] =	wrdreg s9  }
0x11: {  	s5 =	simm.s32 $0x14;
	s24 =	sadd.s32 $0xA00, s9;
	[dreg:$0x7] =	wrdreg s0  }
0x12: {  	s5 =	simm.s32 @!p0 $0x13;
	s25 =	sadd.s32 $0x1400, s9;
	[dreg:$0xa] =	wrdreg s24  }
0x13: {  	s10 =	sadd.s32 $0xFFFFFFFF, s5;
	s26 =	sadd.s32 $0x1E00, s9;
	[dreg:$0xb] =	wrdreg s25  }
0x14: {  	s15 =	sshll.u32 s12, $0x7;
	s6 =	sadd.s32 $0x2800, s9;
	[dreg:$0xc] =	wrdreg s26  }
0x15: {  	s11 =	sadd.s32 $0x3200, s9;
	s13 =	sadd.s32 $0x3C00, s9;
	[dreg:$0xd] =	wrdreg s6  }
0x16: {  	s14 =	sadd.s32 $0x4600, s9;
	s16 =	sadd.s32 s15, s7;
	[dreg:$0xe] =	wrdreg s11  }
0x17: {  	s3 =	sadd.s32 s15, s8;
	s17 =	sadd.s32 $0x5000, s9;
	[dreg:$0xf] =	wrdreg s13  }
0x18: {  	s18 =	sadd.s32 $0x5A00, s9;
	s19 =	sadd.s32 $0x6400, s9;
	[dreg:$0x10] =	wrdreg s14  }
0x19: {  	s20 =	sadd.s32 $0x6E00, s9;
	s7 =	simm.s32 $0x80;
	[dreg:$0x11] =	wrdreg s17  }
0x1a: {  	s8 =	simm.s32 $0x800;
	s15 =	simm.s32 $0x600;
	[dreg:$0x12] =	wrdreg s18  }
0x1b: {  	s22 =	sadd.s32 s2, s16;
	s23 =	sadd.s32 s2, s3;
	[dreg:$0x14] =	wrdreg s19  }
0x1c: {  	s0 =	sshrl.u32 s21, $0x3;
	[dreg:$0x15] =	wrdreg s20;
	s21 =	sadd.s32 $0x7800, s9  }
0x1d: {  	s24 =	sadd.s32 $0x8200, s9;
	s25 =	sadd.s32 $0x8C00, s9;
	s26 =	sadd.s32 $0x9600, s9  }
0x1e: {  	s2 =	simm.s32 $0x3;
	s9 =	simm.s32 $0x2800;
	[dreg:$0x13] =	wrdreg s0  }
.Ltmp0:
0x1f: {  	s11 =	simm.s32 $0x4800;
	[dreg:$0x16] =	wrdreg s21;
	(pc) =	sbr.rel .LBB2_1-.Ltmp0, $4  }
0x20: {  	s13 =	simm.s32 $0x6800;
	s16 =	simm.s32 $0x8800;
	[dreg:$0x17] =	wrdreg s24  }
0x21: {  	s17 =	simm.s32 $0xA800;
	s18 =	simm.s32 $0xC800;
	[dreg:$0x18] =	wrdreg s25  }
0x22: {  	s19 =	simm.s32 $0xE800;
	s3 =	simm.s32 $0x0;
	[dreg:$0x19] =	wrdreg s26  }
0x23: {  	v0 =	vimm.f32 $0.0e+00;
	s21 =	simm.s32 $0x1;
	s25 =	simm.s32 $0x500;
	s26 =	simm.s32 $0x580  }
.LBB2_9:
0x24: {  	s0 =	stileid.u32;
	[bflag:$0x0] =	sbarrier.arrive $0xFFFF  }
0x25: {  	s0 =	sshll.u32 s0, $0x6;
	s3 =	rddreg [dreg:$0x7]  }
0x26: {  	s6 =	rddreg [dreg:$0x13];
	s0 =	sor.u32 $0x1C03, s0  }
0x27: {  	[hbm:s3], [sflag:s0] =	dma.local [spmem:s6], $0x1400  }
0x28: {  	_ =	swait.ge [sflag:s2], $0x1400  }
0x29: {  	s20 =	rddreg [dreg:$0x1a]  }
0x2a: {  	s24 =	rddreg [dreg:$0x9];
	s3 =	sadd.s32 $0x1, s20  }
0x2b: {  	p0 =	sne.s32 s3, s24  }
.Ltmp1:
0x2c: {  	_ = 	snop;
	(pc) =	sbr.rel @!p0 .LBB2_10-.Ltmp1, $3  }
0x2d: {  	_ =	sdelay $0x1  }
0x2e: {  	[sflag:s2] =	ssyncset.done $0x0  }
0x2f: {  	[sflag:s2] =	ssyncadd.s32 $0xFFFFEC00  }
.LBB2_1:
0x30: {  	[dreg:$0x1a] =	wrdreg s3  }
0x31: {  	s0 =	simm.s32 $0x0;
	s20 =	rddreg [dreg:$0x3]  }
0x32: {  	[tilespmem:s0], [sflag:$0x3] =	stream.linear.gather [hbm4b:s20+s0], $0x200, $0x38;
	[tilespmem:$0x1B200] =	vst v63  }
0x33: {  	_ =	swait.ge [sflag:s2], $0x200  }
0x34: {  	[sflag:s2] =	ssyncset.done $0x0  }
0x35: {  	s6 =	simm.s32 $0x400;
	s24 =	rddreg [dreg:$0x4];
	[sflag:s2] =	ssyncadd.s32 $0xFFFFFE00  }
0x36: {  	[tilespmem:s6], [sflag:$0x3] =	stream.linear.gather [hbm4b:s24+s0], $0x200, $0x38;
	[tilespmem:$0x1B200] =	vst v63  }
0x37: {  	_ =	swait.ge [sflag:s2], $0x200  }
0x38: {  	[sflag:s2] =	ssyncset.done $0x0  }
0x39: {  	[sflag:s2] =	ssyncadd.s32 $0xFFFFFE00  }
0x3a: {  	[tilespmem:s8], [sflag:$0x1] =	stream.indirect.gather [hbm4b:s4+s7], $0x40, s0, s7, $0xb8;
	[tilespmem:$0x1B200] =	vst v63  }
0x3b: {  	_ = 	snop  }
0x3c: {  	[tilespmem:s9], [sflag:$0x1] =	stream.indirect.gather [hbm4b:s4+s7], $0x40, s7, s7, $0xb8;
	[tilespmem:$0x1B200] =	vst v63  }
0x3d: {  	s12 =	simm.s32 $0x100  }
0x3e: {  	[tilespmem:s11], [sflag:$0x1] =	stream.indirect.gather [hbm4b:s4+s7], $0x40, s12, s7, $0xb8;
	[tilespmem:$0x1B200] =	vst v63  }
0x3f: {  	s14 =	simm.s32 $0x180  }
0x40: {  	[tilespmem:s13], [sflag:$0x1] =	stream.indirect.gather [hbm4b:s4+s7], $0x40, s14, s7, $0xb8;
	[tilespmem:$0x1B200] =	vst v63  }
0x41: {  	s24 =	simm.s32 $0x200;
	s20 =	rddreg [dreg:$0x5]  }
0x42: {  	[tilespmem:s24], [sflag:$0x3] =	stream.linear.gather [hbm4b:s20+s0], $0x200, $0x38;
	[tilespmem:$0x1B200] =	vst v63  }
0x43: {  	_ =	swait.ge [sflag:s2], $0x200  }
0x44: {  	[sflag:s2] =	ssyncset.done $0x0  }
0x45: {  	s12 =	rddreg [dreg:$0x6];
	[sflag:s2] =	ssyncadd.s32 $0xFFFFFE00  }
0x46: {  	[tilespmem:s15], [sflag:$0x3] =	stream.linear.gather [hbm4b:s12+s0], $0x200, $0x38;
	[tilespmem:$0x1B200] =	vst v63  }
0x47: {  	_ =	swait.ge [sflag:s2], $0x200  }
0x48: {  	[sflag:s2] =	ssyncset.done $0x0  }
0x49: {  	[sflag:s2] =	ssyncadd.s32 $0xFFFFFE00  }
0x4a: {  	[tilespmem:s16], [sflag:$0x2] =	stream.indirect.gather [hbm4b:s4+s7], $0x40, s24, s7, $0xb8;
	[tilespmem:$0x1B200] =	vst v63  }
0x4b: {  	s14 =	simm.s32 $0x280  }
0x4c: {  	[tilespmem:s17], [sflag:$0x2] =	stream.indirect.gather [hbm4b:s4+s7], $0x40, s14, s7, $0xb8;
	[tilespmem:$0x1B200] =	vst v63  }
0x4d: {  	s20 =	simm.s32 $0x300  }
0x4e: {  	[tilespmem:s18], [sflag:$0x2] =	stream.indirect.gather [hbm4b:s4+s7], $0x40, s20, s7, $0xb8;
	[tilespmem:$0x1B200] =	vst v63  }
0x4f: {  	s3 =	simm.s32 $0x0;
	s12 =	simm.s32 $0x100;
	s24 =	simm.s32 $0x380  }
0x50: {  	[tilespmem:s19], [sflag:$0x2] =	stream.indirect.gather [hbm4b:s4+s7], $0x40, s24, s7, $0xb8;
	[tilespmem:$0x1B200] =	vst v63  }
.LBB2_2:
0x51: {  	p0 =	sne.s32 s12, $0x2700;
	[tilespmem:s3+$0x10830] =	vst v0;
	s14 =	smov.u32 s12;
	s12 =	sadd.s32 $0x100, s12  }
.Ltmp2:
0x52: {  	[tilespmem:s3+$0x10820] =	vst v0;
	(pc) =	sbr.rel @p0 .LBB2_2-.Ltmp2, $3  }
0x53: {  	[tilespmem:s3+$0x10800] =	vst v0  }
0x54: {  	[tilespmem:s3+$0x10810] =	vst v0;
	_ =	sdelay $0x1  }
0x55: {  	s3 =	sshra.s32 s14, $0x2  }
0x56: {  	[tilespmem:s3+$0x10830] =	vst v0  }
0x57: {  	[tilespmem:s3+$0x10820] =	vst v0  }
0x58: {  	[tilespmem:s3+$0x10800] =	vst v0  }
0x59: {  	[tilespmem:s3+$0x10810] =	vst v0;
	s0 =	rddreg [dreg:$0x8];
	s3 =	simm.s32 $0x10800;
	s14 =	simm.s32 $0x3  }
0x5a: {  	[spmem:s0] =	stream.linear.scatter [tilespmem:s3], [sflag:$0x3], $0xA00, $0x38;
	[tilespmem:$0x1B200] =	vst v63  }
0x5b: {  	_ =	swait.ge [sflag:s14], $0xA00  }
0x5c: {  	[sflag:s14] =	ssyncset.done $0x0  }
0x5d: {  	s12 =	rddreg [dreg:$0xa];
	[sflag:s14] =	ssyncadd.s32 $0xFFFFF600  }
0x5e: {  	[spmem:s12] =	stream.linear.scatter [tilespmem:s3], [sflag:$0x3], $0xA00, $0x38;
	[tilespmem:$0x1B200] =	vst v63  }
0x5f: {  	_ =	swait.ge [sflag:s14], $0xA00  }
0x60: {  	[sflag:s14] =	ssyncset.done $0x0  }
0x61: {  	s20 =	rddreg [dreg:$0xb];
	[sflag:s14] =	ssyncadd.s32 $0xFFFFF600  }
0x62: {  	[spmem:s20] =	stream.linear.scatter [tilespmem:s3], [sflag:$0x3], $0xA00, $0x38;
	[tilespmem:$0x1B200] =	vst v63  }
0x63: {  	_ =	swait.ge [sflag:s14], $0xA00  }
0x64: {  	[sflag:s14] =	ssyncset.done $0x0  }
0x65: {  	s24 =	rddreg [dreg:$0xc];
	[sflag:s14] =	ssyncadd.s32 $0xFFFFF600  }
0x66: {  	[spmem:s24] =	stream.linear.scatter [tilespmem:s3], [sflag:$0x3], $0xA00, $0x38;
	[tilespmem:$0x1B200] =	vst v63  }
0x67: {  	_ =	swait.ge [sflag:s14], $0xA00  }
0x68: {  	[sflag:s14] =	ssyncset.done $0x0  }
0x69: {  	s6 =	rddreg [dreg:$0xd];
	[sflag:s14] =	ssyncadd.s32 $0xFFFFF600  }
0x6a: {  	[spmem:s6] =	stream.linear.scatter [tilespmem:s3], [sflag:$0x3], $0xA00, $0x38;
	[tilespmem:$0x1B200] =	vst v63  }
0x6b: {  	_ =	swait.ge [sflag:s14], $0xA00  }
0x6c: {  	[sflag:s14] =	ssyncset.done $0x0  }
0x6d: {  	s12 =	rddreg [dreg:$0xe];
	[sflag:s14] =	ssyncadd.s32 $0xFFFFF600  }
0x6e: {  	[spmem:s12] =	stream.linear.scatter [tilespmem:s3], [sflag:$0x3], $0xA00, $0x38;
	[tilespmem:$0x1B200] =	vst v63  }
0x6f: {  	_ =	swait.ge [sflag:s14], $0xA00  }
0x70: {  	[sflag:s14] =	ssyncset.done $0x0  }
0x71: {  	s20 =	rddreg [dreg:$0xf];
	[sflag:s14] =	ssyncadd.s32 $0xFFFFF600  }
0x72: {  	[spmem:s20] =	stream.linear.scatter [tilespmem:s3], [sflag:$0x3], $0xA00, $0x38;
	[tilespmem:$0x1B200] =	vst v63  }
0x73: {  	_ =	swait.ge [sflag:s14], $0xA00  }
0x74: {  	[sflag:s14] =	ssyncset.done $0x0  }
0x75: {  	s24 =	rddreg [dreg:$0x10];
	[sflag:s14] =	ssyncadd.s32 $0xFFFFF600  }
0x76: {  	[spmem:s24] =	stream.linear.scatter [tilespmem:s3], [sflag:$0x3], $0xA00, $0x38;
	[tilespmem:$0x1B200] =	vst v63  }
0x77: {  	_ =	swait.ge [sflag:s14], $0xA00  }
0x78: {  	[sflag:s14] =	ssyncset.done $0x0  }
0x79: {  	s6 =	rddreg [dreg:$0x11];
	[sflag:s14] =	ssyncadd.s32 $0xFFFFF600  }
0x7a: {  	[spmem:s6] =	stream.linear.scatter [tilespmem:s3], [sflag:$0x3], $0xA00, $0x38;
	[tilespmem:$0x1B200] =	vst v63  }
0x7b: {  	_ =	swait.ge [sflag:s14], $0xA00  }
0x7c: {  	[sflag:s14] =	ssyncset.done $0x0  }
0x7d: {  	s12 =	rddreg [dreg:$0x12];
	[sflag:s14] =	ssyncadd.s32 $0xFFFFF600  }
0x7e: {  	[spmem:s12] =	stream.linear.scatter [tilespmem:s3], [sflag:$0x3], $0xA00, $0x38;
	[tilespmem:$0x1B200] =	vst v63  }
0x7f: {  	_ =	swait.ge [sflag:s14], $0xA00  }
0x80: {  	[sflag:s14] =	ssyncset.done $0x0  }
0x81: {  	s20 =	rddreg [dreg:$0x14];
	[sflag:s14] =	ssyncadd.s32 $0xFFFFF600  }
0x82: {  	[spmem:s20] =	stream.linear.scatter [tilespmem:s3], [sflag:$0x3], $0xA00, $0x38;
	[tilespmem:$0x1B200] =	vst v63  }
0x83: {  	_ =	swait.ge [sflag:s14], $0xA00  }
0x84: {  	[sflag:s14] =	ssyncset.done $0x0  }
0x85: {  	s24 =	rddreg [dreg:$0x15];
	[sflag:s14] =	ssyncadd.s32 $0xFFFFF600  }
0x86: {  	[spmem:s24] =	stream.linear.scatter [tilespmem:s3], [sflag:$0x3], $0xA00, $0x38;
	[tilespmem:$0x1B200] =	vst v63  }
0x87: {  	_ =	swait.ge [sflag:s14], $0xA00  }
0x88: {  	[sflag:s14] =	ssyncset.done $0x0  }
0x89: {  	s6 =	rddreg [dreg:$0x16];
	[sflag:s14] =	ssyncadd.s32 $0xFFFFF600  }
0x8a: {  	[spmem:s6] =	stream.linear.scatter [tilespmem:s3], [sflag:$0x3], $0xA00, $0x38;
	[tilespmem:$0x1B200] =	vst v63  }
0x8b: {  	_ =	swait.ge [sflag:s14], $0xA00  }
0x8c: {  	[sflag:s14] =	ssyncset.done $0x0  }
0x8d: {  	s12 =	rddreg [dreg:$0x17];
	[sflag:s14] =	ssyncadd.s32 $0xFFFFF600  }
0x8e: {  	[spmem:s12] =	stream.linear.scatter [tilespmem:s3], [sflag:$0x3], $0xA00, $0x38;
	[tilespmem:$0x1B200] =	vst v63  }
0x8f: {  	_ =	swait.ge [sflag:s14], $0xA00  }
0x90: {  	[sflag:s14] =	ssyncset.done $0x0  }
0x91: {  	s20 =	rddreg [dreg:$0x18];
	[sflag:s14] =	ssyncadd.s32 $0xFFFFF600  }
0x92: {  	[spmem:s20] =	stream.linear.scatter [tilespmem:s3], [sflag:$0x3], $0xA00, $0x38;
	[tilespmem:$0x1B200] =	vst v63  }
0x93: {  	_ =	swait.ge [sflag:s14], $0xA00  }
0x94: {  	[sflag:s14] =	ssyncset.done $0x0  }
0x95: {  	s24 =	rddreg [dreg:$0x19];
	[sflag:s14] =	ssyncadd.s32 $0xFFFFF600  }
0x96: {  	[spmem:s24] =	stream.linear.scatter [tilespmem:s3], [sflag:$0x3], $0xA00, $0x38;
	[tilespmem:$0x1B200] =	vst v63  }
.Ltmp3:
0x97: {  	_ =	swait.ge [sflag:s14], $0xA00;
	(pc) =	sbr.rel .LBB2_4-.Ltmp3, $4  }
0x98: {  	[sflag:s14] =	ssyncset.done $0x0  }
0x99: {  	[sflag:s14] =	ssyncadd.s32 $0xFFFFF600  }
0x9a: {  	[bflag:$0x0] =	sbarrier.arrive $0xFFFF  }
0x9b: {  	s12 =	simm.s32 $0x0  }
.LBB2_8:
0x9c: {  	s12 =	sadd.s32 $0x1000, s12  }
0x9d: {  	p0 =	sne.s32 s12, $0xA000  }
.Ltmp4:
0x9e: {  	_ = 	snop;
	(pc) =	sbr.rel @!p0 .LBB2_9-.Ltmp4, $2  }
0x9f: {  	_ =	sdelay $0x2  }
0xa0: {  	s14 =	sadd.s32 $0x2, s14  }
.LBB2_4:
0xa1: {  	s3 =	sadd.s32 $0xFFFFFFFD, s14  }
0xa2: {  	p0 =	sge.u32 s3, s5  }
.Ltmp5:
0xa3: {  	_ = 	snop;
	(pc) =	sbr.rel @p0 .LBB2_6-.Ltmp5, $1  }
0xa4: {  	_ =	sdelay $0x3  }
0xa5: {  	_ =	swait.ge [sflag:s21], $0x2000  }
0xa6: {  	[sflag:s21] =	ssyncset.done $0x0  }
0xa7: {  	[sflag:s21] =	ssyncadd.s32 $0xFFFFE000  }
0xa8: {  	_ =	swait.ge [sflag:s21], $0x2000  }
0xa9: {  	[sflag:s21] =	ssyncset.done $0x0  }
0xaa: {  	[sflag:s21] =	ssyncadd.s32 $0xFFFFE000  }
0xab: {  	_ =	swait.ge [sflag:s21], $0x2000  }
0xac: {  	[sflag:s21] =	ssyncset.done $0x0  }
0xad: {  	[sflag:s21] =	ssyncadd.s32 $0xFFFFE000  }
0xae: {  	_ =	swait.ge [sflag:s21], $0x2000  }
0xaf: {  	[sflag:s21] =	ssyncset.done $0x0  }
0xb0: {  	s0 =	simm.s32 $0x400;
	[sflag:s21] =	ssyncadd.s32 $0xFFFFE000  }
0xb1: {  	[spmem:s1] =	stream.indirect.scatter.add.f32 [tilespmem:s8], [sflag:$0x3], $0x40, s0, s7, $0xb8;
	[tilespmem:$0x1B200] =	vst v63  }
0xb2: {  	_ =	swait.ge [sflag:s2], $0x2000  }
0xb3: {  	[sflag:s2] =	ssyncset.done $0x0  }
0xb4: {  	s20 =	simm.s32 $0x480;
	[sflag:s2] =	ssyncadd.s32 $0xFFFFE000  }
0xb5: {  	[spmem:s1] =	stream.indirect.scatter.add.f32 [tilespmem:s9], [sflag:$0x3], $0x40, s20, s7, $0xb8;
	[tilespmem:$0x1B200] =	vst v63  }
0xb6: {  	_ =	swait.ge [sflag:s2], $0x2000  }
0xb7: {  	[sflag:s2] =	ssyncset.done $0x0  }
0xb8: {  	[sflag:s2] =	ssyncadd.s32 $0xFFFFE000  }
0xb9: {  	[spmem:s1] =	stream.indirect.scatter.add.f32 [tilespmem:s11], [sflag:$0x3], $0x40, s25, s7, $0xb8;
	[tilespmem:$0x1B200] =	vst v63  }
0xba: {  	_ =	swait.ge [sflag:s2], $0x2000  }
0xbb: {  	[sflag:s2] =	ssyncset.done $0x0  }
0xbc: {  	s24 =	sadd.s32 $0xFFFFFFFF, s14;
	[sflag:s2] =	ssyncadd.s32 $0xFFFFE000  }
0xbd: {  	[spmem:s1] =	stream.indirect.scatter.add.f32 [tilespmem:s13], [sflag:$0x3], $0x40, s26, s7, $0xb8;
	[tilespmem:$0x1B200] =	vst v63  }
0xbe: {  	p0 =	sge.u32 s24, s5;
	_ =	swait.ge [sflag:s2], $0x2000  }
0xbf: {  	s0 =	sadd.s32 @!p0 s12, s22;
	[sflag:s2] =	ssyncset.done $0x0  }
0xc0: {  	s0 =	sadd.s32 @!p0 $0x1000, s0;
	s20 =	simm.s32 @!p0 $0x0;
	[sflag:s2] =	ssyncadd.s32 $0xFFFFE000  }
0xc1: {  	[tilespmem:s20], [sflag:$0x3] =	stream.linear.gather @!p0 [hbm4b:s0+s20], $0x200, $0x38;
	[tilespmem:$0x1B200] =	vst v63  }
0xc2: {  	s0 =	simm.s32 @!p0 $0x3  }
0xc3: {  	_ =	swait.ge @!p0 [sflag:s0], $0x200  }
0xc4: {  	s6 =	sadd.s32 @!p0 s12, s23;
	[sflag:s0] =	ssyncset.done @!p0 $0x0  }
0xc5: {  	s24 =	simm.s32 @!p0 $0x400;
	s6 =	sadd.s32 @!p0 $0x1000, s6;
	[sflag:s0] =	ssyncadd.s32 @!p0 $0xFFFFFE00  }
0xc6: {  	[tilespmem:s24], [sflag:$0x3] =	stream.linear.gather @!p0 [hbm4b:s6+s20], $0x200, $0x38;
	[tilespmem:$0x1B200] =	vst v63  }
0xc7: {  	_ =	swait.ge @!p0 [sflag:s0], $0x200  }
0xc8: {  	[sflag:s0] =	ssyncset.done @!p0 $0x0  }
0xc9: {  	s6 =	simm.s32 @!p0 $0x800;
	[sflag:s0] =	ssyncadd.s32 @!p0 $0xFFFFFE00;
	s0 =	simm.s32 @!p0 $0x80  }
0xca: {  	[tilespmem:s6], [sflag:$0x1] =	stream.indirect.gather @!p0 [hbm4b:s4+s0], $0x40, s20, s0, $0xb8;
	[tilespmem:$0x1B200] =	vst v63  }
0xcb: {  	s6 =	simm.s32 @!p0 $0x2800  }
0xcc: {  	[tilespmem:s6], [sflag:$0x1] =	stream.indirect.gather @!p0 [hbm4b:s4+s0], $0x40, s0, s0, $0xb8;
	[tilespmem:$0x1B200] =	vst v63  }
0xcd: {  	s20 =	simm.s32 @!p0 $0x4800;
	s6 =	simm.s32 @!p0 $0x100  }
0xce: {  	[tilespmem:s20], [sflag:$0x1] =	stream.indirect.gather @!p0 [hbm4b:s4+s0], $0x40, s6, s0, $0xb8;
	[tilespmem:$0x1B200] =	vst v63  }
0xcf: {  	s6 =	simm.s32 @!p0 $0x180;
	s20 =	simm.s32 @!p0 $0x6800  }
0xd0: {  	[tilespmem:s20], [sflag:$0x1] =	stream.indirect.gather @!p0 [hbm4b:s4+s0], $0x40, s6, s0, $0xb8;
	[tilespmem:$0x1B200] =	vst v63  }
.LBB2_6:
0xd1: {  	p0 =	sge.u32 s3, s10  }
.Ltmp6:
0xd2: {  	_ = 	snop;
	(pc) =	sbr.rel @p0 .LBB2_8-.Ltmp6, $1  }
0xd3: {  	_ =	sdelay $0x3  }
0xd4: {  	_ =	swait.ge [sflag:s28], $0x2000  }
0xd5: {  	[sflag:s28] =	ssyncset.done $0x0  }
0xd6: {  	[sflag:s28] =	ssyncadd.s32 $0xFFFFE000  }
0xd7: {  	_ =	swait.ge [sflag:s28], $0x2000  }
0xd8: {  	[sflag:s28] =	ssyncset.done $0x0  }
0xd9: {  	[sflag:s28] =	ssyncadd.s32 $0xFFFFE000  }
0xda: {  	_ =	swait.ge [sflag:s28], $0x2000  }
0xdb: {  	[sflag:s28] =	ssyncset.done $0x0  }
0xdc: {  	[sflag:s28] =	ssyncadd.s32 $0xFFFFE000  }
0xdd: {  	_ =	swait.ge [sflag:s28], $0x2000  }
0xde: {  	[sflag:s28] =	ssyncset.done $0x0  }
0xdf: {  	[sflag:s28] =	ssyncadd.s32 $0xFFFFE000  }
0xe0: {  	[spmem:s1] =	stream.indirect.scatter.add.f32 [tilespmem:s16], [sflag:$0x3], $0x40, s15, s7, $0xb8;
	[tilespmem:$0x1B200] =	vst v63  }
0xe1: {  	_ =	swait.ge [sflag:s2], $0x2000  }
0xe2: {  	[sflag:s2] =	ssyncset.done $0x0  }
0xe3: {  	[sflag:s2] =	ssyncadd.s32 $0xFFFFE000  }
0xe4: {  	[spmem:s1] =	stream.indirect.scatter.add.f32 [tilespmem:s17], [sflag:$0x3], $0x40, s29, s7, $0xb8;
	[tilespmem:$0x1B200] =	vst v63  }
0xe5: {  	_ =	swait.ge [sflag:s2], $0x2000  }
0xe6: {  	[sflag:s2] =	ssyncset.done $0x0  }
0xe7: {  	[sflag:s2] =	ssyncadd.s32 $0xFFFFE000  }
0xe8: {  	[spmem:s1] =	stream.indirect.scatter.add.f32 [tilespmem:s18], [sflag:$0x3], $0x40, s30, s7, $0xb8;
	[tilespmem:$0x1B200] =	vst v63  }
0xe9: {  	_ =	swait.ge [sflag:s2], $0x2000  }
0xea: {  	[sflag:s2] =	ssyncset.done $0x0  }
0xeb: {  	[sflag:s2] =	ssyncadd.s32 $0xFFFFE000  }
0xec: {  	[spmem:s1] =	stream.indirect.scatter.add.f32 [tilespmem:s19], [sflag:$0x3], $0x40, s31, s7, $0xb8;
	[tilespmem:$0x1B200] =	vst v63  }
0xed: {  	p0 =	sge.u32 s14, s5;
	_ =	swait.ge [sflag:s2], $0x2000  }
0xee: {  	s0 =	sadd.s32 @!p0 s12, s22;
	s3 =	simm.s32 @!p0 $0x0;
	[sflag:s2] =	ssyncset.done $0x0  }
0xef: {  	s6 =	simm.s32 @!p0 $0x200;
	s0 =	sadd.s32 @!p0 $0x1800, s0;
	[sflag:s2] =	ssyncadd.s32 $0xFFFFE000  }
0xf0: {  	[tilespmem:s6], [sflag:$0x3] =	stream.linear.gather @!p0 [hbm4b:s0+s3], $0x200, $0x38;
	[tilespmem:$0x1B200] =	vst v63  }
0xf1: {  	s0 =	simm.s32 @!p0 $0x3  }
0xf2: {  	_ =	swait.ge @!p0 [sflag:s0], $0x200  }
0xf3: {  	s20 =	sadd.s32 @!p0 s12, s23;
	[sflag:s0] =	ssyncset.done @!p0 $0x0  }
0xf4: {  	s24 =	simm.s32 @!p0 $0x600;
	s20 =	sadd.s32 @!p0 $0x1800, s20;
	[sflag:s0] =	ssyncadd.s32 @!p0 $0xFFFFFE00  }
0xf5: {  	[tilespmem:s24], [sflag:$0x3] =	stream.linear.gather @!p0 [hbm4b:s20+s3], $0x200, $0x38;
	[tilespmem:$0x1B200] =	vst v63  }
0xf6: {  	_ =	swait.ge @!p0 [sflag:s0], $0x200  }
0xf7: {  	[sflag:s0] =	ssyncset.done @!p0 $0x0  }
0xf8: {  	s3 =	simm.s32 @!p0 $0x8800;
	[sflag:s0] =	ssyncadd.s32 @!p0 $0xFFFFFE00;
	s0 =	simm.s32 @!p0 $0x80  }
0xf9: {  	[tilespmem:s3], [sflag:$0x2] =	stream.indirect.gather @!p0 [hbm4b:s4+s0], $0x40, s6, s0, $0xb8;
	[tilespmem:$0x1B200] =	vst v63  }
0xfa: {  	s3 =	simm.s32 @!p0 $0x280;
	s6 =	simm.s32 @!p0 $0xA800  }
0xfb: {  	[tilespmem:s6], [sflag:$0x2] =	stream.indirect.gather @!p0 [hbm4b:s4+s0], $0x40, s3, s0, $0xb8;
	[tilespmem:$0x1B200] =	vst v63  }
.Ltmp7:
0xfc: {  	_ = 	snop;
	(pc) =	sbr.rel .LBB2_8-.Ltmp7, $4  }
0xfd: {  	s3 =	simm.s32 @!p0 $0x300;
	s6 =	simm.s32 @!p0 $0xC800  }
0xfe: {  	[tilespmem:s6], [sflag:$0x2] =	stream.indirect.gather @!p0 [hbm4b:s4+s0], $0x40, s3, s0, $0xb8;
	[tilespmem:$0x1B200] =	vst v63  }
0xff: {  	s3 =	simm.s32 @!p0 $0x380;
	s6 =	simm.s32 @!p0 $0xE800  }
0x100: {  	[tilespmem:s6], [sflag:$0x2] =	stream.indirect.gather @!p0 [hbm4b:s4+s0], $0x40, s3, s0, $0xb8;
	[tilespmem:$0x1B200] =	vst v63  }
.LBB2_10:
0x101: {  	_ =	sfence.sel $0x180000  }
0x102: {  	[bflag:$0x0] =	sbarrier.arrive $0xFFFF  }
0x103: {  	_ =	strace $0x9000004A  }
0x104: {  	s0 =	stileid.u32;
	[bflag:$0x2] =	sbarrier.arrive $0xFFFF  }
0x105: {  	p0 =	sne.s32 s0, $0x0;
	s0 =	rddreg [dreg:$0x2]  }
0x106: {  	s0 =	sadd.s32 @!p0 $0x100000, s0  }
0x107: {  	[sflag:s0] =	ssyncadd.tile.s32 @!p0 $0x1;
	_ =	shalt  }
.Lfunc_end2:
_tile_overlayer_lowered:
.L_overlay_start_2:
0x108: {  	(tag) =	ssettag $0x2  }
0x109: {  	s0 =	rddreg [dreg:$0x0];
	s2 =	stileid.u32  }
0x10a: {  	s1 =	rddreg [dreg:$0x1];
	p0 =	sne.s32 s2, $0x0  }
0x10b: {  	s3 =	rddreg [dreg:$0x2];
	[bflag:$0x3] =	sbarrier.arrive $0xFFFF;
	s2 =	simm.s32 @!p0 $0x1C03  }
0x10c: {  	[timem:s3], [sflag:s2] =	dma.local @!p0 [hbm:s0], s1  }
0x10d: {  	s0 =	simm.s32 @!p0 $0x3  }
0x10e: {  	_ =	swait.ge @!p0 [sflag:s0], s1  }
0x10f: {  	s1 =	ssub.s32 @!p0 $0x0, s1;
	[sflag:s0] =	ssyncset.done @!p0 $0x0  }
0x110: {  	[sflag:s0] =	ssyncadd.s32 @!p0 s1  }
0x111: {  	[bflag:$0x3] =	sbarrier.arrive $0xFFFF  }
0x112: {  	_ =	shalt  }

// kernel: kernel.7.cloned.1.call-start
scs
__scs_entry_jumppad:
0x0: {  	(pc) =	sbr.rel $0x88, $3  }
0x1: {  	(tag) =	ssettag $0x0;
	lr =	simm.s32 $0x1  }
0x2: {  	[smem:$0x3F97] =	sst lr;
	_ =	strace $0xD0000000  }
0x3: {  	_ = 	snop  }
0x4: {  	_ = 	snop  }
0x5: {  	_ = 	snop  }
0x6: {  	_ = 	snop  }
0x7: {  	_ = 	snop  }
__scs_overlays_trampoline_lowered:
0x8: {  	[smem:$0x3FA6] =	sst s0  }
0x9: {  	[smem:$0x3FA7] =	sst s1  }
0xa: {  	[smem:$0x3FA8] =	sst s2  }
0xb: {  	[smem:$0x3FA9] =	sst s3  }
0xc: {  	[smem:$0x3FAA] =	sst s4  }
0xd: {  	[smem:$0x3FAB] =	sst s5  }
0xe: {  	[smem:$0x3FAC] =	sst s6  }
0xf: {  	[smem:$0x3FAD] =	sst s7  }
0x10: {  	[smem:$0x3FAE] =	sst s8  }
0x11: {  	[smem:$0x3FAF] =	sst s9;
	s0 =	simm.s32 @!p0 $0x0  }
0x12: {  	s1 =	sld [smem:$0x3F95];
	s0 =	simm.s32 @p0 $0x1  }
0x13: {  	[smem:$0x3FB0] =	sst s0;
	s0 =	simm.s32 @!p1 $0x0  }
0x14: {  	s2 =	sld [smem:$0x3F94];
	s0 =	simm.s32 @p1 $0x1  }
0x15: {  	[smem:$0x3FB1] =	sst s0;
	s0 =	simm.s32 @!p2 $0x0  }
0x16: {  	s3 =	sld [smem:$0x3FDB];
	s0 =	simm.s32 @p2 $0x1  }
0x17: {  	s4 =	simm.s32 $0x1BF5;
	[smem:$0x3FB3] =	sst s0  }
0x18: {  	s0 =	sld [smem:$0x3F96];
	_ =	swait.ge [sflag:s4], $0x0  }
0x19: {  	s7 =	sld [smem:$0x3F97]  }
0x1a: {  	s8 =	sadd.s32 $0xFFFFE003, lr  }
0x1b: {  	s9 =	sadd.s32 $0xFFFFFEF7, lr;
	s5 =	simm.s32 $0xFFFFFFFF;
	p2 =	slt.u32 s8, $0xFFFFF086  }
0x1c: {  	p1 =	slt.u32 s9, $0xF7A;
	s5 =	simm.s32 @!p2 $0x0  }
0x1d: {  	s5 =	simm.s32 @p1 $0x1;
	p0 =	seq.s32 s7, s2  }
0x1e: {  	s7 =	smul.u32 @!p0 $0xF7A, s2;
	p2 =	seq.s32 @!p0 s5, $0x0  }
0x1f: {  	s9 =	smul.u32 $0xF7A, s1;
	s8 =	simm.s32 @!p0 $0x1BF5;
	p2 =	por !p2, p0  }
0x20: {  	[sflag:s8] =	ssyncset.s32 @!p0 $0xFFFFF086;
	s6 =	sadd.s32 @!p0 s3, s7;
	s7 =	simm.s32 @!p0 $0x108  }
0x21: {  	s3 =	sadd.s32 s3, s9;
	s6 =	sadd.s32 @!p0 $0x88, s6;
	s7 =	simm.s32 @p2 $0x1082  }
0x22: {  	[simem:s7], [sflag:s8] =	dma.local @!p0 [hbm:s6], $0xF7A  }
0x23: {  	s9 =	sor.u32 $0xD0000000, s2;
	s6 =	simm.s32 $0x108;
	_ =	swait.ge @!p0 [sflag:s8], $0x0  }
0x24: {  	s3 =	sadd.s32 $0x88, s3;
	s6 =	simm.s32 @!p1 $0x1082;
	[sflag:s4] =	ssyncset.s32 $0xFFFFF086  }
0x25: {  	[simem:s6], [sflag:s4] =	dma.local [hbm:s3], $0xF7A  }
0x26: {  	[smem:$0x3F97] =	sst s1;
	(tag) =	ssettag s2;
	_ =	strace s9  }
0x27: {  	s1 =	sld [smem:$0x3FA7]  }
0x28: {  	s2 =	sld [smem:$0x3FA8]  }
0x29: {  	s4 =	sld [smem:$0x3FAA]  }
0x2a: {  	p0 =	seq.s32 s5, $0x0;
	s5 =	sld [smem:$0x3FAB]  }
0x2b: {  	s6 =	sld [smem:$0x3FAC]  }
0x2c: {  	s7 =	sld [smem:$0x3FAD]  }
0x2d: {  	s3 =	simm.s32 $0x108;
	s8 =	sld [smem:$0x3FAE]  }
0x2e: {  	s3 =	simm.s32 @!p0 $0x1082;
	s9 =	sld [smem:$0x3FAF]  }
0x2f: {  	lr =	sadd.s32 s0, s3;
	s0 =	sld [smem:$0x3FA6]  }
0x30: {  	s3 =	sld [smem:$0x3FA9]  }
0x31: {  	[smem:$0x3FB2] =	sst s10  }
0x32: {  	s10 =	sld [smem:$0x3FB0];
	_ =	sdelay $0x3  }
0x33: {  	p0 =	seq.s32 s10, $0x1;
	s10 =	sld [smem:$0x3FB2];
	_ =	sdelay $0x3  }
0x34: {  	[smem:$0x3FB2] =	sst s10  }
0x35: {  	s10 =	sld [smem:$0x3FB1];
	_ =	sdelay $0x3  }
0x36: {  	p1 =	seq.s32 s10, $0x1;
	s10 =	sld [smem:$0x3FB2];
	_ =	sdelay $0x3  }
0x37: {  	[smem:$0x3FB2] =	sst s10  }
0x38: {  	s10 =	sld [smem:$0x3FB3]  }
0x39: {  	_ = 	snop;
	(pc) =	sbr.ind lr, $3  }
0x3a: {  	_ = 	snop  }
0x3b: {  	_ = 	snop  }
0x3c: {  	p2 =	seq.s32 s10, $0x1;
	s10 =	sld [smem:$0x3FB2]  }
0x3d: {  	_ =	shalt  }
0x3e: {  	_ =	shalt  }
0x3f: {  	_ =	shalt  }
0x40: {  	_ =	shalt  }
0x41: {  	_ =	shalt  }
0x42: {  	_ =	shalt  }
0x43: {  	_ =	shalt  }
0x44: {  	_ =	shalt  }
0x45: {  	_ =	shalt  }
0x46: {  	_ =	shalt  }
0x47: {  	_ =	shalt  }
0x48: {  	_ =	shalt  }
0x49: {  	_ =	shalt  }
0x4a: {  	_ =	shalt  }
0x4b: {  	_ =	shalt  }
0x4c: {  	_ =	shalt  }
0x4d: {  	_ =	shalt  }
0x4e: {  	_ =	shalt  }
0x4f: {  	_ =	shalt  }
0x50: {  	_ =	shalt  }
0x51: {  	_ =	shalt  }
0x52: {  	_ =	shalt  }
0x53: {  	_ =	shalt  }
0x54: {  	_ =	shalt  }
0x55: {  	_ =	shalt  }
0x56: {  	_ =	shalt  }
0x57: {  	_ =	shalt  }
0x58: {  	_ =	shalt  }
0x59: {  	_ =	shalt  }
0x5a: {  	_ =	shalt  }
0x5b: {  	_ =	shalt  }
0x5c: {  	_ =	shalt  }
0x5d: {  	_ =	shalt  }
0x5e: {  	_ =	shalt  }
0x5f: {  	_ =	shalt  }
0x60: {  	_ =	shalt  }
0x61: {  	_ =	shalt  }
0x62: {  	_ =	shalt  }
0x63: {  	_ =	shalt  }
0x64: {  	_ =	shalt  }
0x65: {  	_ =	shalt  }
0x66: {  	_ =	shalt  }
0x67: {  	_ =	shalt  }
0x68: {  	_ =	shalt  }
0x69: {  	_ =	shalt  }
0x6a: {  	_ =	shalt  }
0x6b: {  	_ =	shalt  }
0x6c: {  	_ =	shalt  }
0x6d: {  	_ =	shalt  }
0x6e: {  	_ =	shalt  }
0x6f: {  	_ =	shalt  }
0x70: {  	_ =	shalt  }
0x71: {  	_ =	shalt  }
0x72: {  	_ =	shalt  }
0x73: {  	_ =	shalt  }
0x74: {  	_ =	shalt  }
0x75: {  	_ =	shalt  }
0x76: {  	_ =	shalt  }
0x77: {  	_ =	shalt  }
0x78: {  	_ =	shalt  }
0x79: {  	_ =	shalt  }
0x7a: {  	_ =	shalt  }
0x7b: {  	_ =	shalt  }
0x7c: {  	_ =	shalt  }
0x7d: {  	_ =	shalt  }
0x7e: {  	_ =	shalt  }
0x7f: {  	_ =	shalt  }
0x80: {  	_ =	shalt  }
0x81: {  	_ =	shalt  }
0x82: {  	_ =	shalt  }
0x83: {  	_ =	shalt  }
0x84: {  	_ =	shalt  }
0x85: {  	_ =	shalt  }
0x86: {  	_ =	shalt  }
0x87: {  	_ =	shalt  }
.Lfunc_end0:
.L_simem_size_0:
called_computation_lowered:
.L_overlay_start_0:
0x88: {  	s2 =	sld [smem:$0x3FD9]  }
0x89: {  	s3 =	sld [smem:$0x3FFE];
	_ =	sdelay $0x1  }
0x8a: {  	s1 =	srdreg.scid  }
0x8b: {  	s0 =	sand.u32 $0x1, s1  }
0x8c: {  	s16 =	sshll.u32 s0, $0xA;
	s2 =	sadd.s32 s3, s2  }
0x8d: {  	s2 =	sadd.s32 s2, s16  }
0x8e: {  	[smem:$0x3FBE] =	sst s2  }
0x8f: {  	_ = 	snop  }
0x90: {  	(tm) =	ssettm $0x1  }
0x91: {  	s17 =	sld [smem:$0x3FFB];
	_ =	sdelay $0x3  }
0x92: {  	_ =	strace s17  }
0x93: {  	s2 =	sld [smem:$0x3FFC];
	_ =	sdelay $0x3  }
0x94: {  	_ =	strace s2  }
0x95: {  	s2 =	sld [smem:$0x3FFD];
	_ =	sdelay $0x3  }
0x96: {  	_ =	strace s2  }
0x97: {  	_ =	strace $0x8FFFFFFF  }
0x98: {  	s18 =	sld [smem:$0x3FDB];
	_ =	sdelay $0x1  }
0x99: {  	s19 =	simm.s32 $_scs_section_size  }
0x9a: {  	s4 =	simm.s32 $_size__tile_overlayer_lowered;
	s5 =	simm.s32 $_tile_overlayer_lowered  }
0x9b: {  	s22 =	simm.s32 $0x1BFF;
	s21 =	sshll.u32 s5, $0x1;
	s2 =	sadd.s32 s19, s18  }
0x9c: {  	s6 =	simm.s32 $0x0;
	s20 =	sshll.u32 s4, $0x1;
	s4 =	sadd.s32 s21, s2  }
0x9d: {  	[timem:s6], [sflag:s22] =	dma.local [hbm:s4], s20  }
0x9e: {  	_ =	swait.ge [sflag:s22], s20  }
0x9f: {  	s3 =	ssub.s32 $0x0, s20;
	[sflag:s22] =	ssyncset.done $0x0  }
0xa0: {  	[sflag:s22] =	ssyncadd.s32 s3;
	_ =	sdelay $0x1  }
0xa1: {  	s23 =	simm.s32 $0x1B8B  }
0xa2: {  	_ =	swait.ge [sflag:s23], $0x1  }
0xa3: {  	[sflag:s23] =	ssyncset.done $0x0  }
0xa4: {  	s25 =	simm.s32 $0x1B8E;
	s24 =	sld [smem:$0x3FFE];
	[sflag:s23] =	ssyncadd.s32 $0xFFFFFFFF  }
0xa5: {  	s26 =	simm.s32 $execute0_lowered;
	[smem:$0x3FD2] =	sst s25  }
0xa6: {  	s4 =	sshll.u32 s26, $0x1;
	_ =	strace $0x80000046;
	[dreg:$0x1] =	wrdreg $0xFFFFFFFF  }
0xa7: {  	s28 =	simm.s32 $_size_execute0_lowered;
	s2 =	sadd.s32 s2, s4;
	[dreg:$0x0] =	wrdreg $0x0  }
0xa8: {  	s4 =	sshll.u32 s28, $0x1;
	[dreg:$0x2] =	wrdreg s2  }
0xa9: {  	[dreg:$0x3] =	wrdreg s4  }
0xaa: {  	[dreg:$0x4] =	wrdreg $0xC0  }
0xab: {  	_ =	task [dreg:s6], $0x5FFFF  }
0xac: {  	[dreg:$0x1] =	wrdreg $0xFFFFFFFF  }
0xad: {  	[dreg:$0x0] =	wrdreg $0x60  }
0xae: {  	[dreg:$0x2] =	wrdreg s24  }
0xaf: {  	[dreg:$0x3] =	wrdreg $0xB0800  }
0xb0: {  	[dreg:$0x4] =	wrdreg $0x9  }
0xb1: {  	_ =	task.clear_ibuf [dreg:s6], $0x5FFFF;
	_ =	strace $0x90000046  }
0xb2: {  	s29 =	simm.s32 $0x9;
	_ =	strace $0x80000048  }
0xb3: {  	_ =	swait.ge [sflag:s29], $0x1  }
0xb4: {  	[sflag:s29] =	ssyncadd.s32 $0xFFFFFFFF  }
0xb5: {  	_ =	strace $0x90000048  }
0xb6: {  	_ =	sfence  }
0xb7: {  	s30 =	sld [smem:$0x0];
	_ =	sdelay $0x2  }
0xb8: {  	s31 =	sshll.u32 s1, $0xD;
	s1 =	sshrl.u32 s1, $0x2  }
0xb9: {  	s3 =	sand.u32 $0x4000, s31;
	s1 =	sadd.s32 s1, s30  }
0xba: {  	s0 =	sor.u32 s3, s0;
	s1 =	sshll.u32 s1, $0x11  }
0xbb: {  	s0 =	sor.u32 s1, s0  }
0xbc: {  	s0 =	sadd.s32 $0x8F2B, s0  }
0xbd: {  	[sflag:s0] =	ssyncadd.remote.s32 $0x1  }
0xbe: {  	_ =	sfence.sel $0xFFFF  }
0xbf: {  	[dreg:$0x0] =	wrdreg $0xFFFFFFFF;
	(pc) =	sbr.abs _section_cstart, $3  }
0xc0: {  	[dreg:$0x1] =	wrdreg $0xFFFFFFFF  }
0xc1: {  	_ =	task.clear_ibuf [dreg:s6], $0x2FFFF;
	_ =	strace $0x9FFFFFFF  }
0xc2: {  	(tm) =	ssettm $0x7FFFFFFF  }
0xc3: {  	_ =	shalt  }
tec
execute0_lowered:
.L_overlay_start_1:
0x0: {  	(tag) =	ssettag $0x1  }
0x1: {  	s0 =	rddreg [dreg:$0x0]  }
0x2: {  	s1 =	rddreg [dreg:$0x1];
	s2 =	srdreg.scid  }
0x3: {  	s3 =	simm.s32 $0x0;
	s13 =	stileid.u32;
	s2 =	sand.u32 $0x1, s2  }
0x4: {  	[smem:$0x7FF] =	sst s3;
	s7 =	smul.u32 $0xC800, s13;
	s4 =	sadd.s32 $0x15800, s0  }
0x5: {  	p0 =	seq.s32 s13, $0x0;
	s6 =	sshll.u32 s13, $0x6;
	s13 =	smul.u32 $0x32000, s13  }
0x6: {  	s8 =	sadd.s32 $0x1C00, s0;
	s9 =	sadd.s32 $0xBA00, s0;
	s5 =	smul.u32 $0xC8000, s2  }
0x7: {  	_ =	strace $0x80000047;
	s10 =	ssub.s32 $0x2, s2;
	s2 =	sshll.u32 s2, $0x5  }
0x8: {  	s11 =	sshrl.u32 s10, $0x1;
	s26 =	sor.u32 s2, s6;
	s5 =	sadd.s32 s7, s5  }
0x9: {  	s10 =	ssub.s32 s10, s11;
	s12 =	sadd.s32 s8, s26;
	s28 =	sor.u32 $0x400, s26  }
0xa: {  	s11 =	sadd.s32 s9, s26;
	s5 =	sshrl.u32 s5, $0x3;
	[dreg:$0x4] =	wrdreg s12  }
0xb: {  	[dreg:$0x5] =	wrdreg s11;
	s29 =	sadd.s32 s8, s28;
	s12 =	sadd.s32 s9, s28  }
0xc: {  	s14 =	smax.u32 s10, $0x1;
	s0 =	sadd.s32 s5, s0;
	[dreg:$0x6] =	wrdreg s29  }
0xd: {  	s5 =	simm.s32 $0x28;
	[dreg:$0x7] =	wrdreg s12;
	s12 =	sshrl.u32 s13, $0x2  }
0xe: {  	[dreg:$0x9] =	wrdreg s14;
	s5 =	simm.s32 @!p0 $0x27;
	s0 =	sadd.s32 $0x2E800, s0  }
0xf: {  	s12 =	sadd.s32 s12, s1;
	s30 =	sadd.s32 $0xFFFFFFFF, s5;
	[dreg:$0x8] =	wrdreg s0  }
0x10: {  	s15 =	sadd.s32 $0xC80, s12;
	[dreg:$0x3] =	wrdreg s30  }
0x11: {  	s16 =	sadd.s32 $0x1900, s12;
	[dreg:$0xa] =	wrdreg s15  }
0x12: {  	s17 =	sadd.s32 $0x2580, s12;
	[dreg:$0xb] =	wrdreg s16  }
0x13: {  	s18 =	sadd.s32 $0x3200, s12;
	[dreg:$0xc] =	wrdreg s17  }
0x14: {  	s19 =	sadd.s32 $0x3E80, s12;
	[dreg:$0xd] =	wrdreg s18  }
0x15: {  	s22 =	sadd.s32 s6, s8;
	s20 =	sadd.s32 $0x4B00, s12;
	[dreg:$0xe] =	wrdreg s19  }
0x16: {  	s24 =	sadd.s32 s6, s9;
	s21 =	sadd.s32 $0x5780, s12;
	[dreg:$0xf] =	wrdreg s20  }
0x17: {  	s22 =	sadd.s32 s2, s22;
	s23 =	sadd.s32 $0x6400, s12;
	[dreg:$0x10] =	wrdreg s21  }
0x18: {  	s13 =	sadd.s32 s7, s1;
	s25 =	sadd.s32 $0x7080, s12;
	[dreg:$0x11] =	wrdreg s23  }
0x19: {  	s9 =	simm.s32 $0xA400;
	s0 =	sshrl.u32 s13, $0x3;
	[dreg:$0x12] =	wrdreg s25  }
0x1a: {  	s10 =	simm.s32 $0x0;
	s26 =	sadd.s32 $0x7D00, s12;
	[dreg:$0x13] =	wrdreg s0  }
0x1b: {  	s7 =	simm.s32 $0x80;
	s28 =	sadd.s32 $0x8980, s12;
	[dreg:$0x14] =	wrdreg s26  }
0x1c: {  	s29 =	sadd.s32 $0x9600, s12;
	s31 =	sadd.s32 $0xAF00, s12;
	[dreg:$0x15] =	wrdreg s28  }
0x1d: {  	s23 =	sadd.s32 s2, s24;
	[dreg:$0x16] =	wrdreg s29;
	s30 =	sadd.s32 $0xA280, s12  }
0x1e: {  	v0 =	vimm.f32 $0.0e+00;
	s0 =	sadd.s32 $0xBB80, s12;
	s2 =	simm.s32 $0x3;
	[dreg:$0x17] =	wrdreg s30  }
.LBB2_1:
0x1f: {  	s8 =	rddreg [dreg:$0x4]  }
0x20: {  	[tilespmem:s3], [sflag:$0x3] =	stream.linear.gather [hbm4b:s8+s3], $0x100, $0x38;
	[tilespmem:$0x17880] =	vst v63  }
0x21: {  	_ =	swait.ge [sflag:s2], $0x100  }
0x22: {  	[sflag:s2] =	ssyncset.done $0x0  }
0x23: {  	s11 =	simm.s32 $0x200;
	s19 =	rddreg [dreg:$0x5];
	[sflag:s2] =	ssyncadd.s32 $0xFFFFFF00  }
0x24: {  	[tilespmem:s11], [sflag:$0x3] =	stream.linear.gather [hbm4b:s19+s3], $0x100, $0x38;
	[tilespmem:$0x17880] =	vst v63  }
0x25: {  	_ =	swait.ge [sflag:s2], $0x100  }
0x26: {  	[sflag:s2] =	ssyncset.done $0x0  }
0x27: {  	s20 =	simm.s32 $0x400;
	[sflag:s2] =	ssyncadd.s32 $0xFFFFFF00  }
0x28: {  	[tilespmem:s20], [sflag:$0x1] =	stream.indirect.gather [hbm4b:s4+s7], $0x50, s3, s7, $0xb8;
	[tilespmem:$0x17880] =	vst v63  }
0x29: {  	s21 =	simm.s32 $0x2C00  }
0x2a: {  	[tilespmem:s21], [sflag:$0x1] =	stream.indirect.gather [hbm4b:s4+s7], $0x50, s7, s7, $0xb8;
	[tilespmem:$0x17880] =	vst v63  }
0x2b: {  	s25 =	simm.s32 $0x100;
	s24 =	rddreg [dreg:$0x6]  }
0x2c: {  	[tilespmem:s25], [sflag:$0x3] =	stream.linear.gather [hbm4b:s24+s3], $0x100, $0x38;
	[tilespmem:$0x17880] =	vst v63  }
0x2d: {  	_ =	swait.ge [sflag:s2], $0x100  }
0x2e: {  	[sflag:s2] =	ssyncset.done $0x0  }
0x2f: {  	s13 =	simm.s32 $0x300;
	s26 =	rddreg [dreg:$0x7];
	[sflag:s2] =	ssyncadd.s32 $0xFFFFFF00  }
0x30: {  	[tilespmem:s13], [sflag:$0x3] =	stream.linear.gather [hbm4b:s26+s3], $0x100, $0x38;
	[tilespmem:$0x17880] =	vst v63  }
0x31: {  	_ =	swait.ge [sflag:s2], $0x100  }
0x32: {  	[sflag:s2] =	ssyncset.done $0x0  }
0x33: {  	s28 =	simm.s32 $0x5400;
	s29 =	simm.s32 $0x180;
	[sflag:s2] =	ssyncadd.s32 $0xFFFFFF00  }
0x34: {  	[tilespmem:s28], [sflag:$0x2] =	stream.indirect.gather [hbm4b:s4+s7], $0x50, s25, s7, $0xb8;
	[tilespmem:$0x17880] =	vst v63  }
0x35: {  	s30 =	simm.s32 $0x7C00;
	s8 =	simm.s32 $0x0;
	s11 =	simm.s32 $0x140  }
0x36: {  	[tilespmem:s30], [sflag:$0x2] =	stream.indirect.gather [hbm4b:s4+s7], $0x50, s29, s7, $0xb8;
	[tilespmem:$0x17880] =	vst v63  }
.LBB2_2:
0x37: {  	p0 =	sne.s32 s11, $0x30C0;
	[tilespmem:s8+$0xA440] =	vst v0;
	s13 =	smov.u32 s11;
	s11 =	sadd.s32 $0x140, s11  }
.Ltmp0:
0x38: {  	[tilespmem:s8+$0xA430] =	vst v0;
	(pc) =	sbr.rel @p0 .LBB2_2-.Ltmp0, $4  }
0x39: {  	[tilespmem:s8+$0xA420] =	vst v0  }
0x3a: {  	[tilespmem:s8+$0xA400] =	vst v0  }
0x3b: {  	[tilespmem:s8+$0xA410] =	vst v0  }
0x3c: {  	s8 =	sshra.s32 s13, $0x2  }
0x3d: {  	[tilespmem:s8+$0xA440] =	vst v0  }
0x3e: {  	[tilespmem:s8+$0xA430] =	vst v0  }
0x3f: {  	[tilespmem:s8+$0xA420] =	vst v0  }
0x40: {  	[tilespmem:s8+$0xA400] =	vst v0  }
0x41: {  	[tilespmem:s8+$0xA410] =	vst v0;
	s18 =	simm.s32 $0x3  }
0x42: {  	[spmem:s12] =	stream.linear.scatter [tilespmem:s9], [sflag:$0x3], $0xC80, $0x38;
	[tilespmem:$0x17880] =	vst v63  }
0x43: {  	_ =	swait.ge [sflag:s18], $0xC80  }
0x44: {  	[sflag:s18] =	ssyncset.done $0x0  }
0x45: {  	s30 =	rddreg [dreg:$0xa];
	[sflag:s18] =	ssyncadd.s32 $0xFFFFF380  }
0x46: {  	[spmem:s30] =	stream.linear.scatter [tilespmem:s9], [sflag:$0x3], $0xC80, $0x38;
	[tilespmem:$0x17880] =	vst v63  }
0x47: {  	_ =	swait.ge [sflag:s18], $0xC80  }
0x48: {  	[sflag:s18] =	ssyncset.done $0x0  }
0x49: {  	s11 =	rddreg [dreg:$0xb];
	[sflag:s18] =	ssyncadd.s32 $0xFFFFF380  }
0x4a: {  	[spmem:s11] =	stream.linear.scatter [tilespmem:s9], [sflag:$0x3], $0xC80, $0x38;
	[tilespmem:$0x17880] =	vst v63  }
0x4b: {  	_ =	swait.ge [sflag:s18], $0xC80  }
0x4c: {  	[sflag:s18] =	ssyncset.done $0x0  }
0x4d: {  	s13 =	rddreg [dreg:$0xc];
	[sflag:s18] =	ssyncadd.s32 $0xFFFFF380  }
0x4e: {  	[spmem:s13] =	stream.linear.scatter [tilespmem:s9], [sflag:$0x3], $0xC80, $0x38;
	[tilespmem:$0x17880] =	vst v63  }
0x4f: {  	_ =	swait.ge [sflag:s18], $0xC80  }
0x50: {  	[sflag:s18] =	ssyncset.done $0x0  }
0x51: {  	s14 =	rddreg [dreg:$0xd];
	[sflag:s18] =	ssyncadd.s32 $0xFFFFF380  }
0x52: {  	[spmem:s14] =	stream.linear.scatter [tilespmem:s9], [sflag:$0x3], $0xC80, $0x38;
	[tilespmem:$0x17880] =	vst v63  }
0x53: {  	_ =	swait.ge [sflag:s18], $0xC80  }
0x54: {  	[sflag:s18] =	ssyncset.done $0x0  }
0x55: {  	s15 =	rddreg [dreg:$0xe];
	[sflag:s18] =	ssyncadd.s32 $0xFFFFF380  }
0x56: {  	[spmem:s15] =	stream.linear.scatter [tilespmem:s9], [sflag:$0x3], $0xC80, $0x38;
	[tilespmem:$0x17880] =	vst v63  }
0x57: {  	_ =	swait.ge [sflag:s18], $0xC80  }
0x58: {  	[sflag:s18] =	ssyncset.done $0x0  }
0x59: {  	s16 =	rddreg [dreg:$0xf];
	[sflag:s18] =	ssyncadd.s32 $0xFFFFF380  }
0x5a: {  	[spmem:s16] =	stream.linear.scatter [tilespmem:s9], [sflag:$0x3], $0xC80, $0x38;
	[tilespmem:$0x17880] =	vst v63  }
0x5b: {  	_ =	swait.ge [sflag:s18], $0xC80  }
0x5c: {  	[sflag:s18] =	ssyncset.done $0x0  }
0x5d: {  	s17 =	rddreg [dreg:$0x10];
	[sflag:s18] =	ssyncadd.s32 $0xFFFFF380  }
0x5e: {  	[spmem:s17] =	stream.linear.scatter [tilespmem:s9], [sflag:$0x3], $0xC80, $0x38;
	[tilespmem:$0x17880] =	vst v63  }
0x5f: {  	_ =	swait.ge [sflag:s18], $0xC80  }
0x60: {  	[sflag:s18] =	ssyncset.done $0x0  }
0x61: {  	s19 =	rddreg [dreg:$0x11];
	[sflag:s18] =	ssyncadd.s32 $0xFFFFF380  }
0x62: {  	[spmem:s19] =	stream.linear.scatter [tilespmem:s9], [sflag:$0x3], $0xC80, $0x38;
	[tilespmem:$0x17880] =	vst v63  }
0x63: {  	_ =	swait.ge [sflag:s18], $0xC80  }
0x64: {  	[sflag:s18] =	ssyncset.done $0x0  }
0x65: {  	s20 =	rddreg [dreg:$0x12];
	[sflag:s18] =	ssyncadd.s32 $0xFFFFF380  }
0x66: {  	[spmem:s20] =	stream.linear.scatter [tilespmem:s9], [sflag:$0x3], $0xC80, $0x38;
	[tilespmem:$0x17880] =	vst v63  }
0x67: {  	_ =	swait.ge [sflag:s18], $0xC80  }
0x68: {  	[sflag:s18] =	ssyncset.done $0x0  }
0x69: {  	s21 =	rddreg [dreg:$0x14];
	[sflag:s18] =	ssyncadd.s32 $0xFFFFF380  }
0x6a: {  	[spmem:s21] =	stream.linear.scatter [tilespmem:s9], [sflag:$0x3], $0xC80, $0x38;
	[tilespmem:$0x17880] =	vst v63  }
0x6b: {  	_ =	swait.ge [sflag:s18], $0xC80  }
0x6c: {  	[sflag:s18] =	ssyncset.done $0x0  }
0x6d: {  	s24 =	rddreg [dreg:$0x15];
	[sflag:s18] =	ssyncadd.s32 $0xFFFFF380  }
0x6e: {  	[spmem:s24] =	stream.linear.scatter [tilespmem:s9], [sflag:$0x3], $0xC80, $0x38;
	[tilespmem:$0x17880] =	vst v63  }
0x6f: {  	_ =	swait.ge [sflag:s18], $0xC80  }
0x70: {  	[sflag:s18] =	ssyncset.done $0x0  }
0x71: {  	s25 =	rddreg [dreg:$0x16];
	[sflag:s18] =	ssyncadd.s32 $0xFFFFF380  }
0x72: {  	[spmem:s25] =	stream.linear.scatter [tilespmem:s9], [sflag:$0x3], $0xC80, $0x38;
	[tilespmem:$0x17880] =	vst v63  }
0x73: {  	_ =	swait.ge [sflag:s18], $0xC80  }
0x74: {  	[sflag:s18] =	ssyncset.done $0x0  }
0x75: {  	s26 =	rddreg [dreg:$0x17];
	[sflag:s18] =	ssyncadd.s32 $0xFFFFF380  }
0x76: {  	[spmem:s26] =	stream.linear.scatter [tilespmem:s9], [sflag:$0x3], $0xC80, $0x38;
	[tilespmem:$0x17880] =	vst v63  }
0x77: {  	_ =	swait.ge [sflag:s18], $0xC80  }
0x78: {  	[sflag:s18] =	ssyncset.done $0x0  }
0x79: {  	[sflag:s18] =	ssyncadd.s32 $0xFFFFF380  }
0x7a: {  	[spmem:s31] =	stream.linear.scatter [tilespmem:s9], [sflag:$0x3], $0xC80, $0x38;
	[tilespmem:$0x17880] =	vst v63  }
0x7b: {  	_ =	swait.ge [sflag:s18], $0xC80  }
0x7c: {  	[sflag:s18] =	ssyncset.done $0x0  }
0x7d: {  	[sflag:s18] =	ssyncadd.s32 $0xFFFFF380  }
0x7e: {  	[spmem:s0] =	stream.linear.scatter [tilespmem:s9], [sflag:$0x3], $0xC80, $0x38;
	[tilespmem:$0x17880] =	vst v63  }
0x7f: {  	_ =	swait.ge [sflag:s18], $0xC80  }
0x80: {  	[sflag:s18] =	ssyncset.done $0x0  }
0x81: {  	p0 =	sle.u32 s5, $0x0;
	[sflag:s18] =	ssyncadd.s32 $0xFFFFF380  }
0x82: {  	s8 =	simm.s32 @!p0 $0x1;
	p1 =	por p0, p0;
	[bflag:$0x0] =	sbarrier.arrive $0xFFFF  }
0x83: {  	_ =	swait.ge @!p1 [sflag:s8], $0x2800  }
0x84: {  	[sflag:s8] =	ssyncset.done @!p1 $0x0  }
0x85: {  	[sflag:s8] =	ssyncadd.s32 @!p1 $0xFFFFD800  }
0x86: {  	_ =	swait.ge @!p1 [sflag:s8], $0x2800  }
0x87: {  	s11 =	simm.s32 @!p1 $0x400;
	s13 =	simm.s32 @!p1 $0x3;
	[sflag:s8] =	ssyncset.done @!p1 $0x0  }
0x88: {  	s14 =	simm.s32 @!p1 $0x200;
	[sflag:s8] =	ssyncadd.s32 @!p1 $0xFFFFD800;
	s8 =	simm.s32 @!p1 $0x80  }
0x89: {  	[spmem:s1] =	stream.indirect.scatter.add.f32 @!p1 [tilespmem:s11], [sflag:$0x3], $0x50, s14, s8, $0xb8;
	[tilespmem:$0x17880] =	vst v63  }
0x8a: {  	p0 =	sle.u32 @!p0 s5, $0x2;
	_ =	swait.ge @!p1 [sflag:s13], $0x2800  }
0x8b: {  	p0 =	por p0, p0;
	[sflag:s13] =	ssyncset.done @!p1 $0x0  }
0x8c: {  	s11 =	simm.s32 @!p1 $0x280;
	s14 =	simm.s32 @!p1 $0x2C00;
	[sflag:s13] =	ssyncadd.s32 @!p1 $0xFFFFD800  }
0x8d: {  	[spmem:s1] =	stream.indirect.scatter.add.f32 @!p1 [tilespmem:s14], [sflag:$0x3], $0x50, s11, s8, $0xb8;
	[tilespmem:$0x17880] =	vst v63  }
0x8e: {  	p0 =	por p0, p1;
	s15 =	simm.s32 $0x800;
	_ =	swait.ge @!p1 [sflag:s13], $0x2800  }
0x8f: {  	s8 =	sadd.s32 @!p0 $0x0, s22;
	s14 =	simm.s32 @!p0 $0x3;
	[sflag:s13] =	ssyncset.done @!p1 $0x0  }
0x90: {  	s8 =	sadd.s32 @!p0 $0x800, s8;
	[sflag:s13] =	ssyncadd.s32 @!p1 $0xFFFFD800;
	s13 =	simm.s32 @!p0 $0x0  }
0x91: {  	[tilespmem:s13], [sflag:$0x3] =	stream.linear.gather @!p0 [hbm4b:s8+s13], $0x100, $0x38;
	[tilespmem:$0x17880] =	vst v63  }
0x92: {  	s16 =	simm.s32 $0x5;
	s17 =	simm.s32 @!p0 $0x400;
	_ =	swait.ge @!p0 [sflag:s14], $0x100  }
0x93: {  	s20 =	simm.s32 $0x0;
	s8 =	sadd.s32 @!p0 $0x0, s23;
	[sflag:s14] =	ssyncset.done @!p0 $0x0  }
0x94: {  	s11 =	simm.s32 @!p0 $0x200;
	s8 =	sadd.s32 @!p0 $0x800, s8;
	[sflag:s14] =	ssyncadd.s32 @!p0 $0xFFFFFF00  }
0x95: {  	[tilespmem:s11], [sflag:$0x3] =	stream.linear.gather @!p0 [hbm4b:s8+s13], $0x100, $0x38;
	[tilespmem:$0x17880] =	vst v63  }
0x96: {  	s21 =	simm.s32 $0x1800;
	p1 =	sle.u32 s5, $0x2;
	_ =	swait.ge @!p0 [sflag:s14], $0x100  }
0x97: {  	s19 =	simm.s32 @!p1 $0x1;
	[sflag:s14] =	ssyncset.done @!p0 $0x0;
	s30 =	rddreg [dreg:$0x3]  }
0x98: {  	[sflag:s14] =	ssyncadd.s32 @!p0 $0xFFFFFF00;
	s14 =	simm.s32 @!p0 $0x80;
	p4 =	sle.u32 s30, $0x0  }
0x99: {  	[tilespmem:s17], [sflag:$0x1] =	stream.indirect.gather @!p0 [hbm4b:s4+s14], $0x50, s13, s14, $0xb8;
	[tilespmem:$0x17880] =	vst v63  }
0x9a: {  	s11 =	simm.s32 $0x1000;
	s8 =	simm.s32 @!p0 $0x2C00;
	s28 =	simm.s32 @!p4 $0x2  }
0x9b: {  	[tilespmem:s8], [sflag:$0x1] =	stream.indirect.gather @!p0 [hbm4b:s4+s14], $0x50, s14, s14, $0xb8;
	[tilespmem:$0x17880] =	vst v63  }
0x9c: {  	s17 =	simm.s32 $0x2;
	s25 =	simm.s32 @!p4 $0x380;
	_ =	swait.ge @!p4 [sflag:s28], $0x2800  }
0x9d: {  	s26 =	simm.s32 @!p4 $0x7C00;
	s24 =	simm.s32 @!p4 $0x300;
	[sflag:s28] =	ssyncset.done @!p4 $0x0  }
0x9e: {  	s29 =	simm.s32 @!p4 $0x5400;
	s13 =	simm.s32 $0x7;
	[sflag:s28] =	ssyncadd.s32 @!p4 $0xFFFFD800  }
0x9f: {  	p0 =	sle.u32 @!p1 s5, $0x4;
	p1 =	por p1, p1;
	_ =	swait.ge @!p4 [sflag:s28], $0x2800  }
0xa0: {  	s8 =	simm.s32 @!p4 $0x80;
	s14 =	simm.s32 $0x4;
	[sflag:s28] =	ssyncset.done @!p4 $0x0  }
0xa1: {  	p0 =	por p0, p0;
	[sflag:s28] =	ssyncadd.s32 @!p4 $0xFFFFD800;
	s28 =	simm.s32 @!p4 $0x3  }
.LBB2_4:
0xa2: {  	[spmem:s1] =	stream.indirect.scatter.add.f32 @!p4 [tilespmem:s29], [sflag:$0x3], $0x50, s24, s8, $0xb8;
	[tilespmem:$0x17880] =	vst v63  }
0xa3: {  	_ =	swait.ge @!p4 [sflag:s28], $0x2800  }
0xa4: {  	p2 =	sge.u32 @!p4 s18, s5;
	[sflag:s28] =	ssyncset.done @!p4 $0x0  }
0xa5: {  	p5 =	por p2, p4;
	[sflag:s28] =	ssyncadd.s32 @!p4 $0xFFFFD800  }
0xa6: {  	[spmem:s1] =	stream.indirect.scatter.add.f32 @!p4 [tilespmem:s26], [sflag:$0x3], $0x50, s25, s8, $0xb8;
	[tilespmem:$0x17880] =	vst v63  }
0xa7: {  	s18 =	simm.s32 @!p5 $0x0;
	_ =	swait.ge @!p4 [sflag:s28], $0x2800  }
0xa8: {  	s30 =	simm.s32 @!p5 $0x100;
	s8 =	sadd.s32 @!p5 s20, s22;
	[sflag:s28] =	ssyncset.done @!p4 $0x0  }
0xa9: {  	s25 =	simm.s32 @!p5 $0x3;
	s8 =	sadd.s32 @!p5 $0xC00, s8;
	[sflag:s28] =	ssyncadd.s32 @!p4 $0xFFFFD800  }
0xaa: {  	[tilespmem:s30], [sflag:$0x3] =	stream.linear.gather @!p5 [hbm4b:s8+s18], $0x100, $0x38;
	[tilespmem:$0x17880] =	vst v63  }
0xab: {  	_ =	swait.ge @!p5 [sflag:s25], $0x100  }
0xac: {  	p3 =	sge.u32 s14, s5;
	s20 =	sadd.s32 @!p5 s20, s23;
	[sflag:s25] =	ssyncset.done @!p5 $0x0  }
0xad: {  	s26 =	sadd.s32 @!p5 $0xC00, s20;
	s28 =	simm.s32 @!p5 $0x300;
	[sflag:s25] =	ssyncadd.s32 @!p5 $0xFFFFFF00  }
0xae: {  	[tilespmem:s28], [sflag:$0x3] =	stream.linear.gather @!p5 [hbm4b:s26+s18], $0x100, $0x38;
	[tilespmem:$0x17880] =	vst v63  }
0xaf: {  	s8 =	sadd.s32 @!p3 $0xFFFFFFFF, s13;
	_ =	swait.ge @!p5 [sflag:s25], $0x100  }
0xb0: {  	p4 =	sge.u32 @!p3 s8, s5;
	[sflag:s25] =	ssyncset.done @!p5 $0x0  }
0xb1: {  	s8 =	simm.s32 @!p5 $0x80;
	s26 =	simm.s32 @!p5 $0x5400;
	[sflag:s25] =	ssyncadd.s32 @!p5 $0xFFFFFF00  }
0xb2: {  	[tilespmem:s26], [sflag:$0x2] =	stream.indirect.gather @!p5 [hbm4b:s4+s8], $0x50, s30, s8, $0xb8;
	[tilespmem:$0x17880] =	vst v63  }
0xb3: {  	s28 =	simm.s32 @!p5 $0x7C00;
	s25 =	simm.s32 @!p5 $0x180  }
0xb4: {  	[tilespmem:s28], [sflag:$0x2] =	stream.indirect.gather @!p5 [hbm4b:s4+s8], $0x50, s25, s8, $0xb8;
	[tilespmem:$0x17880] =	vst v63  }
0xb5: {  	_ =	swait.ge @!p1 [sflag:s19], $0x2800  }
0xb6: {  	[sflag:s19] =	ssyncset.done @!p1 $0x0  }
0xb7: {  	[sflag:s19] =	ssyncadd.s32 @!p1 $0xFFFFD800  }
0xb8: {  	_ =	swait.ge @!p1 [sflag:s19], $0x2800  }
0xb9: {  	s26 =	simm.s32 @!p1 $0x80;
	s8 =	simm.s32 @!p1 $0x400;
	[sflag:s19] =	ssyncset.done @!p1 $0x0  }
0xba: {  	s25 =	simm.s32 @!p1 $0x3;
	[sflag:s19] =	ssyncadd.s32 @!p1 $0xFFFFD800;
	s19 =	simm.s32 @!p1 $0x200  }
0xbb: {  	[spmem:s1] =	stream.indirect.scatter.add.f32 @!p1 [tilespmem:s8], [sflag:$0x3], $0x50, s19, s26, $0xb8;
	[tilespmem:$0x17880] =	vst v63  }
0xbc: {  	s29 =	smov.u32 s21;
	s24 =	simm.s32 @!p3 $0x1;
	_ =	swait.ge @!p1 [sflag:s25], $0x2800  }
0xbd: {  	s21 =	sadd.s32 $0x800, s21;
	s19 =	smov.u32 s24;
	[sflag:s25] =	ssyncset.done @!p1 $0x0  }
0xbe: {  	s8 =	simm.s32 @!p1 $0x280;
	s24 =	simm.s32 @!p1 $0x2C00;
	[sflag:s25] =	ssyncadd.s32 @!p1 $0xFFFFD800  }
0xbf: {  	[spmem:s1] =	stream.indirect.scatter.add.f32 @!p1 [tilespmem:s24], [sflag:$0x3], $0x50, s8, s26, $0xb8;
	[tilespmem:$0x17880] =	vst v63  }
0xc0: {  	s20 =	smov.u32 s15;
	p5 =	por p0, p1;
	_ =	swait.ge @!p1 [sflag:s25], $0x2800  }
0xc1: {  	s8 =	sadd.s32 @!p5 s20, s22;
	s24 =	simm.s32 @!p5 $0x3;
	[sflag:s25] =	ssyncset.done @!p1 $0x0  }
0xc2: {  	s8 =	sadd.s32 @!p5 $0x800, s8;
	[sflag:s25] =	ssyncadd.s32 @!p1 $0xFFFFD800;
	s25 =	simm.s32 @!p5 $0x0  }
0xc3: {  	[tilespmem:s25], [sflag:$0x3] =	stream.linear.gather @!p5 [hbm4b:s8+s25], $0x100, $0x38;
	[tilespmem:$0x17880] =	vst v63  }
0xc4: {  	p2 =	sne.s32 s21, $0xA000;
	_ =	swait.ge @!p5 [sflag:s24], $0x100  }
0xc5: {  	s15 =	smov.u32 s11;
	s8 =	sadd.s32 @!p5 s20, s23;
	[sflag:s24] =	ssyncset.done @!p5 $0x0  }
0xc6: {  	s26 =	simm.s32 @!p5 $0x200;
	s8 =	sadd.s32 @!p5 $0x800, s8;
	[sflag:s24] =	ssyncadd.s32 @!p5 $0xFFFFFF00  }
0xc7: {  	[tilespmem:s26], [sflag:$0x3] =	stream.linear.gather @!p5 [hbm4b:s8+s25], $0x100, $0x38;
	[tilespmem:$0x17880] =	vst v63  }
0xc8: {  	s11 =	smov.u32 s29;
	p0 =	por p4, p4;
	_ =	swait.ge @!p5 [sflag:s24], $0x100  }
0xc9: {  	s26 =	simm.s32 @!p5 $0x400;
	[sflag:s24] =	ssyncset.done @!p5 $0x0;
	s30 =	rddreg [dreg:$0x3]  }
0xca: {  	[sflag:s24] =	ssyncadd.s32 @!p5 $0xFFFFFF00;
	s24 =	simm.s32 @!p5 $0x80;
	p4 =	sge.u32 s17, s30  }
0xcb: {  	[tilespmem:s26], [sflag:$0x1] =	stream.indirect.gather @!p5 [hbm4b:s4+s24], $0x50, s25, s24, $0xb8;
	[tilespmem:$0x17880] =	vst v63  }
0xcc: {  	s18 =	smov.u32 s16;
	s25 =	simm.s32 @!p5 $0x2C00;
	s28 =	simm.s32 @!p4 $0x2  }
0xcd: {  	[tilespmem:s25], [sflag:$0x1] =	stream.indirect.gather @!p5 [hbm4b:s4+s24], $0x50, s24, s24, $0xb8;
	[tilespmem:$0x17880] =	vst v63  }
0xce: {  	s16 =	smov.u32 s13;
	s13 =	sadd.s32 $0x2, s13;
	_ =	swait.ge @!p4 [sflag:s28], $0x2800  }
.Ltmp1:
0xcf: {  	p1 =	por p3, p3;
	[sflag:s28] =	ssyncset.done @!p4 $0x0;
	(pc) =	sbr.rel @p2 .LBB2_4-.Ltmp1, $4  }
0xd0: {  	s17 =	smov.u32 s14;
	s14 =	sadd.s32 $0xFFFFFFFD, s13;
	[sflag:s28] =	ssyncadd.s32 @!p4 $0xFFFFD800  }
0xd1: {  	s26 =	simm.s32 @!p4 $0x7C00;
	s29 =	simm.s32 @!p4 $0x5400;
	_ =	swait.ge @!p4 [sflag:s28], $0x2800  }
0xd2: {  	s8 =	simm.s32 @!p4 $0x80;
	s25 =	simm.s32 @!p4 $0x380;
	[sflag:s28] =	ssyncset.done @!p4 $0x0  }
0xd3: {  	s24 =	simm.s32 @!p4 $0x300;
	[sflag:s28] =	ssyncadd.s32 @!p4 $0xFFFFD800;
	s28 =	simm.s32 @!p4 $0x3  }
0xd4: {  	[spmem:s1] =	stream.indirect.scatter.add.f32 @!p4 [tilespmem:s29], [sflag:$0x3], $0x50, s24, s8, $0xb8;
	[tilespmem:$0x17880] =	vst v63  }
0xd5: {  	_ =	swait.ge @!p4 [sflag:s28], $0x2800  }
0xd6: {  	p2 =	sge.u32 @!p4 s18, s5;
	[sflag:s28] =	ssyncset.done @!p4 $0x0  }
0xd7: {  	p2 =	por p2, p4;
	[sflag:s28] =	ssyncadd.s32 @!p4 $0xFFFFD800  }
0xd8: {  	[spmem:s1] =	stream.indirect.scatter.add.f32 @!p4 [tilespmem:s26], [sflag:$0x3], $0x50, s25, s8, $0xb8;
	[tilespmem:$0x17880] =	vst v63  }
0xd9: {  	s18 =	simm.s32 @!p2 $0x100;
	_ =	swait.ge @!p4 [sflag:s28], $0x2800  }
0xda: {  	s21 =	sadd.s32 @!p2 s20, s22;
	s24 =	simm.s32 @!p2 $0x3;
	[sflag:s28] =	ssyncset.done @!p4 $0x0  }
0xdb: {  	s21 =	sadd.s32 @!p2 $0xC00, s21;
	s8 =	simm.s32 @!p2 $0x0;
	[sflag:s28] =	ssyncadd.s32 @!p4 $0xFFFFD800  }
0xdc: {  	[tilespmem:s18], [sflag:$0x3] =	stream.linear.gather @!p2 [hbm4b:s21+s8], $0x100, $0x38;
	[tilespmem:$0x17880] =	vst v63  }
0xdd: {  	_ =	swait.ge @!p2 [sflag:s24], $0x100  }
0xde: {  	s20 =	sadd.s32 @!p2 s20, s23;
	[sflag:s24] =	ssyncset.done @!p2 $0x0  }
0xdf: {  	s20 =	sadd.s32 @!p2 $0xC00, s20;
	s21 =	simm.s32 @!p2 $0x300;
	[sflag:s24] =	ssyncadd.s32 @!p2 $0xFFFFFF00  }
0xe0: {  	[tilespmem:s21], [sflag:$0x3] =	stream.linear.gather @!p2 [hbm4b:s20+s8], $0x100, $0x38;
	[tilespmem:$0x17880] =	vst v63  }
0xe1: {  	_ =	swait.ge @!p2 [sflag:s24], $0x100  }
0xe2: {  	[sflag:s24] =	ssyncset.done @!p2 $0x0  }
0xe3: {  	s8 =	simm.s32 @!p2 $0x80;
	s20 =	simm.s32 @!p2 $0x5400;
	[sflag:s24] =	ssyncadd.s32 @!p2 $0xFFFFFF00  }
0xe4: {  	[tilespmem:s20], [sflag:$0x2] =	stream.indirect.gather @!p2 [hbm4b:s4+s8], $0x50, s18, s8, $0xb8;
	[tilespmem:$0x17880] =	vst v63  }
0xe5: {  	s18 =	simm.s32 @!p2 $0x180;
	s20 =	simm.s32 @!p2 $0x7C00  }
0xe6: {  	[tilespmem:s20], [sflag:$0x2] =	stream.indirect.gather @!p2 [hbm4b:s4+s8], $0x50, s18, s8, $0xb8;
	[tilespmem:$0x17880] =	vst v63  }
0xe7: {  	_ =	swait.ge @!p1 [sflag:s19], $0x2800  }
0xe8: {  	[sflag:s19] =	ssyncset.done @!p1 $0x0  }
0xe9: {  	[sflag:s19] =	ssyncadd.s32 @!p1 $0xFFFFD800  }
0xea: {  	_ =	swait.ge @!p1 [sflag:s19], $0x2800  }
0xeb: {  	s8 =	simm.s32 @!p1 $0x400;
	s18 =	simm.s32 @!p1 $0x3;
	[sflag:s19] =	ssyncset.done @!p1 $0x0  }
0xec: {  	s20 =	simm.s32 @!p1 $0x200;
	[sflag:s19] =	ssyncadd.s32 @!p1 $0xFFFFD800;
	s19 =	simm.s32 @!p1 $0x80  }
0xed: {  	[spmem:s1] =	stream.indirect.scatter.add.f32 @!p1 [tilespmem:s8], [sflag:$0x3], $0x50, s20, s19, $0xb8;
	[tilespmem:$0x17880] =	vst v63  }
0xee: {  	_ =	swait.ge @!p1 [sflag:s18], $0x2800  }
0xef: {  	[sflag:s18] =	ssyncset.done @!p1 $0x0  }
0xf0: {  	s8 =	simm.s32 @!p1 $0x280;
	s20 =	simm.s32 @!p1 $0x2C00;
	[sflag:s18] =	ssyncadd.s32 @!p1 $0xFFFFD800  }
0xf1: {  	[spmem:s1] =	stream.indirect.scatter.add.f32 @!p1 [tilespmem:s20], [sflag:$0x3], $0x50, s8, s19, $0xb8;
	[tilespmem:$0x17880] =	vst v63  }
0xf2: {  	p0 =	por p0, p1;
	_ =	swait.ge @!p1 [sflag:s18], $0x2800  }
0xf3: {  	s8 =	sadd.s32 @!p0 s15, s22;
	s19 =	simm.s32 @!p0 $0x3;
	[sflag:s18] =	ssyncset.done @!p1 $0x0  }
0xf4: {  	s8 =	sadd.s32 @!p0 $0x800, s8;
	[sflag:s18] =	ssyncadd.s32 @!p1 $0xFFFFD800;
	s18 =	simm.s32 @!p0 $0x0  }
0xf5: {  	[tilespmem:s18], [sflag:$0x3] =	stream.linear.gather @!p0 [hbm4b:s8+s18], $0x100, $0x38;
	[tilespmem:$0x17880] =	vst v63  }
0xf6: {  	_ =	swait.ge @!p0 [sflag:s19], $0x100  }
0xf7: {  	s8 =	sadd.s32 @!p0 s15, s23;
	[sflag:s19] =	ssyncset.done @!p0 $0x0  }
0xf8: {  	s20 =	simm.s32 @!p0 $0x200;
	s8 =	sadd.s32 @!p0 $0x800, s8;
	[sflag:s19] =	ssyncadd.s32 @!p0 $0xFFFFFF00  }
0xf9: {  	[tilespmem:s20], [sflag:$0x3] =	stream.linear.gather @!p0 [hbm4b:s8+s18], $0x100, $0x38;
	[tilespmem:$0x17880] =	vst v63  }
0xfa: {  	_ =	swait.ge @!p0 [sflag:s19], $0x100  }
0xfb: {  	s20 =	simm.s32 @!p0 $0x400;
	[sflag:s19] =	ssyncset.done @!p0 $0x0;
	s24 =	rddreg [dreg:$0x3]  }
0xfc: {  	[sflag:s19] =	ssyncadd.s32 @!p0 $0xFFFFFF00;
	s19 =	simm.s32 @!p0 $0x80;
	p1 =	sge.u32 s17, s24  }
0xfd: {  	[tilespmem:s20], [sflag:$0x1] =	stream.indirect.gather @!p0 [hbm4b:s4+s19], $0x50, s18, s19, $0xb8;
	[tilespmem:$0x17880] =	vst v63  }
0xfe: {  	s8 =	simm.s32 @!p0 $0x2C00;
	s17 =	simm.s32 @!p1 $0x2  }
0xff: {  	[tilespmem:s8], [sflag:$0x1] =	stream.indirect.gather @!p0 [hbm4b:s4+s19], $0x50, s19, s19, $0xb8;
	[tilespmem:$0x17880] =	vst v63  }
0x100: {  	_ =	swait.ge @!p1 [sflag:s17], $0x2800  }
0x101: {  	[sflag:s17] =	ssyncset.done @!p1 $0x0  }
0x102: {  	[sflag:s17] =	ssyncadd.s32 @!p1 $0xFFFFD800  }
0x103: {  	_ =	swait.ge @!p1 [sflag:s17], $0x2800  }
0x104: {  	s18 =	simm.s32 @!p1 $0x5400;
	s8 =	simm.s32 @!p1 $0x300;
	[sflag:s17] =	ssyncset.done @!p1 $0x0  }
0x105: {  	s19 =	simm.s32 @!p1 $0x80;
	[sflag:s17] =	ssyncadd.s32 @!p1 $0xFFFFD800;
	s17 =	simm.s32 @!p1 $0x3  }
0x106: {  	[spmem:s1] =	stream.indirect.scatter.add.f32 @!p1 [tilespmem:s18], [sflag:$0x3], $0x50, s8, s19, $0xb8;
	[tilespmem:$0x17880] =	vst v63  }
0x107: {  	_ =	swait.ge @!p1 [sflag:s17], $0x2800  }
0x108: {  	p0 =	sge.u32 @!p1 s16, s5;
	s16 =	simm.s32 @!p1 $0x7C00;
	[sflag:s17] =	ssyncset.done @!p1 $0x0  }
0x109: {  	p0 =	por p0, p1;
	s8 =	simm.s32 @!p1 $0x380;
	[sflag:s17] =	ssyncadd.s32 @!p1 $0xFFFFD800  }
0x10a: {  	[spmem:s1] =	stream.indirect.scatter.add.f32 @!p1 [tilespmem:s16], [sflag:$0x3], $0x50, s8, s19, $0xb8;
	[tilespmem:$0x17880] =	vst v63  }
0x10b: {  	s18 =	sadd.s32 @!p0 s15, s22;
	_ =	swait.ge @!p1 [sflag:s17], $0x2800  }
0x10c: {  	s18 =	sadd.s32 @!p0 $0xC00, s18;
	s8 =	simm.s32 @!p0 $0x0;
	[sflag:s17] =	ssyncset.done @!p1 $0x0  }
0x10d: {  	s16 =	simm.s32 @!p0 $0x100;
	s19 =	simm.s32 @!p0 $0x3;
	[sflag:s17] =	ssyncadd.s32 @!p1 $0xFFFFD800  }
0x10e: {  	[tilespmem:s16], [sflag:$0x3] =	stream.linear.gather @!p0 [hbm4b:s18+s8], $0x100, $0x38;
	[tilespmem:$0x17880] =	vst v63  }
0x10f: {  	_ =	swait.ge @!p0 [sflag:s19], $0x100  }
0x110: {  	s15 =	sadd.s32 @!p0 s15, s23;
	[sflag:s19] =	ssyncset.done @!p0 $0x0  }
0x111: {  	s15 =	sadd.s32 @!p0 $0xC00, s15;
	s17 =	simm.s32 @!p0 $0x300;
	[sflag:s19] =	ssyncadd.s32 @!p0 $0xFFFFFF00  }
0x112: {  	[tilespmem:s17], [sflag:$0x3] =	stream.linear.gather @!p0 [hbm4b:s15+s8], $0x100, $0x38;
	[tilespmem:$0x17880] =	vst v63  }
0x113: {  	p2 =	sge.u32 s14, s5;
	_ =	swait.ge @!p0 [sflag:s19], $0x100  }
0x114: {  	p1 =	por p2, p2;
	[sflag:s19] =	ssyncset.done @!p0 $0x0  }
0x115: {  	s15 =	simm.s32 @!p0 $0x80;
	s17 =	simm.s32 @!p0 $0x5400;
	[sflag:s19] =	ssyncadd.s32 @!p0 $0xFFFFFF00  }
0x116: {  	[tilespmem:s17], [sflag:$0x2] =	stream.indirect.gather @!p0 [hbm4b:s4+s15], $0x50, s16, s15, $0xb8;
	[tilespmem:$0x17880] =	vst v63  }
0x117: {  	s8 =	simm.s32 @!p2 $0x1;
	s16 =	simm.s32 @!p0 $0x180;
	s17 =	simm.s32 @!p0 $0x7C00  }
0x118: {  	[tilespmem:s17], [sflag:$0x2] =	stream.indirect.gather @!p0 [hbm4b:s4+s15], $0x50, s16, s15, $0xb8;
	[tilespmem:$0x17880] =	vst v63  }
0x119: {  	_ =	swait.ge @!p1 [sflag:s8], $0x2800  }
0x11a: {  	[sflag:s8] =	ssyncset.done @!p1 $0x0  }
0x11b: {  	[sflag:s8] =	ssyncadd.s32 @!p1 $0xFFFFD800  }
0x11c: {  	_ =	swait.ge @!p1 [sflag:s8], $0x2800  }
0x11d: {  	s18 =	simm.s32 @!p1 $0x200;
	s16 =	simm.s32 @!p1 $0x400;
	[sflag:s8] =	ssyncset.done @!p1 $0x0  }
0x11e: {  	s17 =	simm.s32 @!p1 $0x3;
	[sflag:s8] =	ssyncadd.s32 @!p1 $0xFFFFD800;
	s8 =	simm.s32 @!p1 $0x80  }
0x11f: {  	[spmem:s1] =	stream.indirect.scatter.add.f32 @!p1 [tilespmem:s16], [sflag:$0x3], $0x50, s18, s8, $0xb8;
	[tilespmem:$0x17880] =	vst v63  }
0x120: {  	s15 =	sadd.s32 @!p2 $0xFFFFFFFF, s13;
	_ =	swait.ge @!p1 [sflag:s17], $0x2800  }
0x121: {  	p0 =	sge.u32 @!p2 s15, s5;
	s15 =	simm.s32 @!p1 $0x280;
	[sflag:s17] =	ssyncset.done @!p1 $0x0  }
0x122: {  	p0 =	por p0, p0;
	s16 =	simm.s32 @!p1 $0x2C00;
	[sflag:s17] =	ssyncadd.s32 @!p1 $0xFFFFD800  }
0x123: {  	[spmem:s1] =	stream.indirect.scatter.add.f32 @!p1 [tilespmem:s16], [sflag:$0x3], $0x50, s15, s8, $0xb8;
	[tilespmem:$0x17880] =	vst v63  }
0x124: {  	p2 =	por p0, p1;
	_ =	swait.ge @!p1 [sflag:s17], $0x2800  }
0x125: {  	s8 =	sadd.s32 @!p2 s11, s22;
	s15 =	simm.s32 @!p2 $0x3;
	[sflag:s17] =	ssyncset.done @!p1 $0x0  }
0x126: {  	s16 =	simm.s32 @!p2 $0x0;
	s8 =	sadd.s32 @!p2 $0x800, s8;
	[sflag:s17] =	ssyncadd.s32 @!p1 $0xFFFFD800  }
0x127: {  	[tilespmem:s16], [sflag:$0x3] =	stream.linear.gather @!p2 [hbm4b:s8+s16], $0x100, $0x38;
	[tilespmem:$0x17880] =	vst v63  }
0x128: {  	_ =	swait.ge @!p2 [sflag:s15], $0x100  }
0x129: {  	s8 =	sadd.s32 @!p2 s11, s23;
	[sflag:s15] =	ssyncset.done @!p2 $0x0  }
0x12a: {  	s17 =	simm.s32 @!p2 $0x200;
	s8 =	sadd.s32 @!p2 $0x800, s8;
	[sflag:s15] =	ssyncadd.s32 @!p2 $0xFFFFFF00  }
0x12b: {  	[tilespmem:s17], [sflag:$0x3] =	stream.linear.gather @!p2 [hbm4b:s8+s16], $0x100, $0x38;
	[tilespmem:$0x17880] =	vst v63  }
0x12c: {  	_ =	swait.ge @!p2 [sflag:s15], $0x100  }
0x12d: {  	s17 =	simm.s32 @!p2 $0x400;
	[sflag:s15] =	ssyncset.done @!p2 $0x0;
	s25 =	rddreg [dreg:$0x3]  }
0x12e: {  	[sflag:s15] =	ssyncadd.s32 @!p2 $0xFFFFFF00;
	s15 =	simm.s32 @!p2 $0x80;
	p0 =	sge.u32 s14, s25  }
0x12f: {  	[tilespmem:s17], [sflag:$0x1] =	stream.indirect.gather @!p2 [hbm4b:s4+s15], $0x50, s16, s15, $0xb8;
	[tilespmem:$0x17880] =	vst v63  }
0x130: {  	s8 =	simm.s32 @!p2 $0x2C00;
	s14 =	simm.s32 @!p0 $0x2  }
0x131: {  	[tilespmem:s8], [sflag:$0x1] =	stream.indirect.gather @!p2 [hbm4b:s4+s15], $0x50, s15, s15, $0xb8;
	[tilespmem:$0x17880] =	vst v63  }
0x132: {  	_ =	swait.ge @!p0 [sflag:s14], $0x2800  }
0x133: {  	[sflag:s14] =	ssyncset.done @!p0 $0x0  }
0x134: {  	[sflag:s14] =	ssyncadd.s32 @!p0 $0xFFFFD800  }
0x135: {  	_ =	swait.ge @!p0 [sflag:s14], $0x2800  }
0x136: {  	s16 =	simm.s32 @!p0 $0x80;
	s8 =	simm.s32 @!p0 $0x300;
	[sflag:s14] =	ssyncset.done @!p0 $0x0  }
0x137: {  	s15 =	simm.s32 @!p0 $0x5400;
	[sflag:s14] =	ssyncadd.s32 @!p0 $0xFFFFD800;
	s14 =	simm.s32 @!p0 $0x3  }
0x138: {  	[spmem:s1] =	stream.indirect.scatter.add.f32 @!p0 [tilespmem:s15], [sflag:$0x3], $0x50, s8, s16, $0xb8;
	[tilespmem:$0x17880] =	vst v63  }
0x139: {  	_ =	swait.ge @!p0 [sflag:s14], $0x2800  }
0x13a: {  	p1 =	sge.u32 @!p0 s13, s5;
	s13 =	simm.s32 @!p0 $0x7C00;
	[sflag:s14] =	ssyncset.done @!p0 $0x0  }
0x13b: {  	p1 =	por p1, p0;
	s8 =	simm.s32 @!p0 $0x380;
	[sflag:s14] =	ssyncadd.s32 @!p0 $0xFFFFD800  }
0x13c: {  	[spmem:s1] =	stream.indirect.scatter.add.f32 @!p0 [tilespmem:s13], [sflag:$0x3], $0x50, s8, s16, $0xb8;
	[tilespmem:$0x17880] =	vst v63  }
0x13d: {  	s15 =	sadd.s32 @!p1 s11, s22;
	_ =	swait.ge @!p0 [sflag:s14], $0x2800  }
0x13e: {  	s15 =	sadd.s32 @!p1 $0xC00, s15;
	s8 =	simm.s32 @!p1 $0x0;
	[sflag:s14] =	ssyncset.done @!p0 $0x0  }
0x13f: {  	s13 =	simm.s32 @!p1 $0x100;
	s16 =	simm.s32 @!p1 $0x3;
	[sflag:s14] =	ssyncadd.s32 @!p0 $0xFFFFD800  }
0x140: {  	[tilespmem:s13], [sflag:$0x3] =	stream.linear.gather @!p1 [hbm4b:s15+s8], $0x100, $0x38;
	[tilespmem:$0x17880] =	vst v63  }
0x141: {  	_ =	swait.ge @!p1 [sflag:s16], $0x100  }
0x142: {  	s11 =	sadd.s32 @!p1 s11, s23;
	[sflag:s16] =	ssyncset.done @!p1 $0x0  }
0x143: {  	s11 =	sadd.s32 @!p1 $0xC00, s11;
	s14 =	simm.s32 @!p1 $0x300;
	[sflag:s16] =	ssyncadd.s32 @!p1 $0xFFFFFF00  }
0x144: {  	[tilespmem:s14], [sflag:$0x3] =	stream.linear.gather @!p1 [hbm4b:s11+s8], $0x100, $0x38;
	[tilespmem:$0x17880] =	vst v63  }
0x145: {  	_ =	swait.ge @!p1 [sflag:s16], $0x100  }
0x146: {  	[sflag:s16] =	ssyncset.done @!p1 $0x0  }
0x147: {  	s8 =	simm.s32 @!p1 $0x80;
	s11 =	simm.s32 @!p1 $0x5400;
	[sflag:s16] =	ssyncadd.s32 @!p1 $0xFFFFFF00  }
0x148: {  	[tilespmem:s11], [sflag:$0x2] =	stream.indirect.gather @!p1 [hbm4b:s4+s8], $0x50, s13, s8, $0xb8;
	[tilespmem:$0x17880] =	vst v63  }
0x149: {  	s11 =	simm.s32 @!p1 $0x180;
	s13 =	simm.s32 @!p1 $0x7C00  }
0x14a: {  	[tilespmem:s13], [sflag:$0x2] =	stream.indirect.gather @!p1 [hbm4b:s4+s8], $0x50, s11, s8, $0xb8;
	[tilespmem:$0x17880] =	vst v63  }
0x14b: {  	[bflag:$0x0] =	sbarrier.arrive $0xFFFF  }
0x14c: {  	s28 =	rddreg [dreg:$0x8]  }
0x14d: {  	s26 =	sor.u32 $0x1C03, s6;
	s29 =	rddreg [dreg:$0x13]  }
0x14e: {  	[hbm:s28], [sflag:s26] =	dma.local [spmem:s29], $0x1900  }
0x14f: {  	_ =	swait.ge [sflag:s2], $0x1900  }
0x150: {  	s10 =	sadd.s32 $0x1, s10;
	s30 =	rddreg [dreg:$0x9]  }
0x151: {  	p0 =	sne.s32 s10, s30  }
.Ltmp2:
0x152: {  	_ = 	snop;
	(pc) =	sbr.rel @p0 .LBB2_1-.Ltmp2, $3  }
0x153: {  	_ =	sdelay $0x1  }
0x154: {  	[sflag:s2] =	ssyncset.done $0x0  }
0x155: {  	[sflag:s2] =	ssyncadd.s32 $0xFFFFE700  }
0x156: {  	_ =	sfence.sel $0x180000  }
0x157: {  	[bflag:$0x0] =	sbarrier.arrive $0xFFFF  }
0x158: {  	_ =	strace $0x90000047  }
0x159: {  	s0 =	stileid.u32;
	[bflag:$0x2] =	sbarrier.arrive $0xFFFF  }
0x15a: {  	p0 =	sne.s32 s0, $0x0;
	s0 =	rddreg [dreg:$0x2]  }
0x15b: {  	s0 =	sadd.s32 @!p0 $0x100000, s0  }
0x15c: {  	[sflag:s0] =	ssyncadd.tile.s32 @!p0 $0x1;
	_ =	shalt  }
.Lfunc_end2:
_tile_overlayer_lowered:
.L_overlay_start_2:
0x15d: {  	(tag) =	ssettag $0x2  }
0x15e: {  	s0 =	rddreg [dreg:$0x0];
	s2 =	stileid.u32  }
0x15f: {  	s1 =	rddreg [dreg:$0x1];
	p0 =	sne.s32 s2, $0x0  }
0x160: {  	s3 =	rddreg [dreg:$0x2];
	[bflag:$0x3] =	sbarrier.arrive $0xFFFF;
	s2 =	simm.s32 @!p0 $0x1C03  }
0x161: {  	[timem:s3], [sflag:s2] =	dma.local @!p0 [hbm:s0], s1  }
0x162: {  	s0 =	simm.s32 @!p0 $0x3  }
0x163: {  	_ =	swait.ge @!p0 [sflag:s0], s1  }
0x164: {  	s1 =	ssub.s32 @!p0 $0x0, s1;
	[sflag:s0] =	ssyncset.done @!p0 $0x0  }
0x165: {  	[sflag:s0] =	ssyncadd.s32 @!p0 s1  }
0x166: {  	[bflag:$0x3] =	sbarrier.arrive $0xFFFF  }
0x167: {  	_ =	shalt  }

</sc_bundles>
